<compile_context>
chip_gen: v7x
topology: tpu7x:2x2x1
jax: 0.10.2.dev20260603
libtpu: 0.0.44.dev20260713+nightly
codegen_flags: <defaults>
</compile_context>

<pallas_src>
import functools

import jax
import jax.numpy as jnp
from jax import lax
from jax.experimental import pallas as pl
from jax.experimental.pallas import tpu as pltpu
from jax.experimental.pallas import tpu_sc as plsc

D_EMB = 128
NUM_WORKERS = 32
CHUNK = 80
U = 5


def _bond_encode_sc(codes0, codes1, codes2, table, E, n1, n2):
    per_w = E // NUM_WORKERS
    n_bodies = per_w // (CHUNK * U)
    mesh = plsc.VectorSubcoreMesh(core_axis_name="c", subcore_axis_name="s")

    scratch = (
        [pltpu.VMEM((U, CHUNK), jnp.int32) for _ in range(3)]
        + [pltpu.VMEM((U, CHUNK), jnp.int32)]
        + [pltpu.VMEM((U, CHUNK, D_EMB), jnp.float32)]
        + [pltpu.VMEM_SHARED((16 * 60, D_EMB), jnp.float32)]
        + [pltpu.SemaphoreType.DMA for _ in range(3 * U + 1)]
    )

    @functools.partial(
        pl.kernel,
        mesh=mesh,
        out_type=jax.ShapeDtypeStruct((E, D_EMB), jnp.float32),
        scratch_types=scratch,
    )
    def k(c0_h, c1_h, c2_h, s_h, out_h, a0_v, a1_v, a2_v, idx_v, rows_v, s_v, *sems):
        sem_in = sems[0:U]
        sem_g = sems[U:2 * U]
        sem_cp = sems[2 * U:3 * U]
        sid = lax.axis_index("s")
        wid = sid * 2 + lax.axis_index("c")
        base_w = wid * per_w
        pltpu.async_copy(s_h, s_v.at[pl.ds(sid * 60, 60)], sems[3 * U]).wait()
        plsc.subcore_barrier()

        def fire_in(base, u):
            for h, v in ((c0_h, a0_v), (c1_h, a1_v), (c2_h, a2_v)):
                pltpu.async_copy(h.at[pl.ds(base, CHUNK)], v.at[u], sem_in[u])

        def absorb_in(u):
            for h, v in ((c0_h, a0_v), (c1_h, a1_v), (c2_h, a2_v)):
                pltpu.make_async_copy(h.at[pl.ds(0, CHUNK)], v.at[u], sem_in[u]).wait()

        for u in range(U):
            fire_in(base_w + u * CHUNK, u)

        def body(bi, carry):
            base0 = base_w + bi * (CHUNK * U)
            gs = []
            for u in range(U):
                absorb_in(u)
                off = sid * 60
                for i in range(CHUNK // 16):
                    s = pl.ds(i * 16, 16)
                    idx_v[u, s] = (a0_v[u, s] * (n1 * n2) + a1_v[u, s] * n2
                                   + a2_v[u, s] + off)

                @pl.when(bi != n_bodies - 1)
                def _():
                    fire_in(base0 + (U + u) * CHUNK, u)

                @pl.when(bi != 0)
                def _():
                    pltpu.make_async_copy(
                        rows_v.at[u], out_h.at[pl.ds(0, CHUNK)], sem_cp[u]).wait()

                gs.append(pltpu.async_copy(
                    s_v.at[idx_v.at[u]], rows_v.at[u], sem_g[u]))
            for u in range(U):
                gs[u].wait()
                pltpu.async_copy(
                    rows_v.at[u], out_h.at[pl.ds(base0 + u * CHUNK, CHUNK)],
                    sem_cp[u])
            return carry

        lax.fori_loop(0, n_bodies, body, 0)
        for u in range(U):
            pltpu.make_async_copy(
                rows_v.at[u], out_h.at[pl.ds(0, CHUNK)], sem_cp[u]).wait()

    return k(codes0, codes1, codes2, table)


def kernel(edge_attr, W0, W1, W2):
    E = edge_attr.shape[0]
    n0, n1, n2 = W0.shape[0], W1.shape[0], W2.shape[0]
    table = (W0[:, None, None, :] + W1[None, :, None, :]
             + W2[None, None, :, :]).reshape(n0 * n1 * n2, D_EMB)
    return _bond_encode_sc(edge_attr[:, 0], edge_attr[:, 1], edge_attr[:, 2],
                           table, E, n1, n2)

# --- scband reference (transcript-rebuilt; emitter-appended) ---
"""Pipeline reference for scband-bond-encoder-60215441490061 (READ-ONLY COPY).

The authoritative reference and input builder live on the scoring server;
editing this copy changes nothing except your own understanding.
"""

import jax, jax.numpy as jnp
import numpy as np

BOND_FEAT_DIM = [5, 6, 2]
D_EMB = 128
E = 320000


def setup_inputs(seed: int = 0) -> dict:
    key = jax.random.key(seed)
    edge_attr = jax.random.randint(jax.random.fold_in(key, 100), (E, 3), 0, 2, dtype=jnp.int32)
    tables = {}
    for i, dim in enumerate(BOND_FEAT_DIM):
        bound = float(np.sqrt(6.0 / (dim + D_EMB)))  # xavier_uniform
        tables[f"W{i}"] = jax.random.uniform(
            jax.random.fold_in(key, i), (dim, D_EMB),
            minval=-bound, maxval=bound, dtype=jnp.float32)
    return {"edge_attr": edge_attr, **tables}


def reference(edge_attr, W0, W1, W2):
    bond_embeddings = jnp.zeros((edge_attr.shape[0], D_EMB), dtype=jnp.float32)
    for i, W in enumerate([W0, W1, W2]):
        bond_embeddings = bond_embeddings + jnp.take(W, edge_attr[:, i], axis=0)
    return bond_embeddings

if __name__ == "__main__":
    import jax
    _d = setup_inputs()
    print(jax.jit(kernel)(*tuple(_d.values())))

</pallas_src>

<mosaic_0001>
#map = affine_map<(d0, d1) -> (0)>
#map1 = affine_map<(d0, d1) -> (0, 0)>
module attributes {stable_mosaic.version = 14 : i64} {
  func.func @k(%arg0: i32, %arg1: i32, %arg2: memref<320000xi32, #tpu.memory_space<hbm>>, %arg3: memref<320000xi32, #tpu.memory_space<hbm>>, %arg4: memref<320000xi32, #tpu.memory_space<hbm>>, %arg5: memref<60x128xf32, #tpu.memory_space<hbm>>, %arg6: memref<320000x128xf32, #tpu.memory_space<hbm>>, %arg7: memref<5x80xi32, #tpu.memory_space<vmem>>, %arg8: memref<5x80xi32, #tpu.memory_space<vmem>>, %arg9: memref<5x80xi32, #tpu.memory_space<vmem>>, %arg10: memref<5x80xi32, #tpu.memory_space<vmem>>, %arg11: memref<5x80x128xf32, #tpu.memory_space<vmem>>, %arg12: memref<960x128xf32, #tpu.memory_space<vmem_shared>>, %arg13: memref<!tpu.dma_semaphore, #tpu.memory_space<semaphore_mem>>, %arg14: memref<!tpu.dma_semaphore, #tpu.memory_space<semaphore_mem>>, %arg15: memref<!tpu.dma_semaphore, #tpu.memory_space<semaphore_mem>>, %arg16: memref<!tpu.dma_semaphore, #tpu.memory_space<semaphore_mem>>, %arg17: memref<!tpu.dma_semaphore, #tpu.memory_space<semaphore_mem>>, %arg18: memref<!tpu.dma_semaphore, #tpu.memory_space<semaphore_mem>>, %arg19: memref<!tpu.dma_semaphore, #tpu.memory_space<semaphore_mem>>, %arg20: memref<!tpu.dma_semaphore, #tpu.memory_space<semaphore_mem>>, %arg21: memref<!tpu.dma_semaphore, #tpu.memory_space<semaphore_mem>>, %arg22: memref<!tpu.dma_semaphore, #tpu.memory_space<semaphore_mem>>, %arg23: memref<!tpu.dma_semaphore, #tpu.memory_space<semaphore_mem>>, %arg24: memref<!tpu.dma_semaphore, #tpu.memory_space<semaphore_mem>>, %arg25: memref<!tpu.dma_semaphore, #tpu.memory_space<semaphore_mem>>, %arg26: memref<!tpu.dma_semaphore, #tpu.memory_space<semaphore_mem>>, %arg27: memref<!tpu.dma_semaphore, #tpu.memory_space<semaphore_mem>>, %arg28: memref<!tpu.dma_semaphore, #tpu.memory_space<semaphore_mem>>) attributes {dimension_semantics = [#tpu.dimension_semantics<core_parallel>, #tpu.dimension_semantics<subcore_parallel>], iteration_bounds = array<i64: 2, 16>, scalar_prefetch = 0 : i64, scratch_operands = 22 : i64, tpu.core_type = #tpu.core_type<sc_vector_subcore>, window_params = [{transform_indices = #map}, {transform_indices = #map}, {transform_indices = #map}, {transform_indices = #map1}, {transform_indices = #map1}]} {
    %mul3A = arith.constant 2 : i32
    %mul3A_0 = arith.muli %arg1, %mul3A : i32
    %add3A = arith.addi %mul3A_0, %arg0 : i32
    %mul3A_1 = arith.constant 10000 : i32
    %mul3A_2 = arith.muli %add3A, %mul3A_1 : i32
    %mul3A_3 = arith.constant 60 : i32
    %mul3A_4 = arith.muli %arg1, %mul3A_3 : i32
    %dma_start3A = arith.constant 0 : i32
    %dma_start3A_5 = tpu.memref_slice %arg12[%mul3A_4, %dma_start3A] : memref<960x128xf32, #tpu.memory_space<vmem_shared>> -> memref<60x128xf32, #tpu.memory_space<vmem_shared>>
    tpu.enqueue_dma source(%arg5 : memref<60x128xf32, #tpu.memory_space<hbm>>) target(%dma_start3A_5 : memref<60x128xf32, #tpu.memory_space<vmem_shared>>) target_semaphore(%arg28 : memref<!tpu.dma_semaphore, #tpu.memory_space<semaphore_mem>>)
    %dma_wait3A = arith.constant 0 : i32
    %dma_wait3A_6 = tpu.memref_slice %arg12[%mul3A_4, %dma_wait3A] : memref<960x128xf32, #tpu.memory_space<vmem_shared>> -> memref<60x128xf32, #tpu.memory_space<vmem_shared>>
    tpu.wait_dma2 semaphore(%arg28 : memref<!tpu.dma_semaphore, #tpu.memory_space<semaphore_mem>>) src(%arg5 : memref<60x128xf32, #tpu.memory_space<hbm>>) dst(%dma_wait3A_6 : memref<60x128xf32, #tpu.memory_space<vmem_shared>>)
    %barrier3A = arith.constant 0 : index
    tpu.barrier barrier_id(%barrier3A)
    %add3A_7 = arith.constant 0 : i32
    %add3A_8 = arith.addi %mul3A_2, %add3A_7 : i32
    %dma_start3A_9 = arith.constant 0 : i32
    %dma_start3A_10 = arith.constant 0 : i32
    %dma_start3A_11 = tpu.memref_slice %arg7[%dma_start3A_9, %dma_start3A_10] : memref<5x80xi32, #tpu.memory_space<vmem>> -> memref<1x80xi32, #tpu.memory_space<vmem>>
    %dma_start3A_12 = tpu.memref_squeeze %dma_start3A_11 : memref<1x80xi32, #tpu.memory_space<vmem>> -> memref<80xi32, #tpu.memory_space<vmem>>
    %dma_start3A_13 = tpu.memref_slice %arg2[%add3A_8] : memref<320000xi32, #tpu.memory_space<hbm>> -> memref<80xi32, #tpu.memory_space<hbm>>
    %dma_start3A_14 = arith.constant 0 : i32
    %dma_start3A_15 = tpu.memref_slice %arg7[%dma_start3A_9, %dma_start3A_14] : memref<5x80xi32, #tpu.memory_space<vmem>> -> memref<1x80xi32, #tpu.memory_space<vmem>>
    %dma_start3A_16 = tpu.memref_squeeze %dma_start3A_15 : memref<1x80xi32, #tpu.memory_space<vmem>> -> memref<80xi32, #tpu.memory_space<vmem>>
    %dma_start3A_17 = tpu.memref_slice %arg2[%add3A_8] : memref<320000xi32, #tpu.memory_space<hbm>> -> memref<80xi32, #tpu.memory_space<hbm>>
    tpu.enqueue_dma source(%dma_start3A_17 : memref<80xi32, #tpu.memory_space<hbm>>) target(%dma_start3A_16 : memref<80xi32, #tpu.memory_space<vmem>>) target_semaphore(%arg13 : memref<!tpu.dma_semaphore, #tpu.memory_space<semaphore_mem>>)
    %dma_start3A_18 = arith.constant 0 : i32
    %dma_start3A_19 = arith.constant 0 : i32
    %dma_start3A_20 = tpu.memref_slice %arg8[%dma_start3A_18, %dma_start3A_19] : memref<5x80xi32, #tpu.memory_space<vmem>> -> memref<1x80xi32, #tpu.memory_space<vmem>>
    %dma_start3A_21 = tpu.memref_squeeze %dma_start3A_20 : memref<1x80xi32, #tpu.memory_space<vmem>> -> memref<80xi32, #tpu.memory_space<vmem>>
    %dma_start3A_22 = tpu.memref_slice %arg3[%add3A_8] : memref<320000xi32, #tpu.memory_space<hbm>> -> memref<80xi32, #tpu.memory_space<hbm>>
    %dma_start3A_23 = arith.constant 0 : i32
    %dma_start3A_24 = tpu.memref_slice %arg8[%dma_start3A_18, %dma_start3A_23] : memref<5x80xi32, #tpu.memory_space<vmem>> -> memref<1x80xi32, #tpu.memory_space<vmem>>
    %dma_start3A_25 = tpu.memref_squeeze %dma_start3A_24 : memref<1x80xi32, #tpu.memory_space<vmem>> -> memref<80xi32, #tpu.memory_space<vmem>>
    %dma_start3A_26 = tpu.memref_slice %arg3[%add3A_8] : memref<320000xi32, #tpu.memory_space<hbm>> -> memref<80xi32, #tpu.memory_space<hbm>>
    tpu.enqueue_dma source(%dma_start3A_26 : memref<80xi32, #tpu.memory_space<hbm>>) target(%dma_start3A_25 : memref<80xi32, #tpu.memory_space<vmem>>) target_semaphore(%arg13 : memref<!tpu.dma_semaphore, #tpu.memory_space<semaphore_mem>>)
    %dma_start3A_27 = arith.constant 0 : i32
    %dma_start3A_28 = arith.constant 0 : i32
    %dma_start3A_29 = tpu.memref_slice %arg9[%dma_start3A_27, %dma_start3A_28] : memref<5x80xi32, #tpu.memory_space<vmem>> -> memref<1x80xi32, #tpu.memory_space<vmem>>
    %dma_start3A_30 = tpu.memref_squeeze %dma_start3A_29 : memref<1x80xi32, #tpu.memory_space<vmem>> -> memref<80xi32, #tpu.memory_space<vmem>>
    %dma_start3A_31 = tpu.memref_slice %arg4[%add3A_8] : memref<320000xi32, #tpu.memory_space<hbm>> -> memref<80xi32, #tpu.memory_space<hbm>>
    %dma_start3A_32 = arith.constant 0 : i32
    %dma_start3A_33 = tpu.memref_slice %arg9[%dma_start3A_27, %dma_start3A_32] : memref<5x80xi32, #tpu.memory_space<vmem>> -> memref<1x80xi32, #tpu.memory_space<vmem>>
    %dma_start3A_34 = tpu.memref_squeeze %dma_start3A_33 : memref<1x80xi32, #tpu.memory_space<vmem>> -> memref<80xi32, #tpu.memory_space<vmem>>
    %dma_start3A_35 = tpu.memref_slice %arg4[%add3A_8] : memref<320000xi32, #tpu.memory_space<hbm>> -> memref<80xi32, #tpu.memory_space<hbm>>
    tpu.enqueue_dma source(%dma_start3A_35 : memref<80xi32, #tpu.memory_space<hbm>>) target(%dma_start3A_34 : memref<80xi32, #tpu.memory_space<vmem>>) target_semaphore(%arg13 : memref<!tpu.dma_semaphore, #tpu.memory_space<semaphore_mem>>)
    %add3A_36 = arith.constant 80 : i32
    %add3A_37 = arith.addi %mul3A_2, %add3A_36 : i32
    %dma_start3A_38 = arith.constant 1 : i32
    %dma_start3A_39 = arith.constant 0 : i32
    %dma_start3A_40 = tpu.memref_slice %arg7[%dma_start3A_38, %dma_start3A_39] : memref<5x80xi32, #tpu.memory_space<vmem>> -> memref<1x80xi32, #tpu.memory_space<vmem>>
    %dma_start3A_41 = tpu.memref_squeeze %dma_start3A_40 : memref<1x80xi32, #tpu.memory_space<vmem>> -> memref<80xi32, #tpu.memory_space<vmem>>
    %dma_start3A_42 = tpu.memref_slice %arg2[%add3A_37] : memref<320000xi32, #tpu.memory_space<hbm>> -> memref<80xi32, #tpu.memory_space<hbm>>
    %dma_start3A_43 = arith.constant 0 : i32
    %dma_start3A_44 = tpu.memref_slice %arg7[%dma_start3A_38, %dma_start3A_43] : memref<5x80xi32, #tpu.memory_space<vmem>> -> memref<1x80xi32, #tpu.memory_space<vmem>>
    %dma_start3A_45 = tpu.memref_squeeze %dma_start3A_44 : memref<1x80xi32, #tpu.memory_space<vmem>> -> memref<80xi32, #tpu.memory_space<vmem>>
    %dma_start3A_46 = tpu.memref_slice %arg2[%add3A_37] : memref<320000xi32, #tpu.memory_space<hbm>> -> memref<80xi32, #tpu.memory_space<hbm>>
    tpu.enqueue_dma source(%dma_start3A_46 : memref<80xi32, #tpu.memory_space<hbm>>) target(%dma_start3A_45 : memref<80xi32, #tpu.memory_space<vmem>>) target_semaphore(%arg14 : memref<!tpu.dma_semaphore, #tpu.memory_space<semaphore_mem>>)
    %dma_start3A_47 = arith.constant 1 : i32
    %dma_start3A_48 = arith.constant 0 : i32
    %dma_start3A_49 = tpu.memref_slice %arg8[%dma_start3A_47, %dma_start3A_48] : memref<5x80xi32, #tpu.memory_space<vmem>> -> memref<1x80xi32, #tpu.memory_space<vmem>>
    %dma_start3A_50 = tpu.memref_squeeze %dma_start3A_49 : memref<1x80xi32, #tpu.memory_space<vmem>> -> memref<80xi32, #tpu.memory_space<vmem>>
    %dma_start3A_51 = tpu.memref_slice %arg3[%add3A_37] : memref<320000xi32, #tpu.memory_space<hbm>> -> memref<80xi32, #tpu.memory_space<hbm>>
    %dma_start3A_52 = arith.constant 0 : i32
    %dma_start3A_53 = tpu.memref_slice %arg8[%dma_start3A_47, %dma_start3A_52] : memref<5x80xi32, #tpu.memory_space<vmem>> -> memref<1x80xi32, #tpu.memory_space<vmem>>
    %dma_start3A_54 = tpu.memref_squeeze %dma_start3A_53 : memref<1x80xi32, #tpu.memory_space<vmem>> -> memref<80xi32, #tpu.memory_space<vmem>>
    %dma_start3A_55 = tpu.memref_slice %arg3[%add3A_37] : memref<320000xi32, #tpu.memory_space<hbm>> -> memref<80xi32, #tpu.memory_space<hbm>>
    tpu.enqueue_dma source(%dma_start3A_55 : memref<80xi32, #tpu.memory_space<hbm>>) target(%dma_start3A_54 : memref<80xi32, #tpu.memory_space<vmem>>) target_semaphore(%arg14 : memref<!tpu.dma_semaphore, #tpu.memory_space<semaphore_mem>>)
    %dma_start3A_56 = arith.constant 1 : i32
    %dma_start3A_57 = arith.constant 0 : i32
    %dma_start3A_58 = tpu.memref_slice %arg9[%dma_start3A_56, %dma_start3A_57] : memref<5x80xi32, #tpu.memory_space<vmem>> -> memref<1x80xi32, #tpu.memory_space<vmem>>
    %dma_start3A_59 = tpu.memref_squeeze %dma_start3A_58 : memref<1x80xi32, #tpu.memory_space<vmem>> -> memref<80xi32, #tpu.memory_space<vmem>>
    %dma_start3A_60 = tpu.memref_slice %arg4[%add3A_37] : memref<320000xi32, #tpu.memory_space<hbm>> -> memref<80xi32, #tpu.memory_space<hbm>>
    %dma_start3A_61 = arith.constant 0 : i32
    %dma_start3A_62 = tpu.memref_slice %arg9[%dma_start3A_56, %dma_start3A_61] : memref<5x80xi32, #tpu.memory_space<vmem>> -> memref<1x80xi32, #tpu.memory_space<vmem>>
    %dma_start3A_63 = tpu.memref_squeeze %dma_start3A_62 : memref<1x80xi32, #tpu.memory_space<vmem>> -> memref<80xi32, #tpu.memory_space<vmem>>
    %dma_start3A_64 = tpu.memref_slice %arg4[%add3A_37] : memref<320000xi32, #tpu.memory_space<hbm>> -> memref<80xi32, #tpu.memory_space<hbm>>
    tpu.enqueue_dma source(%dma_start3A_64 : memref<80xi32, #tpu.memory_space<hbm>>) target(%dma_start3A_63 : memref<80xi32, #tpu.memory_space<vmem>>) target_semaphore(%arg14 : memref<!tpu.dma_semaphore, #tpu.memory_space<semaphore_mem>>)
    %add3A_65 = arith.constant 160 : i32
    %add3A_66 = arith.addi %mul3A_2, %add3A_65 : i32
    %dma_start3A_67 = arith.constant 2 : i32
    %dma_start3A_68 = arith.constant 0 : i32
    %dma_start3A_69 = tpu.memref_slice %arg7[%dma_start3A_67, %dma_start3A_68] : memref<5x80xi32, #tpu.memory_space<vmem>> -> memref<1x80xi32, #tpu.memory_space<vmem>>
    %dma_start3A_70 = tpu.memref_squeeze %dma_start3A_69 : memref<1x80xi32, #tpu.memory_space<vmem>> -> memref<80xi32, #tpu.memory_space<vmem>>
    %dma_start3A_71 = tpu.memref_slice %arg2[%add3A_66] : memref<320000xi32, #tpu.memory_space<hbm>> -> memref<80xi32, #tpu.memory_space<hbm>>
    %dma_start3A_72 = arith.constant 0 : i32
    %dma_start3A_73 = tpu.memref_slice %arg7[%dma_start3A_67, %dma_start3A_72] : memref<5x80xi32, #tpu.memory_space<vmem>> -> memref<1x80xi32, #tpu.memory_space<vmem>>
    %dma_start3A_74 = tpu.memref_squeeze %dma_start3A_73 : memref<1x80xi32, #tpu.memory_space<vmem>> -> memref<80xi32, #tpu.memory_space<vmem>>
    %dma_start3A_75 = tpu.memref_slice %arg2[%add3A_66] : memref<320000xi32, #tpu.memory_space<hbm>> -> memref<80xi32, #tpu.memory_space<hbm>>
    tpu.enqueue_dma source(%dma_start3A_75 : memref<80xi32, #tpu.memory_space<hbm>>) target(%dma_start3A_74 : memref<80xi32, #tpu.memory_space<vmem>>) target_semaphore(%arg15 : memref<!tpu.dma_semaphore, #tpu.memory_space<semaphore_mem>>)
    %dma_start3A_76 = arith.constant 2 : i32
    %dma_start3A_77 = arith.constant 0 : i32
    %dma_start3A_78 = tpu.memref_slice %arg8[%dma_start3A_76, %dma_start3A_77] : memref<5x80xi32, #tpu.memory_space<vmem>> -> memref<1x80xi32, #tpu.memory_space<vmem>>
    %dma_start3A_79 = tpu.memref_squeeze %dma_start3A_78 : memref<1x80xi32, #tpu.memory_space<vmem>> -> memref<80xi32, #tpu.memory_space<vmem>>
    %dma_start3A_80 = tpu.memref_slice %arg3[%add3A_66] : memref<320000xi32, #tpu.memory_space<hbm>> -> memref<80xi32, #tpu.memory_space<hbm>>
    %dma_start3A_81 = arith.constant 0 : i32
    %dma_start3A_82 = tpu.memref_slice %arg8[%dma_start3A_76, %dma_start3A_81] : memref<5x80xi32, #tpu.memory_space<vmem>> -> memref<1x80xi32, #tpu.memory_space<vmem>>
    %dma_start3A_83 = tpu.memref_squeeze %dma_start3A_82 : memref<1x80xi32, #tpu.memory_space<vmem>> -> memref<80xi32, #tpu.memory_space<vmem>>
    %dma_start3A_84 = tpu.memref_slice %arg3[%add3A_66] : memref<320000xi32, #tpu.memory_space<hbm>> -> memref<80xi32, #tpu.memory_space<hbm>>
    tpu.enqueue_dma source(%dma_start3A_84 : memref<80xi32, #tpu.memory_space<hbm>>) target(%dma_start3A_83 : memref<80xi32, #tpu.memory_space<vmem>>) target_semaphore(%arg15 : memref<!tpu.dma_semaphore, #tpu.memory_space<semaphore_mem>>)
    %dma_start3A_85 = arith.constant 2 : i32
    %dma_start3A_86 = arith.constant 0 : i32
    %dma_start3A_87 = tpu.memref_slice %arg9[%dma_start3A_85, %dma_start3A_86] : memref<5x80xi32, #tpu.memory_space<vmem>> -> memref<1x80xi32, #tpu.memory_space<vmem>>
    %dma_start3A_88 = tpu.memref_squeeze %dma_start3A_87 : memref<1x80xi32, #tpu.memory_space<vmem>> -> memref<80xi32, #tpu.memory_space<vmem>>
    %dma_start3A_89 = tpu.memref_slice %arg4[%add3A_66] : memref<320000xi32, #tpu.memory_space<hbm>> -> memref<80xi32, #tpu.memory_space<hbm>>
    %dma_start3A_90 = arith.constant 0 : i32
    %dma_start3A_91 = tpu.memref_slice %arg9[%dma_start3A_85, %dma_start3A_90] : memref<5x80xi32, #tpu.memory_space<vmem>> -> memref<1x80xi32, #tpu.memory_space<vmem>>
    %dma_start3A_92 = tpu.memref_squeeze %dma_start3A_91 : memref<1x80xi32, #tpu.memory_space<vmem>> -> memref<80xi32, #tpu.memory_space<vmem>>
    %dma_start3A_93 = tpu.memref_slice %arg4[%add3A_66] : memref<320000xi32, #tpu.memory_space<hbm>> -> memref<80xi32, #tpu.memory_space<hbm>>
    tpu.enqueue_dma source(%dma_start3A_93 : memref<80xi32, #tpu.memory_space<hbm>>) target(%dma_start3A_92 : memref<80xi32, #tpu.memory_space<vmem>>) target_semaphore(%arg15 : memref<!tpu.dma_semaphore, #tpu.memory_space<semaphore_mem>>)
    %add3A_94 = arith.constant 240 : i32
    %add3A_95 = arith.addi %mul3A_2, %add3A_94 : i32
    %dma_start3A_96 = arith.constant 3 : i32
    %dma_start3A_97 = arith.constant 0 : i32
    %dma_start3A_98 = tpu.memref_slice %arg7[%dma_start3A_96, %dma_start3A_97] : memref<5x80xi32, #tpu.memory_space<vmem>> -> memref<1x80xi32, #tpu.memory_space<vmem>>
    %dma_start3A_99 = tpu.memref_squeeze %dma_start3A_98 : memref<1x80xi32, #tpu.memory_space<vmem>> -> memref<80xi32, #tpu.memory_space<vmem>>
    %dma_start3A_100 = tpu.memref_slice %arg2[%add3A_95] : memref<320000xi32, #tpu.memory_space<hbm>> -> memref<80xi32, #tpu.memory_space<hbm>>
    %dma_start3A_101 = arith.constant 0 : i32
    %dma_start3A_102 = tpu.memref_slice %arg7[%dma_start3A_96, %dma_start3A_101] : memref<5x80xi32, #tpu.memory_space<vmem>> -> memref<1x80xi32, #tpu.memory_space<vmem>>
    %dma_start3A_103 = tpu.memref_squeeze %dma_start3A_102 : memref<1x80xi32, #tpu.memory_space<vmem>> -> memref<80xi32, #tpu.memory_space<vmem>>
    %dma_start3A_104 = tpu.memref_slice %arg2[%add3A_95] : memref<320000xi32, #tpu.memory_space<hbm>> -> memref<80xi32, #tpu.memory_space<hbm>>
    tpu.enqueue_dma source(%dma_start3A_104 : memref<80xi32, #tpu.memory_space<hbm>>) target(%dma_start3A_103 : memref<80xi32, #tpu.memory_space<vmem>>) target_semaphore(%arg16 : memref<!tpu.dma_semaphore, #tpu.memory_space<semaphore_mem>>)
    %dma_start3A_105 = arith.constant 3 : i32
    %dma_start3A_106 = arith.constant 0 : i32
    %dma_start3A_107 = tpu.memref_slice %arg8[%dma_start3A_105, %dma_start3A_106] : memref<5x80xi32, #tpu.memory_space<vmem>> -> memref<1x80xi32, #tpu.memory_space<vmem>>
    %dma_start3A_108 = tpu.memref_squeeze %dma_start3A_107 : memref<1x80xi32, #tpu.memory_space<vmem>> -> memref<80xi32, #tpu.memory_space<vmem>>
    %dma_start3A_109 = tpu.memref_slice %arg3[%add3A_95] : memref<320000xi32, #tpu.memory_space<hbm>> -> memref<80xi32, #tpu.memory_space<hbm>>
    %dma_start3A_110 = arith.constant 0 : i32
    %dma_start3A_111 = tpu.memref_slice %arg8[%dma_start3A_105, %dma_start3A_110] : memref<5x80xi32, #tpu.memory_space<vmem>> -> memref<1x80xi32, #tpu.memory_space<vmem>>
    %dma_start3A_112 = tpu.memref_squeeze %dma_start3A_111 : memref<1x80xi32, #tpu.memory_space<vmem>> -> memref<80xi32, #tpu.memory_space<vmem>>
    %dma_start3A_113 = tpu.memref_slice %arg3[%add3A_95] : memref<320000xi32, #tpu.memory_space<hbm>> -> memref<80xi32, #tpu.memory_space<hbm>>
    tpu.enqueue_dma source(%dma_start3A_113 : memref<80xi32, #tpu.memory_space<hbm>>) target(%dma_start3A_112 : memref<80xi32, #tpu.memory_space<vmem>>) target_semaphore(%arg16 : memref<!tpu.dma_semaphore, #tpu.memory_space<semaphore_mem>>)
    %dma_start3A_114 = arith.constant 3 : i32
    %dma_start3A_115 = arith.constant 0 : i32
    %dma_start3A_116 = tpu.memref_slice %arg9[%dma_start3A_114, %dma_start3A_115] : memref<5x80xi32, #tpu.memory_space<vmem>> -> memref<1x80xi32, #tpu.memory_space<vmem>>
    %dma_start3A_117 = tpu.memref_squeeze %dma_start3A_116 : memref<1x80xi32, #tpu.memory_space<vmem>> -> memref<80xi32, #tpu.memory_space<vmem>>
    %dma_start3A_118 = tpu.memref_slice %arg4[%add3A_95] : memref<320000xi32, #tpu.memory_space<hbm>> -> memref<80xi32, #tpu.memory_space<hbm>>
    %dma_start3A_119 = arith.constant 0 : i32
    %dma_start3A_120 = tpu.memref_slice %arg9[%dma_start3A_114, %dma_start3A_119] : memref<5x80xi32, #tpu.memory_space<vmem>> -> memref<1x80xi32, #tpu.memory_space<vmem>>
    %dma_start3A_121 = tpu.memref_squeeze %dma_start3A_120 : memref<1x80xi32, #tpu.memory_space<vmem>> -> memref<80xi32, #tpu.memory_space<vmem>>
    %dma_start3A_122 = tpu.memref_slice %arg4[%add3A_95] : memref<320000xi32, #tpu.memory_space<hbm>> -> memref<80xi32, #tpu.memory_space<hbm>>
    tpu.enqueue_dma source(%dma_start3A_122 : memref<80xi32, #tpu.memory_space<hbm>>) target(%dma_start3A_121 : memref<80xi32, #tpu.memory_space<vmem>>) target_semaphore(%arg16 : memref<!tpu.dma_semaphore, #tpu.memory_space<semaphore_mem>>)
    %add3A_123 = arith.constant 320 : i32
    %add3A_124 = arith.addi %mul3A_2, %add3A_123 : i32
    %dma_start3A_125 = arith.constant 4 : i32
    %dma_start3A_126 = arith.constant 0 : i32
    %dma_start3A_127 = tpu.memref_slice %arg7[%dma_start3A_125, %dma_start3A_126] : memref<5x80xi32, #tpu.memory_space<vmem>> -> memref<1x80xi32, #tpu.memory_space<vmem>>
    %dma_start3A_128 = tpu.memref_squeeze %dma_start3A_127 : memref<1x80xi32, #tpu.memory_space<vmem>> -> memref<80xi32, #tpu.memory_space<vmem>>
    %dma_start3A_129 = tpu.memref_slice %arg2[%add3A_124] : memref<320000xi32, #tpu.memory_space<hbm>> -> memref<80xi32, #tpu.memory_space<hbm>>
    %dma_start3A_130 = arith.constant 0 : i32
    %dma_start3A_131 = tpu.memref_slice %arg7[%dma_start3A_125, %dma_start3A_130] : memref<5x80xi32, #tpu.memory_space<vmem>> -> memref<1x80xi32, #tpu.memory_space<vmem>>
    %dma_start3A_132 = tpu.memref_squeeze %dma_start3A_131 : memref<1x80xi32, #tpu.memory_space<vmem>> -> memref<80xi32, #tpu.memory_space<vmem>>
    %dma_start3A_133 = tpu.memref_slice %arg2[%add3A_124] : memref<320000xi32, #tpu.memory_space<hbm>> -> memref<80xi32, #tpu.memory_space<hbm>>
    tpu.enqueue_dma source(%dma_start3A_133 : memref<80xi32, #tpu.memory_space<hbm>>) target(%dma_start3A_132 : memref<80xi32, #tpu.memory_space<vmem>>) target_semaphore(%arg17 : memref<!tpu.dma_semaphore, #tpu.memory_space<semaphore_mem>>)
    %dma_start3A_134 = arith.constant 4 : i32
    %dma_start3A_135 = arith.constant 0 : i32
    %dma_start3A_136 = tpu.memref_slice %arg8[%dma_start3A_134, %dma_start3A_135] : memref<5x80xi32, #tpu.memory_space<vmem>> -> memref<1x80xi32, #tpu.memory_space<vmem>>
    %dma_start3A_137 = tpu.memref_squeeze %dma_start3A_136 : memref<1x80xi32, #tpu.memory_space<vmem>> -> memref<80xi32, #tpu.memory_space<vmem>>
    %dma_start3A_138 = tpu.memref_slice %arg3[%add3A_124] : memref<320000xi32, #tpu.memory_space<hbm>> -> memref<80xi32, #tpu.memory_space<hbm>>
    %dma_start3A_139 = arith.constant 0 : i32
    %dma_start3A_140 = tpu.memref_slice %arg8[%dma_start3A_134, %dma_start3A_139] : memref<5x80xi32, #tpu.memory_space<vmem>> -> memref<1x80xi32, #tpu.memory_space<vmem>>
    %dma_start3A_141 = tpu.memref_squeeze %dma_start3A_140 : memref<1x80xi32, #tpu.memory_space<vmem>> -> memref<80xi32, #tpu.memory_space<vmem>>
    %dma_start3A_142 = tpu.memref_slice %arg3[%add3A_124] : memref<320000xi32, #tpu.memory_space<hbm>> -> memref<80xi32, #tpu.memory_space<hbm>>
    tpu.enqueue_dma source(%dma_start3A_142 : memref<80xi32, #tpu.memory_space<hbm>>) target(%dma_start3A_141 : memref<80xi32, #tpu.memory_space<vmem>>) target_semaphore(%arg17 : memref<!tpu.dma_semaphore, #tpu.memory_space<semaphore_mem>>)
    %dma_start3A_143 = arith.constant 4 : i32
    %dma_start3A_144 = arith.constant 0 : i32
    %dma_start3A_145 = tpu.memref_slice %arg9[%dma_start3A_143, %dma_start3A_144] : memref<5x80xi32, #tpu.memory_space<vmem>> -> memref<1x80xi32, #tpu.memory_space<vmem>>
    %dma_start3A_146 = tpu.memref_squeeze %dma_start3A_145 : memref<1x80xi32, #tpu.memory_space<vmem>> -> memref<80xi32, #tpu.memory_space<vmem>>
    %dma_start3A_147 = tpu.memref_slice %arg4[%add3A_124] : memref<320000xi32, #tpu.memory_space<hbm>> -> memref<80xi32, #tpu.memory_space<hbm>>
    %dma_start3A_148 = arith.constant 0 : i32
    %dma_start3A_149 = tpu.memref_slice %arg9[%dma_start3A_143, %dma_start3A_148] : memref<5x80xi32, #tpu.memory_space<vmem>> -> memref<1x80xi32, #tpu.memory_space<vmem>>
    %dma_start3A_150 = tpu.memref_squeeze %dma_start3A_149 : memref<1x80xi32, #tpu.memory_space<vmem>> -> memref<80xi32, #tpu.memory_space<vmem>>
    %dma_start3A_151 = tpu.memref_slice %arg4[%add3A_124] : memref<320000xi32, #tpu.memory_space<hbm>> -> memref<80xi32, #tpu.memory_space<hbm>>
    tpu.enqueue_dma source(%dma_start3A_151 : memref<80xi32, #tpu.memory_space<hbm>>) target(%dma_start3A_150 : memref<80xi32, #tpu.memory_space<vmem>>) target_semaphore(%arg17 : memref<!tpu.dma_semaphore, #tpu.memory_space<semaphore_mem>>)
    %scan3A = arith.constant 0 : i32
    %scan3A_152 = arith.constant 0 : i32
    %scan3A_153 = arith.constant 25 : i32
    %scan3A_154 = arith.addi %scan3A_152, %scan3A_153 : i32
    %scan3A_155 = arith.constant 1 : i32
    scf.for %scan3A_232 = %scan3A_152 to %scan3A_154 step %scan3A_155  : i32 {
      %mul3A_233 = arith.constant 400 : i32
      %mul3A_234 = arith.muli %scan3A_232, %mul3A_233 : i32
      %add3A_235 = arith.addi %mul3A_2, %mul3A_234 : i32
      %dma_wait3A_236 = arith.constant 0 : i32
      %dma_wait3A_237 = arith.constant 0 : i32
      %dma_wait3A_238 = tpu.memref_slice %arg7[%dma_wait3A_236, %dma_wait3A_237] : memref<5x80xi32, #tpu.memory_space<vmem>> -> memref<1x80xi32, #tpu.memory_space<vmem>>
      %dma_wait3A_239 = tpu.memref_squeeze %dma_wait3A_238 : memref<1x80xi32, #tpu.memory_space<vmem>> -> memref<80xi32, #tpu.memory_space<vmem>>
      %dma_wait3A_240 = arith.constant 0 : i32
      %dma_wait3A_241 = tpu.memref_slice %arg2[%dma_wait3A_240] : memref<320000xi32, #tpu.memory_space<hbm>> -> memref<80xi32, #tpu.memory_space<hbm>>
      %dma_wait3A_242 = arith.constant 0 : i32
      %dma_wait3A_243 = tpu.memref_slice %arg7[%dma_wait3A_236, %dma_wait3A_242] : memref<5x80xi32, #tpu.memory_space<vmem>> -> memref<1x80xi32, #tpu.memory_space<vmem>>
      %dma_wait3A_244 = tpu.memref_squeeze %dma_wait3A_243 : memref<1x80xi32, #tpu.memory_space<vmem>> -> memref<80xi32, #tpu.memory_space<vmem>>
      %dma_wait3A_245 = arith.constant 0 : i32
      %dma_wait3A_246 = tpu.memref_slice %arg2[%dma_wait3A_245] : memref<320000xi32, #tpu.memory_space<hbm>> -> memref<80xi32, #tpu.memory_space<hbm>>
      tpu.wait_dma2 semaphore(%arg13 : memref<!tpu.dma_semaphore, #tpu.memory_space<semaphore_mem>>) src(%dma_wait3A_246 : memref<80xi32, #tpu.memory_space<hbm>>) dst(%dma_wait3A_244 : memref<80xi32, #tpu.memory_space<vmem>>)
      %dma_wait3A_247 = arith.constant 0 : i32
      %dma_wait3A_248 = arith.constant 0 : i32
      %dma_wait3A_249 = tpu.memref_slice %arg8[%dma_wait3A_247, %dma_wait3A_248] : memref<5x80xi32, #tpu.memory_space<vmem>> -> memref<1x80xi32, #tpu.memory_space<vmem>>
      %dma_wait3A_250 = tpu.memref_squeeze %dma_wait3A_249 : memref<1x80xi32, #tpu.memory_space<vmem>> -> memref<80xi32, #tpu.memory_space<vmem>>
      %dma_wait3A_251 = arith.constant 0 : i32
      %dma_wait3A_252 = tpu.memref_slice %arg3[%dma_wait3A_251] : memref<320000xi32, #tpu.memory_space<hbm>> -> memref<80xi32, #tpu.memory_space<hbm>>
      %dma_wait3A_253 = arith.constant 0 : i32
      %dma_wait3A_254 = tpu.memref_slice %arg8[%dma_wait3A_247, %dma_wait3A_253] : memref<5x80xi32, #tpu.memory_space<vmem>> -> memref<1x80xi32, #tpu.memory_space<vmem>>
      %dma_wait3A_255 = tpu.memref_squeeze %dma_wait3A_254 : memref<1x80xi32, #tpu.memory_space<vmem>> -> memref<80xi32, #tpu.memory_space<vmem>>
      %dma_wait3A_256 = arith.constant 0 : i32
      %dma_wait3A_257 = tpu.memref_slice %arg3[%dma_wait3A_256] : memref<320000xi32, #tpu.memory_space<hbm>> -> memref<80xi32, #tpu.memory_space<hbm>>
      tpu.wait_dma2 semaphore(%arg13 : memref<!tpu.dma_semaphore, #tpu.memory_space<semaphore_mem>>) src(%dma_wait3A_257 : memref<80xi32, #tpu.memory_space<hbm>>) dst(%dma_wait3A_255 : memref<80xi32, #tpu.memory_space<vmem>>)
      %dma_wait3A_258 = arith.constant 0 : i32
      %dma_wait3A_259 = arith.constant 0 : i32
      %dma_wait3A_260 = tpu.memref_slice %arg9[%dma_wait3A_258, %dma_wait3A_259] : memref<5x80xi32, #tpu.memory_space<vmem>> -> memref<1x80xi32, #tpu.memory_space<vmem>>
      %dma_wait3A_261 = tpu.memref_squeeze %dma_wait3A_260 : memref<1x80xi32, #tpu.memory_space<vmem>> -> memref<80xi32, #tpu.memory_space<vmem>>
      %dma_wait3A_262 = arith.constant 0 : i32
      %dma_wait3A_263 = tpu.memref_slice %arg4[%dma_wait3A_262] : memref<320000xi32, #tpu.memory_space<hbm>> -> memref<80xi32, #tpu.memory_space<hbm>>
      %dma_wait3A_264 = arith.constant 0 : i32
      %dma_wait3A_265 = tpu.memref_slice %arg9[%dma_wait3A_258, %dma_wait3A_264] : memref<5x80xi32, #tpu.memory_space<vmem>> -> memref<1x80xi32, #tpu.memory_space<vmem>>
      %dma_wait3A_266 = tpu.memref_squeeze %dma_wait3A_265 : memref<1x80xi32, #tpu.memory_space<vmem>> -> memref<80xi32, #tpu.memory_space<vmem>>
      %dma_wait3A_267 = arith.constant 0 : i32
      %dma_wait3A_268 = tpu.memref_slice %arg4[%dma_wait3A_267] : memref<320000xi32, #tpu.memory_space<hbm>> -> memref<80xi32, #tpu.memory_space<hbm>>
      tpu.wait_dma2 semaphore(%arg13 : memref<!tpu.dma_semaphore, #tpu.memory_space<semaphore_mem>>) src(%dma_wait3A_268 : memref<80xi32, #tpu.memory_space<hbm>>) dst(%dma_wait3A_266 : memref<80xi32, #tpu.memory_space<vmem>>)
      %mul3A_269 = arith.constant 60 : i32
      %mul3A_270 = arith.muli %arg1, %mul3A_269 : i32
      %get3A = arith.constant 0 : i32
      %get3A_271 = arith.index_cast %get3A : i32 to index
      %get3A_272 = arith.constant 0 : index
      %get3A_273 = tpu.vector_load %arg7[%get3A_271, %get3A_272] {strides = array<i32>} : memref<5x80xi32, #tpu.memory_space<vmem>>, vector<1x16xi32>,
      %get3A_274 = vector.shape_cast %get3A_273 : vector<1x16xi32> to vector<16xi32>
      %mul3A_275 = arith.constant 12 : i32
      %mul3A_276 = vector.broadcast %mul3A_275 : i32 to vector<16xi32>
      %mul3A_277 = arith.muli %get3A_274, %mul3A_276 : vector<16xi32>
      %get3A_278 = arith.constant 0 : i32
      %get3A_279 = arith.index_cast %get3A_278 : i32 to index
      %get3A_280 = arith.constant 0 : index
      %get3A_281 = tpu.vector_load %arg8[%get3A_279, %get3A_280] {strides = array<i32>} : memref<5x80xi32, #tpu.memory_space<vmem>>, vector<1x16xi32>,
      %get3A_282 = vector.shape_cast %get3A_281 : vector<1x16xi32> to vector<16xi32>
      %mul3A_283 = arith.constant 2 : i32
      %mul3A_284 = vector.broadcast %mul3A_283 : i32 to vector<16xi32>
      %mul3A_285 = arith.muli %get3A_282, %mul3A_284 : vector<16xi32>
      %add3A_286 = arith.addi %mul3A_277, %mul3A_285 : vector<16xi32>
      %get3A_287 = arith.constant 0 : i32
      %get3A_288 = arith.index_cast %get3A_287 : i32 to index
      %get3A_289 = arith.constant 0 : index
      %get3A_290 = tpu.vector_load %arg9[%get3A_288, %get3A_289] {strides = array<i32>} : memref<5x80xi32, #tpu.memory_space<vmem>>, vector<1x16xi32>,
      %get3A_291 = vector.shape_cast %get3A_290 : vector<1x16xi32> to vector<16xi32>
      %add3A_292 = arith.addi %add3A_286, %get3A_291 : vector<16xi32>
      %add3A_293 = vector.broadcast %mul3A_270 : i32 to vector<16xi32>
      %add3A_294 = arith.addi %add3A_292, %add3A_293 : vector<16xi32>
      %swap3A = arith.constant 0 : i32
      %swap3A_295 = arith.index_cast %swap3A : i32 to index
      %swap3A_296 = arith.constant 0 : index
      %swap3A_297 = tpu.vector_load %arg10[%swap3A_295, %swap3A_296] {strides = array<i32>} : memref<5x80xi32, #tpu.memory_space<vmem>>, vector<1x16xi32>,
      %swap3A_298 = vector.shape_cast %swap3A_297 : vector<1x16xi32> to vector<16xi32>
      %swap3A_299 = vector.shape_cast %add3A_294 : vector<16xi32> to vector<1x16xi32>
      tpu.vector_store %arg10[%swap3A_295, %swap3A_296], %swap3A_299 {strides = array<i32>} : memref<5x80xi32, #tpu.memory_space<vmem>>, vector<1x16xi32>,
      %get3A_300 = arith.constant 0 : i32
      %get3A_301 = arith.index_cast %get3A_300 : i32 to index
      %get3A_302 = arith.constant 16 : index
      %get3A_303 = tpu.vector_load %arg7[%get3A_301, %get3A_302] {strides = array<i32>} : memref<5x80xi32, #tpu.memory_space<vmem>>, vector<1x16xi32>,
      %get3A_304 = vector.shape_cast %get3A_303 : vector<1x16xi32> to vector<16xi32>
      %mul3A_305 = arith.constant 12 : i32
      %mul3A_306 = vector.broadcast %mul3A_305 : i32 to vector<16xi32>
      %mul3A_307 = arith.muli %get3A_304, %mul3A_306 : vector<16xi32>
      %get3A_308 = arith.constant 0 : i32
      %get3A_309 = arith.index_cast %get3A_308 : i32 to index
      %get3A_310 = arith.constant 16 : index
      %get3A_311 = tpu.vector_load %arg8[%get3A_309, %get3A_310] {strides = array<i32>} : memref<5x80xi32, #tpu.memory_space<vmem>>, vector<1x16xi32>,
      %get3A_312 = vector.shape_cast %get3A_311 : vector<1x16xi32> to vector<16xi32>
      %mul3A_313 = arith.constant 2 : i32
      %mul3A_314 = vector.broadcast %mul3A_313 : i32 to vector<16xi32>
      %mul3A_315 = arith.muli %get3A_312, %mul3A_314 : vector<16xi32>
      %add3A_316 = arith.addi %mul3A_307, %mul3A_315 : vector<16xi32>
      %get3A_317 = arith.constant 0 : i32
      %get3A_318 = arith.index_cast %get3A_317 : i32 to index
      %get3A_319 = arith.constant 16 : index
      %get3A_320 = tpu.vector_load %arg9[%get3A_318, %get3A_319] {strides = array<i32>} : memref<5x80xi32, #tpu.memory_space<vmem>>, vector<1x16xi32>,
      %get3A_321 = vector.shape_cast %get3A_320 : vector<1x16xi32> to vector<16xi32>
      %add3A_322 = arith.addi %add3A_316, %get3A_321 : vector<16xi32>
      %add3A_323 = vector.broadcast %mul3A_270 : i32 to vector<16xi32>
      %add3A_324 = arith.addi %add3A_322, %add3A_323 : vector<16xi32>
      %swap3A_325 = arith.constant 0 : i32
      %swap3A_326 = arith.index_cast %swap3A_325 : i32 to index
      %swap3A_327 = arith.constant 16 : index
      %swap3A_328 = tpu.vector_load %arg10[%swap3A_326, %swap3A_327] {strides = array<i32>} : memref<5x80xi32, #tpu.memory_space<vmem>>, vector<1x16xi32>,
      %swap3A_329 = vector.shape_cast %swap3A_328 : vector<1x16xi32> to vector<16xi32>
      %swap3A_330 = vector.shape_cast %add3A_324 : vector<16xi32> to vector<1x16xi32>
      tpu.vector_store %arg10[%swap3A_326, %swap3A_327], %swap3A_330 {strides = array<i32>} : memref<5x80xi32, #tpu.memory_space<vmem>>, vector<1x16xi32>,
      %get3A_331 = arith.constant 0 : i32
      %get3A_332 = arith.index_cast %get3A_331 : i32 to index
      %get3A_333 = arith.constant 32 : index
      %get3A_334 = tpu.vector_load %arg7[%get3A_332, %get3A_333] {strides = array<i32>} : memref<5x80xi32, #tpu.memory_space<vmem>>, vector<1x16xi32>,
      %get3A_335 = vector.shape_cast %get3A_334 : vector<1x16xi32> to vector<16xi32>
      %mul3A_336 = arith.constant 12 : i32
      %mul3A_337 = vector.broadcast %mul3A_336 : i32 to vector<16xi32>
      %mul3A_338 = arith.muli %get3A_335, %mul3A_337 : vector<16xi32>
      %get3A_339 = arith.constant 0 : i32
      %get3A_340 = arith.index_cast %get3A_339 : i32 to index
      %get3A_341 = arith.constant 32 : index
      %get3A_342 = tpu.vector_load %arg8[%get3A_340, %get3A_341] {strides = array<i32>} : memref<5x80xi32, #tpu.memory_space<vmem>>, vector<1x16xi32>,
      %get3A_343 = vector.shape_cast %get3A_342 : vector<1x16xi32> to vector<16xi32>
      %mul3A_344 = arith.constant 2 : i32
      %mul3A_345 = vector.broadcast %mul3A_344 : i32 to vector<16xi32>
      %mul3A_346 = arith.muli %get3A_343, %mul3A_345 : vector<16xi32>
      %add3A_347 = arith.addi %mul3A_338, %mul3A_346 : vector<16xi32>
      %get3A_348 = arith.constant 0 : i32
      %get3A_349 = arith.index_cast %get3A_348 : i32 to index
      %get3A_350 = arith.constant 32 : index
      %get3A_351 = tpu.vector_load %arg9[%get3A_349, %get3A_350] {strides = array<i32>} : memref<5x80xi32, #tpu.memory_space<vmem>>, vector<1x16xi32>,
      %get3A_352 = vector.shape_cast %get3A_351 : vector<1x16xi32> to vector<16xi32>
      %add3A_353 = arith.addi %add3A_347, %get3A_352 : vector<16xi32>
      %add3A_354 = vector.broadcast %mul3A_270 : i32 to vector<16xi32>
      %add3A_355 = arith.addi %add3A_353, %add3A_354 : vector<16xi32>
      %swap3A_356 = arith.constant 0 : i32
      %swap3A_357 = arith.index_cast %swap3A_356 : i32 to index
      %swap3A_358 = arith.constant 32 : index
      %swap3A_359 = tpu.vector_load %arg10[%swap3A_357, %swap3A_358] {strides = array<i32>} : memref<5x80xi32, #tpu.memory_space<vmem>>, vector<1x16xi32>,
      %swap3A_360 = vector.shape_cast %swap3A_359 : vector<1x16xi32> to vector<16xi32>
      %swap3A_361 = vector.shape_cast %add3A_355 : vector<16xi32> to vector<1x16xi32>
      tpu.vector_store %arg10[%swap3A_357, %swap3A_358], %swap3A_361 {strides = array<i32>} : memref<5x80xi32, #tpu.memory_space<vmem>>, vector<1x16xi32>,
      %get3A_362 = arith.constant 0 : i32
      %get3A_363 = arith.index_cast %get3A_362 : i32 to index
      %get3A_364 = arith.constant 48 : index
      %get3A_365 = tpu.vector_load %arg7[%get3A_363, %get3A_364] {strides = array<i32>} : memref<5x80xi32, #tpu.memory_space<vmem>>, vector<1x16xi32>,
      %get3A_366 = vector.shape_cast %get3A_365 : vector<1x16xi32> to vector<16xi32>
      %mul3A_367 = arith.constant 12 : i32
      %mul3A_368 = vector.broadcast %mul3A_367 : i32 to vector<16xi32>
      %mul3A_369 = arith.muli %get3A_366, %mul3A_368 : vector<16xi32>
      %get3A_370 = arith.constant 0 : i32
      %get3A_371 = arith.index_cast %get3A_370 : i32 to index
      %get3A_372 = arith.constant 48 : index
      %get3A_373 = tpu.vector_load %arg8[%get3A_371, %get3A_372] {strides = array<i32>} : memref<5x80xi32, #tpu.memory_space<vmem>>, vector<1x16xi32>,
      %get3A_374 = vector.shape_cast %get3A_373 : vector<1x16xi32> to vector<16xi32>
      %mul3A_375 = arith.constant 2 : i32
      %mul3A_376 = vector.broadcast %mul3A_375 : i32 to vector<16xi32>
      %mul3A_377 = arith.muli %get3A_374, %mul3A_376 : vector<16xi32>
      %add3A_378 = arith.addi %mul3A_369, %mul3A_377 : vector<16xi32>
      %get3A_379 = arith.constant 0 : i32
      %get3A_380 = arith.index_cast %get3A_379 : i32 to index
      %get3A_381 = arith.constant 48 : index
      %get3A_382 = tpu.vector_load %arg9[%get3A_380, %get3A_381] {strides = array<i32>} : memref<5x80xi32, #tpu.memory_space<vmem>>, vector<1x16xi32>,
      %get3A_383 = vector.shape_cast %get3A_382 : vector<1x16xi32> to vector<16xi32>
      %add3A_384 = arith.addi %add3A_378, %get3A_383 : vector<16xi32>
      %add3A_385 = vector.broadcast %mul3A_270 : i32 to vector<16xi32>
      %add3A_386 = arith.addi %add3A_384, %add3A_385 : vector<16xi32>
      %swap3A_387 = arith.constant 0 : i32
      %swap3A_388 = arith.index_cast %swap3A_387 : i32 to index
      %swap3A_389 = arith.constant 48 : index
      %swap3A_390 = tpu.vector_load %arg10[%swap3A_388, %swap3A_389] {strides = array<i32>} : memref<5x80xi32, #tpu.memory_space<vmem>>, vector<1x16xi32>,
      %swap3A_391 = vector.shape_cast %swap3A_390 : vector<1x16xi32> to vector<16xi32>
      %swap3A_392 = vector.shape_cast %add3A_386 : vector<16xi32> to vector<1x16xi32>
      tpu.vector_store %arg10[%swap3A_388, %swap3A_389], %swap3A_392 {strides = array<i32>} : memref<5x80xi32, #tpu.memory_space<vmem>>, vector<1x16xi32>,
      %get3A_393 = arith.constant 0 : i32
      %get3A_394 = arith.index_cast %get3A_393 : i32 to index
      %get3A_395 = arith.constant 64 : index
      %get3A_396 = tpu.vector_load %arg7[%get3A_394, %get3A_395] {strides = array<i32>} : memref<5x80xi32, #tpu.memory_space<vmem>>, vector<1x16xi32>,
      %get3A_397 = vector.shape_cast %get3A_396 : vector<1x16xi32> to vector<16xi32>
      %mul3A_398 = arith.constant 12 : i32
      %mul3A_399 = vector.broadcast %mul3A_398 : i32 to vector<16xi32>
      %mul3A_400 = arith.muli %get3A_397, %mul3A_399 : vector<16xi32>
      %get3A_401 = arith.constant 0 : i32
      %get3A_402 = arith.index_cast %get3A_401 : i32 to index
      %get3A_403 = arith.constant 64 : index
      %get3A_404 = tpu.vector_load %arg8[%get3A_402, %get3A_403] {strides = array<i32>} : memref<5x80xi32, #tpu.memory_space<vmem>>, vector<1x16xi32>,
      %get3A_405 = vector.shape_cast %get3A_404 : vector<1x16xi32> to vector<16xi32>
      %mul3A_406 = arith.constant 2 : i32
      %mul3A_407 = vector.broadcast %mul3A_406 : i32 to vector<16xi32>
      %mul3A_408 = arith.muli %get3A_405, %mul3A_407 : vector<16xi32>
      %add3A_409 = arith.addi %mul3A_400, %mul3A_408 : vector<16xi32>
      %get3A_410 = arith.constant 0 : i32
      %get3A_411 = arith.index_cast %get3A_410 : i32 to index
      %get3A_412 = arith.constant 64 : index
      %get3A_413 = tpu.vector_load %arg9[%get3A_411, %get3A_412] {strides = array<i32>} : memref<5x80xi32, #tpu.memory_space<vmem>>, vector<1x16xi32>,
      %get3A_414 = vector.shape_cast %get3A_413 : vector<1x16xi32> to vector<16xi32>
      %add3A_415 = arith.addi %add3A_409, %get3A_414 : vector<16xi32>
      %add3A_416 = vector.broadcast %mul3A_270 : i32 to vector<16xi32>
      %add3A_417 = arith.addi %add3A_415, %add3A_416 : vector<16xi32>
      %swap3A_418 = arith.constant 0 : i32
      %swap3A_419 = arith.index_cast %swap3A_418 : i32 to index
      %swap3A_420 = arith.constant 64 : index
      %swap3A_421 = tpu.vector_load %arg10[%swap3A_419, %swap3A_420] {strides = array<i32>} : memref<5x80xi32, #tpu.memory_space<vmem>>, vector<1x16xi32>,
      %swap3A_422 = vector.shape_cast %swap3A_421 : vector<1x16xi32> to vector<16xi32>
      %swap3A_423 = vector.shape_cast %add3A_417 : vector<16xi32> to vector<1x16xi32>
      tpu.vector_store %arg10[%swap3A_419, %swap3A_420], %swap3A_423 {strides = array<i32>} : memref<5x80xi32, #tpu.memory_space<vmem>>, vector<1x16xi32>,
      %ne3A = arith.constant 24 : i32
      %ne3A_424 = arith.cmpi ne, %scan3A_232, %ne3A : i32
      %convert_element_type3A = arith.extui %ne3A_424 : i1 to i32
      %cond3A = arith.constant 0 : i32
      %cond3A_425 = arith.cmpi ne, %convert_element_type3A, %cond3A : i32
      scf.if %cond3A_425 {
        %add3A_1426 = arith.constant 400 : i32
        %add3A_1427 = arith.addi %add3A_235, %add3A_1426 : i32
        %dma_start3A_1428 = arith.constant 0 : i32
        %dma_start3A_1429 = arith.constant 0 : i32
        %dma_start3A_1430 = tpu.memref_slice %arg7[%dma_start3A_1428, %dma_start3A_1429] : memref<5x80xi32, #tpu.memory_space<vmem>> -> memref<1x80xi32, #tpu.memory_space<vmem>>
        %dma_start3A_1431 = tpu.memref_squeeze %dma_start3A_1430 : memref<1x80xi32, #tpu.memory_space<vmem>> -> memref<80xi32, #tpu.memory_space<vmem>>
        %dma_start3A_1432 = tpu.memref_slice %arg2[%add3A_1427] : memref<320000xi32, #tpu.memory_space<hbm>> -> memref<80xi32, #tpu.memory_space<hbm>>
        %dma_start3A_1433 = arith.constant 0 : i32
        %dma_start3A_1434 = tpu.memref_slice %arg7[%dma_start3A_1428, %dma_start3A_1433] : memref<5x80xi32, #tpu.memory_space<vmem>> -> memref<1x80xi32, #tpu.memory_space<vmem>>
        %dma_start3A_1435 = tpu.memref_squeeze %dma_start3A_1434 : memref<1x80xi32, #tpu.memory_space<vmem>> -> memref<80xi32, #tpu.memory_space<vmem>>
        %dma_start3A_1436 = tpu.memref_slice %arg2[%add3A_1427] : memref<320000xi32, #tpu.memory_space<hbm>> -> memref<80xi32, #tpu.memory_space<hbm>>
        tpu.enqueue_dma source(%dma_start3A_1436 : memref<80xi32, #tpu.memory_space<hbm>>) target(%dma_start3A_1435 : memref<80xi32, #tpu.memory_space<vmem>>) target_semaphore(%arg13 : memref<!tpu.dma_semaphore, #tpu.memory_space<semaphore_mem>>)
        %dma_start3A_1437 = arith.constant 0 : i32
        %dma_start3A_1438 = arith.constant 0 : i32
        %dma_start3A_1439 = tpu.memref_slice %arg8[%dma_start3A_1437, %dma_start3A_1438] : memref<5x80xi32, #tpu.memory_space<vmem>> -> memref<1x80xi32, #tpu.memory_space<vmem>>
        %dma_start3A_1440 = tpu.memref_squeeze %dma_start3A_1439 : memref<1x80xi32, #tpu.memory_space<vmem>> -> memref<80xi32, #tpu.memory_space<vmem>>
        %dma_start3A_1441 = tpu.memref_slice %arg3[%add3A_1427] : memref<320000xi32, #tpu.memory_space<hbm>> -> memref<80xi32, #tpu.memory_space<hbm>>
        %dma_start3A_1442 = arith.constant 0 : i32
        %dma_start3A_1443 = tpu.memref_slice %arg8[%dma_start3A_1437, %dma_start3A_1442] : memref<5x80xi32, #tpu.memory_space<vmem>> -> memref<1x80xi32, #tpu.memory_space<vmem>>
        %dma_start3A_1444 = tpu.memref_squeeze %dma_start3A_1443 : memref<1x80xi32, #tpu.memory_space<vmem>> -> memref<80xi32, #tpu.memory_space<vmem>>
        %dma_start3A_1445 = tpu.memref_slice %arg3[%add3A_1427] : memref<320000xi32, #tpu.memory_space<hbm>> -> memref<80xi32, #tpu.memory_space<hbm>>
        tpu.enqueue_dma source(%dma_start3A_1445 : memref<80xi32, #tpu.memory_space<hbm>>) target(%dma_start3A_1444 : memref<80xi32, #tpu.memory_space<vmem>>) target_semaphore(%arg13 : memref<!tpu.dma_semaphore, #tpu.memory_space<semaphore_mem>>)
        %dma_start3A_1446 = arith.constant 0 : i32
        %dma_start3A_1447 = arith.constant 0 : i32
        %dma_start3A_1448 = tpu.memref_slice %arg9[%dma_start3A_1446, %dma_start3A_1447] : memref<5x80xi32, #tpu.memory_space<vmem>> -> memref<1x80xi32, #tpu.memory_space<vmem>>
        %dma_start3A_1449 = tpu.memref_squeeze %dma_start3A_1448 : memref<1x80xi32, #tpu.memory_space<vmem>> -> memref<80xi32, #tpu.memory_space<vmem>>
        %dma_start3A_1450 = tpu.memref_slice %arg4[%add3A_1427] : memref<320000xi32, #tpu.memory_space<hbm>> -> memref<80xi32, #tpu.memory_space<hbm>>
        %dma_start3A_1451 = arith.constant 0 : i32
        %dma_start3A_1452 = tpu.memref_slice %arg9[%dma_start3A_1446, %dma_start3A_1451] : memref<5x80xi32, #tpu.memory_space<vmem>> -> memref<1x80xi32, #tpu.memory_space<vmem>>
        %dma_start3A_1453 = tpu.memref_squeeze %dma_start3A_1452 : memref<1x80xi32, #tpu.memory_space<vmem>> -> memref<80xi32, #tpu.memory_space<vmem>>
        %dma_start3A_1454 = tpu.memref_slice %arg4[%add3A_1427] : memref<320000xi32, #tpu.memory_space<hbm>> -> memref<80xi32, #tpu.memory_space<hbm>>
        tpu.enqueue_dma source(%dma_start3A_1454 : memref<80xi32, #tpu.memory_space<hbm>>) target(%dma_start3A_1453 : memref<80xi32, #tpu.memory_space<vmem>>) target_semaphore(%arg13 : memref<!tpu.dma_semaphore, #tpu.memory_space<semaphore_mem>>)
      } else {
      }
      %ne3A_426 = arith.constant 0 : i32
      %ne3A_427 = arith.cmpi ne, %scan3A_232, %ne3A_426 : i32
      %convert_element_type3A_428 = arith.extui %ne3A_427 : i1 to i32
      %cond3A_429 = arith.constant 0 : i32
      %cond3A_430 = arith.cmpi ne, %convert_element_type3A_428, %cond3A_429 : i32
      scf.if %cond3A_430 {
        %dma_wait3A_1426 = arith.constant 0 : i32
        %dma_wait3A_1427 = arith.constant 0 : i32
        %dma_wait3A_1428 = arith.constant 0 : i32
        %dma_wait3A_1429 = tpu.memref_slice %arg11[%dma_wait3A_1426, %dma_wait3A_1427, %dma_wait3A_1428] : memref<5x80x128xf32, #tpu.memory_space<vmem>> -> memref<1x80x128xf32, #tpu.memory_space<vmem>>
        %dma_wait3A_1430 = tpu.memref_squeeze %dma_wait3A_1429 : memref<1x80x128xf32, #tpu.memory_space<vmem>> -> memref<80x128xf32, #tpu.memory_space<vmem>>
        %dma_wait3A_1431 = arith.constant 0 : i32
        %dma_wait3A_1432 = arith.constant 0 : i32
        %dma_wait3A_1433 = tpu.memref_slice %arg6[%dma_wait3A_1431, %dma_wait3A_1432] : memref<320000x128xf32, #tpu.memory_space<hbm>> -> memref<80x128xf32, #tpu.memory_space<hbm>>
        %dma_wait3A_1434 = arith.constant 0 : i32
        %dma_wait3A_1435 = arith.constant 0 : i32
        %dma_wait3A_1436 = tpu.memref_slice %arg6[%dma_wait3A_1434, %dma_wait3A_1435] : memref<320000x128xf32, #tpu.memory_space<hbm>> -> memref<80x128xf32, #tpu.memory_space<hbm>>
        %dma_wait3A_1437 = arith.constant 0 : i32
        %dma_wait3A_1438 = arith.constant 0 : i32
        %dma_wait3A_1439 = tpu.memref_slice %arg11[%dma_wait3A_1426, %dma_wait3A_1437, %dma_wait3A_1438] : memref<5x80x128xf32, #tpu.memory_space<vmem>> -> memref<1x80x128xf32, #tpu.memory_space<vmem>>
        %dma_wait3A_1440 = tpu.memref_squeeze %dma_wait3A_1439 : memref<1x80x128xf32, #tpu.memory_space<vmem>> -> memref<80x128xf32, #tpu.memory_space<vmem>>
        tpu.wait_dma2 semaphore(%arg23 : memref<!tpu.dma_semaphore, #tpu.memory_space<semaphore_mem>>) src(%dma_wait3A_1440 : memref<80x128xf32, #tpu.memory_space<vmem>>) dst(%dma_wait3A_1436 : memref<80x128xf32, #tpu.memory_space<hbm>>)
      } else {
      }
      %dma_start3A_431 = arith.constant 0 : i32
      %dma_start3A_432 = arith.constant 0 : i32
      %dma_start3A_433 = arith.constant 0 : i32
      %dma_start3A_434 = arith.constant 0 : i32
      %dma_start3A_435 = tpu.memref_slice %arg11[%dma_start3A_432, %dma_start3A_433, %dma_start3A_434] : memref<5x80x128xf32, #tpu.memory_space<vmem>> -> memref<1x80x128xf32, #tpu.memory_space<vmem>>
      %dma_start3A_436 = tpu.memref_squeeze %dma_start3A_435 : memref<1x80x128xf32, #tpu.memory_space<vmem>> -> memref<80x128xf32, #tpu.memory_space<vmem>>
      %dma_start3A_437 = arith.constant 0 : i32
      %dma_start3A_438 = tpu.memref_slice %arg10[%dma_start3A_431, %dma_start3A_437] : memref<5x80xi32, #tpu.memory_space<vmem>> -> memref<1x80xi32, #tpu.memory_space<vmem>>
      %dma_start3A_439 = tpu.memref_squeeze %dma_start3A_438 : memref<1x80xi32, #tpu.memory_space<vmem>> -> memref<80xi32, #tpu.memory_space<vmem>>
      %dma_start3A_440 = arith.constant 0 : i32
      %dma_start3A_441 = arith.constant 0 : i32
      %dma_start3A_442 = tpu.memref_slice %arg12[%dma_start3A_440, %dma_start3A_441] : memref<960x128xf32, #tpu.memory_space<vmem_shared>> -> memref<960x128xf32, #tpu.memory_space<vmem_shared>>
      tpu.enqueue_indirect_dma source(%dma_start3A_442 : memref<960x128xf32, #tpu.memory_space<vmem_shared>>) target(%dma_start3A_436 : memref<80x128xf32, #tpu.memory_space<vmem>>) offsets(%dma_start3A_439 : memref<80xi32, #tpu.memory_space<vmem>>) semaphore(%arg18 : memref<!tpu.dma_semaphore, #tpu.memory_space<semaphore_mem>>)
      %dma_wait3A_443 = arith.constant 1 : i32
      %dma_wait3A_444 = arith.constant 0 : i32
      %dma_wait3A_445 = tpu.memref_slice %arg7[%dma_wait3A_443, %dma_wait3A_444] : memref<5x80xi32, #tpu.memory_space<vmem>> -> memref<1x80xi32, #tpu.memory_space<vmem>>
      %dma_wait3A_446 = tpu.memref_squeeze %dma_wait3A_445 : memref<1x80xi32, #tpu.memory_space<vmem>> -> memref<80xi32, #tpu.memory_space<vmem>>
      %dma_wait3A_447 = arith.constant 0 : i32
      %dma_wait3A_448 = tpu.memref_slice %arg2[%dma_wait3A_447] : memref<320000xi32, #tpu.memory_space<hbm>> -> memref<80xi32, #tpu.memory_space<hbm>>
      %dma_wait3A_449 = arith.constant 0 : i32
      %dma_wait3A_450 = tpu.memref_slice %arg7[%dma_wait3A_443, %dma_wait3A_449] : memref<5x80xi32, #tpu.memory_space<vmem>> -> memref<1x80xi32, #tpu.memory_space<vmem>>
      %dma_wait3A_451 = tpu.memref_squeeze %dma_wait3A_450 : memref<1x80xi32, #tpu.memory_space<vmem>> -> memref<80xi32, #tpu.memory_space<vmem>>
      %dma_wait3A_452 = arith.constant 0 : i32
      %dma_wait3A_453 = tpu.memref_slice %arg2[%dma_wait3A_452] : memref<320000xi32, #tpu.memory_space<hbm>> -> memref<80xi32, #tpu.memory_space<hbm>>
      tpu.wait_dma2 semaphore(%arg14 : memref<!tpu.dma_semaphore, #tpu.memory_space<semaphore_mem>>) src(%dma_wait3A_453 : memref<80xi32, #tpu.memory_space<hbm>>) dst(%dma_wait3A_451 : memref<80xi32, #tpu.memory_space<vmem>>)
      %dma_wait3A_454 = arith.constant 1 : i32
      %dma_wait3A_455 = arith.constant 0 : i32
      %dma_wait3A_456 = tpu.memref_slice %arg8[%dma_wait3A_454, %dma_wait3A_455] : memref<5x80xi32, #tpu.memory_space<vmem>> -> memref<1x80xi32, #tpu.memory_space<vmem>>
      %dma_wait3A_457 = tpu.memref_squeeze %dma_wait3A_456 : memref<1x80xi32, #tpu.memory_space<vmem>> -> memref<80xi32, #tpu.memory_space<vmem>>
      %dma_wait3A_458 = arith.constant 0 : i32
      %dma_wait3A_459 = tpu.memref_slice %arg3[%dma_wait3A_458] : memref<320000xi32, #tpu.memory_space<hbm>> -> memref<80xi32, #tpu.memory_space<hbm>>
      %dma_wait3A_460 = arith.constant 0 : i32
      %dma_wait3A_461 = tpu.memref_slice %arg8[%dma_wait3A_454, %dma_wait3A_460] : memref<5x80xi32, #tpu.memory_space<vmem>> -> memref<1x80xi32, #tpu.memory_space<vmem>>
      %dma_wait3A_462 = tpu.memref_squeeze %dma_wait3A_461 : memref<1x80xi32, #tpu.memory_space<vmem>> -> memref<80xi32, #tpu.memory_space<vmem>>
      %dma_wait3A_463 = arith.constant 0 : i32
      %dma_wait3A_464 = tpu.memref_slice %arg3[%dma_wait3A_463] : memref<320000xi32, #tpu.memory_space<hbm>> -> memref<80xi32, #tpu.memory_space<hbm>>
      tpu.wait_dma2 semaphore(%arg14 : memref<!tpu.dma_semaphore, #tpu.memory_space<semaphore_mem>>) src(%dma_wait3A_464 : memref<80xi32, #tpu.memory_space<hbm>>) dst(%dma_wait3A_462 : memref<80xi32, #tpu.memory_space<vmem>>)
      %dma_wait3A_465 = arith.constant 1 : i32
      %dma_wait3A_466 = arith.constant 0 : i32
      %dma_wait3A_467 = tpu.memref_slice %arg9[%dma_wait3A_465, %dma_wait3A_466] : memref<5x80xi32, #tpu.memory_space<vmem>> -> memref<1x80xi32, #tpu.memory_space<vmem>>
      %dma_wait3A_468 = tpu.memref_squeeze %dma_wait3A_467 : memref<1x80xi32, #tpu.memory_space<vmem>> -> memref<80xi32, #tpu.memory_space<vmem>>
      %dma_wait3A_469 = arith.constant 0 : i32
      %dma_wait3A_470 = tpu.memref_slice %arg4[%dma_wait3A_469] : memref<320000xi32, #tpu.memory_space<hbm>> -> memref<80xi32, #tpu.memory_space<hbm>>
      %dma_wait3A_471 = arith.constant 0 : i32
      %dma_wait3A_472 = tpu.memref_slice %arg9[%dma_wait3A_465, %dma_wait3A_471] : memref<5x80xi32, #tpu.memory_space<vmem>> -> memref<1x80xi32, #tpu.memory_space<vmem>>
      %dma_wait3A_473 = tpu.memref_squeeze %dma_wait3A_472 : memref<1x80xi32, #tpu.memory_space<vmem>> -> memref<80xi32, #tpu.memory_space<vmem>>
      %dma_wait3A_474 = arith.constant 0 : i32
      %dma_wait3A_475 = tpu.memref_slice %arg4[%dma_wait3A_474] : memref<320000xi32, #tpu.memory_space<hbm>> -> memref<80xi32, #tpu.memory_space<hbm>>
      tpu.wait_dma2 semaphore(%arg14 : memref<!tpu.dma_semaphore, #tpu.memory_space<semaphore_mem>>) src(%dma_wait3A_475 : memref<80xi32, #tpu.memory_space<hbm>>) dst(%dma_wait3A_473 : memref<80xi32, #tpu.memory_space<vmem>>)
      %mul3A_476 = arith.constant 60 : i32
      %mul3A_477 = arith.muli %arg1, %mul3A_476 : i32
      %get3A_478 = arith.constant 1 : i32
      %get3A_479 = arith.index_cast %get3A_478 : i32 to index
      %get3A_480 = arith.constant 0 : index
      %get3A_481 = tpu.vector_load %arg7[%get3A_479, %get3A_480] {strides = array<i32>} : memref<5x80xi32, #tpu.memory_space<vmem>>, vector<1x16xi32>,
      %get3A_482 = vector.shape_cast %get3A_481 : vector<1x16xi32> to vector<16xi32>
      %mul3A_483 = arith.constant 12 : i32
      %mul3A_484 = vector.broadcast %mul3A_483 : i32 to vector<16xi32>
      %mul3A_485 = arith.muli %get3A_482, %mul3A_484 : vector<16xi32>
      %get3A_486 = arith.constant 1 : i32
      %get3A_487 = arith.index_cast %get3A_486 : i32 to index
      %get3A_488 = arith.constant 0 : index
      %get3A_489 = tpu.vector_load %arg8[%get3A_487, %get3A_488] {strides = array<i32>} : memref<5x80xi32, #tpu.memory_space<vmem>>, vector<1x16xi32>,
      %get3A_490 = vector.shape_cast %get3A_489 : vector<1x16xi32> to vector<16xi32>
      %mul3A_491 = arith.constant 2 : i32
      %mul3A_492 = vector.broadcast %mul3A_491 : i32 to vector<16xi32>
      %mul3A_493 = arith.muli %get3A_490, %mul3A_492 : vector<16xi32>
      %add3A_494 = arith.addi %mul3A_485, %mul3A_493 : vector<16xi32>
      %get3A_495 = arith.constant 1 : i32
      %get3A_496 = arith.index_cast %get3A_495 : i32 to index
      %get3A_497 = arith.constant 0 : index
      %get3A_498 = tpu.vector_load %arg9[%get3A_496, %get3A_497] {strides = array<i32>} : memref<5x80xi32, #tpu.memory_space<vmem>>, vector<1x16xi32>,
      %get3A_499 = vector.shape_cast %get3A_498 : vector<1x16xi32> to vector<16xi32>
      %add3A_500 = arith.addi %add3A_494, %get3A_499 : vector<16xi32>
      %add3A_501 = vector.broadcast %mul3A_477 : i32 to vector<16xi32>
      %add3A_502 = arith.addi %add3A_500, %add3A_501 : vector<16xi32>
      %swap3A_503 = arith.constant 1 : i32
      %swap3A_504 = arith.index_cast %swap3A_503 : i32 to index
      %swap3A_505 = arith.constant 0 : index
      %swap3A_506 = tpu.vector_load %arg10[%swap3A_504, %swap3A_505] {strides = array<i32>} : memref<5x80xi32, #tpu.memory_space<vmem>>, vector<1x16xi32>,
      %swap3A_507 = vector.shape_cast %swap3A_506 : vector<1x16xi32> to vector<16xi32>
      %swap3A_508 = vector.shape_cast %add3A_502 : vector<16xi32> to vector<1x16xi32>
      tpu.vector_store %arg10[%swap3A_504, %swap3A_505], %swap3A_508 {strides = array<i32>} : memref<5x80xi32, #tpu.memory_space<vmem>>, vector<1x16xi32>,
      %get3A_509 = arith.constant 1 : i32
      %get3A_510 = arith.index_cast %get3A_509 : i32 to index
      %get3A_511 = arith.constant 16 : index
      %get3A_512 = tpu.vector_load %arg7[%get3A_510, %get3A_511] {strides = array<i32>} : memref<5x80xi32, #tpu.memory_space<vmem>>, vector<1x16xi32>,
      %get3A_513 = vector.shape_cast %get3A_512 : vector<1x16xi32> to vector<16xi32>
      %mul3A_514 = arith.constant 12 : i32
      %mul3A_515 = vector.broadcast %mul3A_514 : i32 to vector<16xi32>
      %mul3A_516 = arith.muli %get3A_513, %mul3A_515 : vector<16xi32>
      %get3A_517 = arith.constant 1 : i32
      %get3A_518 = arith.index_cast %get3A_517 : i32 to index
      %get3A_519 = arith.constant 16 : index
      %get3A_520 = tpu.vector_load %arg8[%get3A_518, %get3A_519] {strides = array<i32>} : memref<5x80xi32, #tpu.memory_space<vmem>>, vector<1x16xi32>,
      %get3A_521 = vector.shape_cast %get3A_520 : vector<1x16xi32> to vector<16xi32>
      %mul3A_522 = arith.constant 2 : i32
      %mul3A_523 = vector.broadcast %mul3A_522 : i32 to vector<16xi32>
      %mul3A_524 = arith.muli %get3A_521, %mul3A_523 : vector<16xi32>
      %add3A_525 = arith.addi %mul3A_516, %mul3A_524 : vector<16xi32>
      %get3A_526 = arith.constant 1 : i32
      %get3A_527 = arith.index_cast %get3A_526 : i32 to index
      %get3A_528 = arith.constant 16 : index
      %get3A_529 = tpu.vector_load %arg9[%get3A_527, %get3A_528] {strides = array<i32>} : memref<5x80xi32, #tpu.memory_space<vmem>>, vector<1x16xi32>,
      %get3A_530 = vector.shape_cast %get3A_529 : vector<1x16xi32> to vector<16xi32>
      %add3A_531 = arith.addi %add3A_525, %get3A_530 : vector<16xi32>
      %add3A_532 = vector.broadcast %mul3A_477 : i32 to vector<16xi32>
      %add3A_533 = arith.addi %add3A_531, %add3A_532 : vector<16xi32>
      %swap3A_534 = arith.constant 1 : i32
      %swap3A_535 = arith.index_cast %swap3A_534 : i32 to index
      %swap3A_536 = arith.constant 16 : index
      %swap3A_537 = tpu.vector_load %arg10[%swap3A_535, %swap3A_536] {strides = array<i32>} : memref<5x80xi32, #tpu.memory_space<vmem>>, vector<1x16xi32>,
      %swap3A_538 = vector.shape_cast %swap3A_537 : vector<1x16xi32> to vector<16xi32>
      %swap3A_539 = vector.shape_cast %add3A_533 : vector<16xi32> to vector<1x16xi32>
      tpu.vector_store %arg10[%swap3A_535, %swap3A_536], %swap3A_539 {strides = array<i32>} : memref<5x80xi32, #tpu.memory_space<vmem>>, vector<1x16xi32>,
      %get3A_540 = arith.constant 1 : i32
      %get3A_541 = arith.index_cast %get3A_540 : i32 to index
      %get3A_542 = arith.constant 32 : index
      %get3A_543 = tpu.vector_load %arg7[%get3A_541, %get3A_542] {strides = array<i32>} : memref<5x80xi32, #tpu.memory_space<vmem>>, vector<1x16xi32>,
      %get3A_544 = vector.shape_cast %get3A_543 : vector<1x16xi32> to vector<16xi32>
      %mul3A_545 = arith.constant 12 : i32
      %mul3A_546 = vector.broadcast %mul3A_545 : i32 to vector<16xi32>
      %mul3A_547 = arith.muli %get3A_544, %mul3A_546 : vector<16xi32>
      %get3A_548 = arith.constant 1 : i32
      %get3A_549 = arith.index_cast %get3A_548 : i32 to index
      %get3A_550 = arith.constant 32 : index
      %get3A_551 = tpu.vector_load %arg8[%get3A_549, %get3A_550] {strides = array<i32>} : memref<5x80xi32, #tpu.memory_space<vmem>>, vector<1x16xi32>,
      %get3A_552 = vector.shape_cast %get3A_551 : vector<1x16xi32> to vector<16xi32>
      %mul3A_553 = arith.constant 2 : i32
      %mul3A_554 = vector.broadcast %mul3A_553 : i32 to vector<16xi32>
      %mul3A_555 = arith.muli %get3A_552, %mul3A_554 : vector<16xi32>
      %add3A_556 = arith.addi %mul3A_547, %mul3A_555 : vector<16xi32>
      %get3A_557 = arith.constant 1 : i32
      %get3A_558 = arith.index_cast %get3A_557 : i32 to index
      %get3A_559 = arith.constant 32 : index
      %get3A_560 = tpu.vector_load %arg9[%get3A_558, %get3A_559] {strides = array<i32>} : memref<5x80xi32, #tpu.memory_space<vmem>>, vector<1x16xi32>,
      %get3A_561 = vector.shape_cast %get3A_560 : vector<1x16xi32> to vector<16xi32>
      %add3A_562 = arith.addi %add3A_556, %get3A_561 : vector<16xi32>
      %add3A_563 = vector.broadcast %mul3A_477 : i32 to vector<16xi32>
      %add3A_564 = arith.addi %add3A_562, %add3A_563 : vector<16xi32>
      %swap3A_565 = arith.constant 1 : i32
      %swap3A_566 = arith.index_cast %swap3A_565 : i32 to index
      %swap3A_567 = arith.constant 32 : index
      %swap3A_568 = tpu.vector_load %arg10[%swap3A_566, %swap3A_567] {strides = array<i32>} : memref<5x80xi32, #tpu.memory_space<vmem>>, vector<1x16xi32>,
      %swap3A_569 = vector.shape_cast %swap3A_568 : vector<1x16xi32> to vector<16xi32>
      %swap3A_570 = vector.shape_cast %add3A_564 : vector<16xi32> to vector<1x16xi32>
      tpu.vector_store %arg10[%swap3A_566, %swap3A_567], %swap3A_570 {strides = array<i32>} : memref<5x80xi32, #tpu.memory_space<vmem>>, vector<1x16xi32>,
      %get3A_571 = arith.constant 1 : i32
      %get3A_572 = arith.index_cast %get3A_571 : i32 to index
      %get3A_573 = arith.constant 48 : index
      %get3A_574 = tpu.vector_load %arg7[%get3A_572, %get3A_573] {strides = array<i32>} : memref<5x80xi32, #tpu.memory_space<vmem>>, vector<1x16xi32>,
      %get3A_575 = vector.shape_cast %get3A_574 : vector<1x16xi32> to vector<16xi32>
      %mul3A_576 = arith.constant 12 : i32
      %mul3A_577 = vector.broadcast %mul3A_576 : i32 to vector<16xi32>
      %mul3A_578 = arith.muli %get3A_575, %mul3A_577 : vector<16xi32>
      %get3A_579 = arith.constant 1 : i32
      %get3A_580 = arith.index_cast %get3A_579 : i32 to index
      %get3A_581 = arith.constant 48 : index
      %get3A_582 = tpu.vector_load %arg8[%get3A_580, %get3A_581] {strides = array<i32>} : memref<5x80xi32, #tpu.memory_space<vmem>>, vector<1x16xi32>,
      %get3A_583 = vector.shape_cast %get3A_582 : vector<1x16xi32> to vector<16xi32>
      %mul3A_584 = arith.constant 2 : i32
      %mul3A_585 = vector.broadcast %mul3A_584 : i32 to vector<16xi32>
      %mul3A_586 = arith.muli %get3A_583, %mul3A_585 : vector<16xi32>
      %add3A_587 = arith.addi %mul3A_578, %mul3A_586 : vector<16xi32>
      %get3A_588 = arith.constant 1 : i32
      %get3A_589 = arith.index_cast %get3A_588 : i32 to index
      %get3A_590 = arith.constant 48 : index
      %get3A_591 = tpu.vector_load %arg9[%get3A_589, %get3A_590] {strides = array<i32>} : memref<5x80xi32, #tpu.memory_space<vmem>>, vector<1x16xi32>,
      %get3A_592 = vector.shape_cast %get3A_591 : vector<1x16xi32> to vector<16xi32>
      %add3A_593 = arith.addi %add3A_587, %get3A_592 : vector<16xi32>
      %add3A_594 = vector.broadcast %mul3A_477 : i32 to vector<16xi32>
      %add3A_595 = arith.addi %add3A_593, %add3A_594 : vector<16xi32>
      %swap3A_596 = arith.constant 1 : i32
      %swap3A_597 = arith.index_cast %swap3A_596 : i32 to index
      %swap3A_598 = arith.constant 48 : index
      %swap3A_599 = tpu.vector_load %arg10[%swap3A_597, %swap3A_598] {strides = array<i32>} : memref<5x80xi32, #tpu.memory_space<vmem>>, vector<1x16xi32>,
      %swap3A_600 = vector.shape_cast %swap3A_599 : vector<1x16xi32> to vector<16xi32>
      %swap3A_601 = vector.shape_cast %add3A_595 : vector<16xi32> to vector<1x16xi32>
      tpu.vector_store %arg10[%swap3A_597, %swap3A_598], %swap3A_601 {strides = array<i32>} : memref<5x80xi32, #tpu.memory_space<vmem>>, vector<1x16xi32>,
      %get3A_602 = arith.constant 1 : i32
      %get3A_603 = arith.index_cast %get3A_602 : i32 to index
      %get3A_604 = arith.constant 64 : index
      %get3A_605 = tpu.vector_load %arg7[%get3A_603, %get3A_604] {strides = array<i32>} : memref<5x80xi32, #tpu.memory_space<vmem>>, vector<1x16xi32>,
      %get3A_606 = vector.shape_cast %get3A_605 : vector<1x16xi32> to vector<16xi32>
      %mul3A_607 = arith.constant 12 : i32
      %mul3A_608 = vector.broadcast %mul3A_607 : i32 to vector<16xi32>
      %mul3A_609 = arith.muli %get3A_606, %mul3A_608 : vector<16xi32>
      %get3A_610 = arith.constant 1 : i32
      %get3A_611 = arith.index_cast %get3A_610 : i32 to index
      %get3A_612 = arith.constant 64 : index
      %get3A_613 = tpu.vector_load %arg8[%get3A_611, %get3A_612] {strides = array<i32>} : memref<5x80xi32, #tpu.memory_space<vmem>>, vector<1x16xi32>,
      %get3A_614 = vector.shape_cast %get3A_613 : vector<1x16xi32> to vector<16xi32>
      %mul3A_615 = arith.constant 2 : i32
      %mul3A_616 = vector.broadcast %mul3A_615 : i32 to vector<16xi32>
      %mul3A_617 = arith.muli %get3A_614, %mul3A_616 : vector<16xi32>
      %add3A_618 = arith.addi %mul3A_609, %mul3A_617 : vector<16xi32>
      %get3A_619 = arith.constant 1 : i32
      %get3A_620 = arith.index_cast %get3A_619 : i32 to index
      %get3A_621 = arith.constant 64 : index
      %get3A_622 = tpu.vector_load %arg9[%get3A_620, %get3A_621] {strides = array<i32>} : memref<5x80xi32, #tpu.memory_space<vmem>>, vector<1x16xi32>,
      %get3A_623 = vector.shape_cast %get3A_622 : vector<1x16xi32> to vector<16xi32>
      %add3A_624 = arith.addi %add3A_618, %get3A_623 : vector<16xi32>
      %add3A_625 = vector.broadcast %mul3A_477 : i32 to vector<16xi32>
      %add3A_626 = arith.addi %add3A_624, %add3A_625 : vector<16xi32>
      %swap3A_627 = arith.constant 1 : i32
      %swap3A_628 = arith.index_cast %swap3A_627 : i32 to index
      %swap3A_629 = arith.constant 64 : index
      %swap3A_630 = tpu.vector_load %arg10[%swap3A_628, %swap3A_629] {strides = array<i32>} : memref<5x80xi32, #tpu.memory_space<vmem>>, vector<1x16xi32>,
      %swap3A_631 = vector.shape_cast %swap3A_630 : vector<1x16xi32> to vector<16xi32>
      %swap3A_632 = vector.shape_cast %add3A_626 : vector<16xi32> to vector<1x16xi32>
      tpu.vector_store %arg10[%swap3A_628, %swap3A_629], %swap3A_632 {strides = array<i32>} : memref<5x80xi32, #tpu.memory_space<vmem>>, vector<1x16xi32>,
      %ne3A_633 = arith.constant 24 : i32
      %ne3A_634 = arith.cmpi ne, %scan3A_232, %ne3A_633 : i32
      %convert_element_type3A_635 = arith.extui %ne3A_634 : i1 to i32
      %cond3A_636 = arith.constant 0 : i32
      %cond3A_637 = arith.cmpi ne, %convert_element_type3A_635, %cond3A_636 : i32
      scf.if %cond3A_637 {
        %add3A_1426 = arith.constant 480 : i32
        %add3A_1427 = arith.addi %add3A_235, %add3A_1426 : i32
        %dma_start3A_1428 = arith.constant 1 : i32
        %dma_start3A_1429 = arith.constant 0 : i32
        %dma_start3A_1430 = tpu.memref_slice %arg7[%dma_start3A_1428, %dma_start3A_1429] : memref<5x80xi32, #tpu.memory_space<vmem>> -> memref<1x80xi32, #tpu.memory_space<vmem>>
        %dma_start3A_1431 = tpu.memref_squeeze %dma_start3A_1430 : memref<1x80xi32, #tpu.memory_space<vmem>> -> memref<80xi32, #tpu.memory_space<vmem>>
        %dma_start3A_1432 = tpu.memref_slice %arg2[%add3A_1427] : memref<320000xi32, #tpu.memory_space<hbm>> -> memref<80xi32, #tpu.memory_space<hbm>>
        %dma_start3A_1433 = arith.constant 0 : i32
        %dma_start3A_1434 = tpu.memref_slice %arg7[%dma_start3A_1428, %dma_start3A_1433] : memref<5x80xi32, #tpu.memory_space<vmem>> -> memref<1x80xi32, #tpu.memory_space<vmem>>
        %dma_start3A_1435 = tpu.memref_squeeze %dma_start3A_1434 : memref<1x80xi32, #tpu.memory_space<vmem>> -> memref<80xi32, #tpu.memory_space<vmem>>
        %dma_start3A_1436 = tpu.memref_slice %arg2[%add3A_1427] : memref<320000xi32, #tpu.memory_space<hbm>> -> memref<80xi32, #tpu.memory_space<hbm>>
        tpu.enqueue_dma source(%dma_start3A_1436 : memref<80xi32, #tpu.memory_space<hbm>>) target(%dma_start3A_1435 : memref<80xi32, #tpu.memory_space<vmem>>) target_semaphore(%arg14 : memref<!tpu.dma_semaphore, #tpu.memory_space<semaphore_mem>>)
        %dma_start3A_1437 = arith.constant 1 : i32
        %dma_start3A_1438 = arith.constant 0 : i32
        %dma_start3A_1439 = tpu.memref_slice %arg8[%dma_start3A_1437, %dma_start3A_1438] : memref<5x80xi32, #tpu.memory_space<vmem>> -> memref<1x80xi32, #tpu.memory_space<vmem>>
        %dma_start3A_1440 = tpu.memref_squeeze %dma_start3A_1439 : memref<1x80xi32, #tpu.memory_space<vmem>> -> memref<80xi32, #tpu.memory_space<vmem>>
        %dma_start3A_1441 = tpu.memref_slice %arg3[%add3A_1427] : memref<320000xi32, #tpu.memory_space<hbm>> -> memref<80xi32, #tpu.memory_space<hbm>>
        %dma_start3A_1442 = arith.constant 0 : i32
        %dma_start3A_1443 = tpu.memref_slice %arg8[%dma_start3A_1437, %dma_start3A_1442] : memref<5x80xi32, #tpu.memory_space<vmem>> -> memref<1x80xi32, #tpu.memory_space<vmem>>
        %dma_start3A_1444 = tpu.memref_squeeze %dma_start3A_1443 : memref<1x80xi32, #tpu.memory_space<vmem>> -> memref<80xi32, #tpu.memory_space<vmem>>
        %dma_start3A_1445 = tpu.memref_slice %arg3[%add3A_1427] : memref<320000xi32, #tpu.memory_space<hbm>> -> memref<80xi32, #tpu.memory_space<hbm>>
        tpu.enqueue_dma source(%dma_start3A_1445 : memref<80xi32, #tpu.memory_space<hbm>>) target(%dma_start3A_1444 : memref<80xi32, #tpu.memory_space<vmem>>) target_semaphore(%arg14 : memref<!tpu.dma_semaphore, #tpu.memory_space<semaphore_mem>>)
        %dma_start3A_1446 = arith.constant 1 : i32
        %dma_start3A_1447 = arith.constant 0 : i32
        %dma_start3A_1448 = tpu.memref_slice %arg9[%dma_start3A_1446, %dma_start3A_1447] : memref<5x80xi32, #tpu.memory_space<vmem>> -> memref<1x80xi32, #tpu.memory_space<vmem>>
        %dma_start3A_1449 = tpu.memref_squeeze %dma_start3A_1448 : memref<1x80xi32, #tpu.memory_space<vmem>> -> memref<80xi32, #tpu.memory_space<vmem>>
        %dma_start3A_1450 = tpu.memref_slice %arg4[%add3A_1427] : memref<320000xi32, #tpu.memory_space<hbm>> -> memref<80xi32, #tpu.memory_space<hbm>>
        %dma_start3A_1451 = arith.constant 0 : i32
        %dma_start3A_1452 = tpu.memref_slice %arg9[%dma_start3A_1446, %dma_start3A_1451] : memref<5x80xi32, #tpu.memory_space<vmem>> -> memref<1x80xi32, #tpu.memory_space<vmem>>
        %dma_start3A_1453 = tpu.memref_squeeze %dma_start3A_1452 : memref<1x80xi32, #tpu.memory_space<vmem>> -> memref<80xi32, #tpu.memory_space<vmem>>
        %dma_start3A_1454 = tpu.memref_slice %arg4[%add3A_1427] : memref<320000xi32, #tpu.memory_space<hbm>> -> memref<80xi32, #tpu.memory_space<hbm>>
        tpu.enqueue_dma source(%dma_start3A_1454 : memref<80xi32, #tpu.memory_space<hbm>>) target(%dma_start3A_1453 : memref<80xi32, #tpu.memory_space<vmem>>) target_semaphore(%arg14 : memref<!tpu.dma_semaphore, #tpu.memory_space<semaphore_mem>>)
      } else {
      }
      %ne3A_638 = arith.constant 0 : i32
      %ne3A_639 = arith.cmpi ne, %scan3A_232, %ne3A_638 : i32
      %convert_element_type3A_640 = arith.extui %ne3A_639 : i1 to i32
      %cond3A_641 = arith.constant 0 : i32
      %cond3A_642 = arith.cmpi ne, %convert_element_type3A_640, %cond3A_641 : i32
      scf.if %cond3A_642 {
        %dma_wait3A_1426 = arith.constant 1 : i32
        %dma_wait3A_1427 = arith.constant 0 : i32
        %dma_wait3A_1428 = arith.constant 0 : i32
        %dma_wait3A_1429 = tpu.memref_slice %arg11[%dma_wait3A_1426, %dma_wait3A_1427, %dma_wait3A_1428] : memref<5x80x128xf32, #tpu.memory_space<vmem>> -> memref<1x80x128xf32, #tpu.memory_space<vmem>>
        %dma_wait3A_1430 = tpu.memref_squeeze %dma_wait3A_1429 : memref<1x80x128xf32, #tpu.memory_space<vmem>> -> memref<80x128xf32, #tpu.memory_space<vmem>>
        %dma_wait3A_1431 = arith.constant 0 : i32
        %dma_wait3A_1432 = arith.constant 0 : i32
        %dma_wait3A_1433 = tpu.memref_slice %arg6[%dma_wait3A_1431, %dma_wait3A_1432] : memref<320000x128xf32, #tpu.memory_space<hbm>> -> memref<80x128xf32, #tpu.memory_space<hbm>>
        %dma_wait3A_1434 = arith.constant 0 : i32
        %dma_wait3A_1435 = arith.constant 0 : i32
        %dma_wait3A_1436 = tpu.memref_slice %arg6[%dma_wait3A_1434, %dma_wait3A_1435] : memref<320000x128xf32, #tpu.memory_space<hbm>> -> memref<80x128xf32, #tpu.memory_space<hbm>>
        %dma_wait3A_1437 = arith.constant 0 : i32
        %dma_wait3A_1438 = arith.constant 0 : i32
        %dma_wait3A_1439 = tpu.memref_slice %arg11[%dma_wait3A_1426, %dma_wait3A_1437, %dma_wait3A_1438] : memref<5x80x128xf32, #tpu.memory_space<vmem>> -> memref<1x80x128xf32, #tpu.memory_space<vmem>>
        %dma_wait3A_1440 = tpu.memref_squeeze %dma_wait3A_1439 : memref<1x80x128xf32, #tpu.memory_space<vmem>> -> memref<80x128xf32, #tpu.memory_space<vmem>>
        tpu.wait_dma2 semaphore(%arg24 : memref<!tpu.dma_semaphore, #tpu.memory_space<semaphore_mem>>) src(%dma_wait3A_1440 : memref<80x128xf32, #tpu.memory_space<vmem>>) dst(%dma_wait3A_1436 : memref<80x128xf32, #tpu.memory_space<hbm>>)
      } else {
      }
      %dma_start3A_643 = arith.constant 1 : i32
      %dma_start3A_644 = arith.constant 1 : i32
      %dma_start3A_645 = arith.constant 0 : i32
      %dma_start3A_646 = arith.constant 0 : i32
      %dma_start3A_647 = tpu.memref_slice %arg11[%dma_start3A_644, %dma_start3A_645, %dma_start3A_646] : memref<5x80x128xf32, #tpu.memory_space<vmem>> -> memref<1x80x128xf32, #tpu.memory_space<vmem>>
      %dma_start3A_648 = tpu.memref_squeeze %dma_start3A_647 : memref<1x80x128xf32, #tpu.memory_space<vmem>> -> memref<80x128xf32, #tpu.memory_space<vmem>>
      %dma_start3A_649 = arith.constant 0 : i32
      %dma_start3A_650 = tpu.memref_slice %arg10[%dma_start3A_643, %dma_start3A_649] : memref<5x80xi32, #tpu.memory_space<vmem>> -> memref<1x80xi32, #tpu.memory_space<vmem>>
      %dma_start3A_651 = tpu.memref_squeeze %dma_start3A_650 : memref<1x80xi32, #tpu.memory_space<vmem>> -> memref<80xi32, #tpu.memory_space<vmem>>
      %dma_start3A_652 = arith.constant 0 : i32
      %dma_start3A_653 = arith.constant 0 : i32
      %dma_start3A_654 = tpu.memref_slice %arg12[%dma_start3A_652, %dma_start3A_653] : memref<960x128xf32, #tpu.memory_space<vmem_shared>> -> memref<960x128xf32, #tpu.memory_space<vmem_shared>>
      tpu.enqueue_indirect_dma source(%dma_start3A_654 : memref<960x128xf32, #tpu.memory_space<vmem_shared>>) target(%dma_start3A_648 : memref<80x128xf32, #tpu.memory_space<vmem>>) offsets(%dma_start3A_651 : memref<80xi32, #tpu.memory_space<vmem>>) semaphore(%arg19 : memref<!tpu.dma_semaphore, #tpu.memory_space<semaphore_mem>>)
      %dma_wait3A_655 = arith.constant 2 : i32
      %dma_wait3A_656 = arith.constant 0 : i32
      %dma_wait3A_657 = tpu.memref_slice %arg7[%dma_wait3A_655, %dma_wait3A_656] : memref<5x80xi32, #tpu.memory_space<vmem>> -> memref<1x80xi32, #tpu.memory_space<vmem>>
      %dma_wait3A_658 = tpu.memref_squeeze %dma_wait3A_657 : memref<1x80xi32, #tpu.memory_space<vmem>> -> memref<80xi32, #tpu.memory_space<vmem>>
      %dma_wait3A_659 = arith.constant 0 : i32
      %dma_wait3A_660 = tpu.memref_slice %arg2[%dma_wait3A_659] : memref<320000xi32, #tpu.memory_space<hbm>> -> memref<80xi32, #tpu.memory_space<hbm>>
      %dma_wait3A_661 = arith.constant 0 : i32
      %dma_wait3A_662 = tpu.memref_slice %arg7[%dma_wait3A_655, %dma_wait3A_661] : memref<5x80xi32, #tpu.memory_space<vmem>> -> memref<1x80xi32, #tpu.memory_space<vmem>>
      %dma_wait3A_663 = tpu.memref_squeeze %dma_wait3A_662 : memref<1x80xi32, #tpu.memory_space<vmem>> -> memref<80xi32, #tpu.memory_space<vmem>>
      %dma_wait3A_664 = arith.constant 0 : i32
      %dma_wait3A_665 = tpu.memref_slice %arg2[%dma_wait3A_664] : memref<320000xi32, #tpu.memory_space<hbm>> -> memref<80xi32, #tpu.memory_space<hbm>>
      tpu.wait_dma2 semaphore(%arg15 : memref<!tpu.dma_semaphore, #tpu.memory_space<semaphore_mem>>) src(%dma_wait3A_665 : memref<80xi32, #tpu.memory_space<hbm>>) dst(%dma_wait3A_663 : memref<80xi32, #tpu.memory_space<vmem>>)
      %dma_wait3A_666 = arith.constant 2 : i32
      %dma_wait3A_667 = arith.constant 0 : i32
      %dma_wait3A_668 = tpu.memref_slice %arg8[%dma_wait3A_666, %dma_wait3A_667] : memref<5x80xi32, #tpu.memory_space<vmem>> -> memref<1x80xi32, #tpu.memory_space<vmem>>
      %dma_wait3A_669 = tpu.memref_squeeze %dma_wait3A_668 : memref<1x80xi32, #tpu.memory_space<vmem>> -> memref<80xi32, #tpu.memory_space<vmem>>
      %dma_wait3A_670 = arith.constant 0 : i32
      %dma_wait3A_671 = tpu.memref_slice %arg3[%dma_wait3A_670] : memref<320000xi32, #tpu.memory_space<hbm>> -> memref<80xi32, #tpu.memory_space<hbm>>
      %dma_wait3A_672 = arith.constant 0 : i32
      %dma_wait3A_673 = tpu.memref_slice %arg8[%dma_wait3A_666, %dma_wait3A_672] : memref<5x80xi32, #tpu.memory_space<vmem>> -> memref<1x80xi32, #tpu.memory_space<vmem>>
      %dma_wait3A_674 = tpu.memref_squeeze %dma_wait3A_673 : memref<1x80xi32, #tpu.memory_space<vmem>> -> memref<80xi32, #tpu.memory_space<vmem>>
      %dma_wait3A_675 = arith.constant 0 : i32
      %dma_wait3A_676 = tpu.memref_slice %arg3[%dma_wait3A_675] : memref<320000xi32, #tpu.memory_space<hbm>> -> memref<80xi32, #tpu.memory_space<hbm>>
      tpu.wait_dma2 semaphore(%arg15 : memref<!tpu.dma_semaphore, #tpu.memory_space<semaphore_mem>>) src(%dma_wait3A_676 : memref<80xi32, #tpu.memory_space<hbm>>) dst(%dma_wait3A_674 : memref<80xi32, #tpu.memory_space<vmem>>)
      %dma_wait3A_677 = arith.constant 2 : i32
      %dma_wait3A_678 = arith.constant 0 : i32
      %dma_wait3A_679 = tpu.memref_slice %arg9[%dma_wait3A_677, %dma_wait3A_678] : memref<5x80xi32, #tpu.memory_space<vmem>> -> memref<1x80xi32, #tpu.memory_space<vmem>>
      %dma_wait3A_680 = tpu.memref_squeeze %dma_wait3A_679 : memref<1x80xi32, #tpu.memory_space<vmem>> -> memref<80xi32, #tpu.memory_space<vmem>>
      %dma_wait3A_681 = arith.constant 0 : i32
      %dma_wait3A_682 = tpu.memref_slice %arg4[%dma_wait3A_681] : memref<320000xi32, #tpu.memory_space<hbm>> -> memref<80xi32, #tpu.memory_space<hbm>>
      %dma_wait3A_683 = arith.constant 0 : i32
      %dma_wait3A_684 = tpu.memref_slice %arg9[%dma_wait3A_677, %dma_wait3A_683] : memref<5x80xi32, #tpu.memory_space<vmem>> -> memref<1x80xi32, #tpu.memory_space<vmem>>
      %dma_wait3A_685 = tpu.memref_squeeze %dma_wait3A_684 : memref<1x80xi32, #tpu.memory_space<vmem>> -> memref<80xi32, #tpu.memory_space<vmem>>
      %dma_wait3A_686 = arith.constant 0 : i32
      %dma_wait3A_687 = tpu.memref_slice %arg4[%dma_wait3A_686] : memref<320000xi32, #tpu.memory_space<hbm>> -> memref<80xi32, #tpu.memory_space<hbm>>
      tpu.wait_dma2 semaphore(%arg15 : memref<!tpu.dma_semaphore, #tpu.memory_space<semaphore_mem>>) src(%dma_wait3A_687 : memref<80xi32, #tpu.memory_space<hbm>>) dst(%dma_wait3A_685 : memref<80xi32, #tpu.memory_space<vmem>>)
      %mul3A_688 = arith.constant 60 : i32
      %mul3A_689 = arith.muli %arg1, %mul3A_688 : i32
      %get3A_690 = arith.constant 2 : i32
      %get3A_691 = arith.index_cast %get3A_690 : i32 to index
      %get3A_692 = arith.constant 0 : index
      %get3A_693 = tpu.vector_load %arg7[%get3A_691, %get3A_692] {strides = array<i32>} : memref<5x80xi32, #tpu.memory_space<vmem>>, vector<1x16xi32>,
      %get3A_694 = vector.shape_cast %get3A_693 : vector<1x16xi32> to vector<16xi32>
      %mul3A_695 = arith.constant 12 : i32
      %mul3A_696 = vector.broadcast %mul3A_695 : i32 to vector<16xi32>
      %mul3A_697 = arith.muli %get3A_694, %mul3A_696 : vector<16xi32>
      %get3A_698 = arith.constant 2 : i32
      %get3A_699 = arith.index_cast %get3A_698 : i32 to index
      %get3A_700 = arith.constant 0 : index
      %get3A_701 = tpu.vector_load %arg8[%get3A_699, %get3A_700] {strides = array<i32>} : memref<5x80xi32, #tpu.memory_space<vmem>>, vector<1x16xi32>,
      %get3A_702 = vector.shape_cast %get3A_701 : vector<1x16xi32> to vector<16xi32>
      %mul3A_703 = arith.constant 2 : i32
      %mul3A_704 = vector.broadcast %mul3A_703 : i32 to vector<16xi32>
      %mul3A_705 = arith.muli %get3A_702, %mul3A_704 : vector<16xi32>
      %add3A_706 = arith.addi %mul3A_697, %mul3A_705 : vector<16xi32>
      %get3A_707 = arith.constant 2 : i32
      %get3A_708 = arith.index_cast %get3A_707 : i32 to index
      %get3A_709 = arith.constant 0 : index
      %get3A_710 = tpu.vector_load %arg9[%get3A_708, %get3A_709] {strides = array<i32>} : memref<5x80xi32, #tpu.memory_space<vmem>>, vector<1x16xi32>,
      %get3A_711 = vector.shape_cast %get3A_710 : vector<1x16xi32> to vector<16xi32>
      %add3A_712 = arith.addi %add3A_706, %get3A_711 : vector<16xi32>
      %add3A_713 = vector.broadcast %mul3A_689 : i32 to vector<16xi32>
      %add3A_714 = arith.addi %add3A_712, %add3A_713 : vector<16xi32>
      %swap3A_715 = arith.constant 2 : i32
      %swap3A_716 = arith.index_cast %swap3A_715 : i32 to index
      %swap3A_717 = arith.constant 0 : index
      %swap3A_718 = tpu.vector_load %arg10[%swap3A_716, %swap3A_717] {strides = array<i32>} : memref<5x80xi32, #tpu.memory_space<vmem>>, vector<1x16xi32>,
      %swap3A_719 = vector.shape_cast %swap3A_718 : vector<1x16xi32> to vector<16xi32>
      %swap3A_720 = vector.shape_cast %add3A_714 : vector<16xi32> to vector<1x16xi32>
      tpu.vector_store %arg10[%swap3A_716, %swap3A_717], %swap3A_720 {strides = array<i32>} : memref<5x80xi32, #tpu.memory_space<vmem>>, vector<1x16xi32>,
      %get3A_721 = arith.constant 2 : i32
      %get3A_722 = arith.index_cast %get3A_721 : i32 to index
      %get3A_723 = arith.constant 16 : index
      %get3A_724 = tpu.vector_load %arg7[%get3A_722, %get3A_723] {strides = array<i32>} : memref<5x80xi32, #tpu.memory_space<vmem>>, vector<1x16xi32>,
      %get3A_725 = vector.shape_cast %get3A_724 : vector<1x16xi32> to vector<16xi32>
      %mul3A_726 = arith.constant 12 : i32
      %mul3A_727 = vector.broadcast %mul3A_726 : i32 to vector<16xi32>
      %mul3A_728 = arith.muli %get3A_725, %mul3A_727 : vector<16xi32>
      %get3A_729 = arith.constant 2 : i32
      %get3A_730 = arith.index_cast %get3A_729 : i32 to index
      %get3A_731 = arith.constant 16 : index
      %get3A_732 = tpu.vector_load %arg8[%get3A_730, %get3A_731] {strides = array<i32>} : memref<5x80xi32, #tpu.memory_space<vmem>>, vector<1x16xi32>,
      %get3A_733 = vector.shape_cast %get3A_732 : vector<1x16xi32> to vector<16xi32>
      %mul3A_734 = arith.constant 2 : i32
      %mul3A_735 = vector.broadcast %mul3A_734 : i32 to vector<16xi32>
      %mul3A_736 = arith.muli %get3A_733, %mul3A_735 : vector<16xi32>
      %add3A_737 = arith.addi %mul3A_728, %mul3A_736 : vector<16xi32>
      %get3A_738 = arith.constant 2 : i32
      %get3A_739 = arith.index_cast %get3A_738 : i32 to index
      %get3A_740 = arith.constant 16 : index
      %get3A_741 = tpu.vector_load %arg9[%get3A_739, %get3A_740] {strides = array<i32>} : memref<5x80xi32, #tpu.memory_space<vmem>>, vector<1x16xi32>,
      %get3A_742 = vector.shape_cast %get3A_741 : vector<1x16xi32> to vector<16xi32>
      %add3A_743 = arith.addi %add3A_737, %get3A_742 : vector<16xi32>
      %add3A_744 = vector.broadcast %mul3A_689 : i32 to vector<16xi32>
      %add3A_745 = arith.addi %add3A_743, %add3A_744 : vector<16xi32>
      %swap3A_746 = arith.constant 2 : i32
      %swap3A_747 = arith.index_cast %swap3A_746 : i32 to index
      %swap3A_748 = arith.constant 16 : index
      %swap3A_749 = tpu.vector_load %arg10[%swap3A_747, %swap3A_748] {strides = array<i32>} : memref<5x80xi32, #tpu.memory_space<vmem>>, vector<1x16xi32>,
      %swap3A_750 = vector.shape_cast %swap3A_749 : vector<1x16xi32> to vector<16xi32>
      %swap3A_751 = vector.shape_cast %add3A_745 : vector<16xi32> to vector<1x16xi32>
      tpu.vector_store %arg10[%swap3A_747, %swap3A_748], %swap3A_751 {strides = array<i32>} : memref<5x80xi32, #tpu.memory_space<vmem>>, vector<1x16xi32>,
      %get3A_752 = arith.constant 2 : i32
      %get3A_753 = arith.index_cast %get3A_752 : i32 to index
      %get3A_754 = arith.constant 32 : index
      %get3A_755 = tpu.vector_load %arg7[%get3A_753, %get3A_754] {strides = array<i32>} : memref<5x80xi32, #tpu.memory_space<vmem>>, vector<1x16xi32>,
      %get3A_756 = vector.shape_cast %get3A_755 : vector<1x16xi32> to vector<16xi32>
      %mul3A_757 = arith.constant 12 : i32
      %mul3A_758 = vector.broadcast %mul3A_757 : i32 to vector<16xi32>
      %mul3A_759 = arith.muli %get3A_756, %mul3A_758 : vector<16xi32>
      %get3A_760 = arith.constant 2 : i32
      %get3A_761 = arith.index_cast %get3A_760 : i32 to index
      %get3A_762 = arith.constant 32 : index
      %get3A_763 = tpu.vector_load %arg8[%get3A_761, %get3A_762] {strides = array<i32>} : memref<5x80xi32, #tpu.memory_space<vmem>>, vector<1x16xi32>,
      %get3A_764 = vector.shape_cast %get3A_763 : vector<1x16xi32> to vector<16xi32>
      %mul3A_765 = arith.constant 2 : i32
      %mul3A_766 = vector.broadcast %mul3A_765 : i32 to vector<16xi32>
      %mul3A_767 = arith.muli %get3A_764, %mul3A_766 : vector<16xi32>
      %add3A_768 = arith.addi %mul3A_759, %mul3A_767 : vector<16xi32>
      %get3A_769 = arith.constant 2 : i32
      %get3A_770 = arith.index_cast %get3A_769 : i32 to index
      %get3A_771 = arith.constant 32 : index
      %get3A_772 = tpu.vector_load %arg9[%get3A_770, %get3A_771] {strides = array<i32>} : memref<5x80xi32, #tpu.memory_space<vmem>>, vector<1x16xi32>,
      %get3A_773 = vector.shape_cast %get3A_772 : vector<1x16xi32> to vector<16xi32>
      %add3A_774 = arith.addi %add3A_768, %get3A_773 : vector<16xi32>
      %add3A_775 = vector.broadcast %mul3A_689 : i32 to vector<16xi32>
      %add3A_776 = arith.addi %add3A_774, %add3A_775 : vector<16xi32>
      %swap3A_777 = arith.constant 2 : i32
      %swap3A_778 = arith.index_cast %swap3A_777 : i32 to index
      %swap3A_779 = arith.constant 32 : index
      %swap3A_780 = tpu.vector_load %arg10[%swap3A_778, %swap3A_779] {strides = array<i32>} : memref<5x80xi32, #tpu.memory_space<vmem>>, vector<1x16xi32>,
      %swap3A_781 = vector.shape_cast %swap3A_780 : vector<1x16xi32> to vector<16xi32>
      %swap3A_782 = vector.shape_cast %add3A_776 : vector<16xi32> to vector<1x16xi32>
      tpu.vector_store %arg10[%swap3A_778, %swap3A_779], %swap3A_782 {strides = array<i32>} : memref<5x80xi32, #tpu.memory_space<vmem>>, vector<1x16xi32>,
      %get3A_783 = arith.constant 2 : i32
      %get3A_784 = arith.index_cast %get3A_783 : i32 to index
      %get3A_785 = arith.constant 48 : index
      %get3A_786 = tpu.vector_load %arg7[%get3A_784, %get3A_785] {strides = array<i32>} : memref<5x80xi32, #tpu.memory_space<vmem>>, vector<1x16xi32>,
      %get3A_787 = vector.shape_cast %get3A_786 : vector<1x16xi32> to vector<16xi32>
      %mul3A_788 = arith.constant 12 : i32
      %mul3A_789 = vector.broadcast %mul3A_788 : i32 to vector<16xi32>
      %mul3A_790 = arith.muli %get3A_787, %mul3A_789 : vector<16xi32>
      %get3A_791 = arith.constant 2 : i32
      %get3A_792 = arith.index_cast %get3A_791 : i32 to index
      %get3A_793 = arith.constant 48 : index
      %get3A_794 = tpu.vector_load %arg8[%get3A_792, %get3A_793] {strides = array<i32>} : memref<5x80xi32, #tpu.memory_space<vmem>>, vector<1x16xi32>,
      %get3A_795 = vector.shape_cast %get3A_794 : vector<1x16xi32> to vector<16xi32>
      %mul3A_796 = arith.constant 2 : i32
      %mul3A_797 = vector.broadcast %mul3A_796 : i32 to vector<16xi32>
      %mul3A_798 = arith.muli %get3A_795, %mul3A_797 : vector<16xi32>
      %add3A_799 = arith.addi %mul3A_790, %mul3A_798 : vector<16xi32>
      %get3A_800 = arith.constant 2 : i32
      %get3A_801 = arith.index_cast %get3A_800 : i32 to index
      %get3A_802 = arith.constant 48 : index
      %get3A_803 = tpu.vector_load %arg9[%get3A_801, %get3A_802] {strides = array<i32>} : memref<5x80xi32, #tpu.memory_space<vmem>>, vector<1x16xi32>,
      %get3A_804 = vector.shape_cast %get3A_803 : vector<1x16xi32> to vector<16xi32>
      %add3A_805 = arith.addi %add3A_799, %get3A_804 : vector<16xi32>
      %add3A_806 = vector.broadcast %mul3A_689 : i32 to vector<16xi32>
      %add3A_807 = arith.addi %add3A_805, %add3A_806 : vector<16xi32>
      %swap3A_808 = arith.constant 2 : i32
      %swap3A_809 = arith.index_cast %swap3A_808 : i32 to index
      %swap3A_810 = arith.constant 48 : index
      %swap3A_811 = tpu.vector_load %arg10[%swap3A_809, %swap3A_810] {strides = array<i32>} : memref<5x80xi32, #tpu.memory_space<vmem>>, vector<1x16xi32>,
      %swap3A_812 = vector.shape_cast %swap3A_811 : vector<1x16xi32> to vector<16xi32>
      %swap3A_813 = vector.shape_cast %add3A_807 : vector<16xi32> to vector<1x16xi32>
      tpu.vector_store %arg10[%swap3A_809, %swap3A_810], %swap3A_813 {strides = array<i32>} : memref<5x80xi32, #tpu.memory_space<vmem>>, vector<1x16xi32>,
      %get3A_814 = arith.constant 2 : i32
      %get3A_815 = arith.index_cast %get3A_814 : i32 to index
      %get3A_816 = arith.constant 64 : index
      %get3A_817 = tpu.vector_load %arg7[%get3A_815, %get3A_816] {strides = array<i32>} : memref<5x80xi32, #tpu.memory_space<vmem>>, vector<1x16xi32>,
      %get3A_818 = vector.shape_cast %get3A_817 : vector<1x16xi32> to vector<16xi32>
      %mul3A_819 = arith.constant 12 : i32
      %mul3A_820 = vector.broadcast %mul3A_819 : i32 to vector<16xi32>
      %mul3A_821 = arith.muli %get3A_818, %mul3A_820 : vector<16xi32>
      %get3A_822 = arith.constant 2 : i32
      %get3A_823 = arith.index_cast %get3A_822 : i32 to index
      %get3A_824 = arith.constant 64 : index
      %get3A_825 = tpu.vector_load %arg8[%get3A_823, %get3A_824] {strides = array<i32>} : memref<5x80xi32, #tpu.memory_space<vmem>>, vector<1x16xi32>,
      %get3A_826 = vector.shape_cast %get3A_825 : vector<1x16xi32> to vector<16xi32>
      %mul3A_827 = arith.constant 2 : i32
      %mul3A_828 = vector.broadcast %mul3A_827 : i32 to vector<16xi32>
      %mul3A_829 = arith.muli %get3A_826, %mul3A_828 : vector<16xi32>
      %add3A_830 = arith.addi %mul3A_821, %mul3A_829 : vector<16xi32>
      %get3A_831 = arith.constant 2 : i32
      %get3A_832 = arith.index_cast %get3A_831 : i32 to index
      %get3A_833 = arith.constant 64 : index
      %get3A_834 = tpu.vector_load %arg9[%get3A_832, %get3A_833] {strides = array<i32>} : memref<5x80xi32, #tpu.memory_space<vmem>>, vector<1x16xi32>,
      %get3A_835 = vector.shape_cast %get3A_834 : vector<1x16xi32> to vector<16xi32>
      %add3A_836 = arith.addi %add3A_830, %get3A_835 : vector<16xi32>
      %add3A_837 = vector.broadcast %mul3A_689 : i32 to vector<16xi32>
      %add3A_838 = arith.addi %add3A_836, %add3A_837 : vector<16xi32>
      %swap3A_839 = arith.constant 2 : i32
      %swap3A_840 = arith.index_cast %swap3A_839 : i32 to index
      %swap3A_841 = arith.constant 64 : index
      %swap3A_842 = tpu.vector_load %arg10[%swap3A_840, %swap3A_841] {strides = array<i32>} : memref<5x80xi32, #tpu.memory_space<vmem>>, vector<1x16xi32>,
      %swap3A_843 = vector.shape_cast %swap3A_842 : vector<1x16xi32> to vector<16xi32>
      %swap3A_844 = vector.shape_cast %add3A_838 : vector<16xi32> to vector<1x16xi32>
      tpu.vector_store %arg10[%swap3A_840, %swap3A_841], %swap3A_844 {strides = array<i32>} : memref<5x80xi32, #tpu.memory_space<vmem>>, vector<1x16xi32>,
      %ne3A_845 = arith.constant 24 : i32
      %ne3A_846 = arith.cmpi ne, %scan3A_232, %ne3A_845 : i32
      %convert_element_type3A_847 = arith.extui %ne3A_846 : i1 to i32
      %cond3A_848 = arith.constant 0 : i32
      %cond3A_849 = arith.cmpi ne, %convert_element_type3A_847, %cond3A_848 : i32
      scf.if %cond3A_849 {
        %add3A_1426 = arith.constant 560 : i32
        %add3A_1427 = arith.addi %add3A_235, %add3A_1426 : i32
        %dma_start3A_1428 = arith.constant 2 : i32
        %dma_start3A_1429 = arith.constant 0 : i32
        %dma_start3A_1430 = tpu.memref_slice %arg7[%dma_start3A_1428, %dma_start3A_1429] : memref<5x80xi32, #tpu.memory_space<vmem>> -> memref<1x80xi32, #tpu.memory_space<vmem>>
        %dma_start3A_1431 = tpu.memref_squeeze %dma_start3A_1430 : memref<1x80xi32, #tpu.memory_space<vmem>> -> memref<80xi32, #tpu.memory_space<vmem>>
        %dma_start3A_1432 = tpu.memref_slice %arg2[%add3A_1427] : memref<320000xi32, #tpu.memory_space<hbm>> -> memref<80xi32, #tpu.memory_space<hbm>>
        %dma_start3A_1433 = arith.constant 0 : i32
        %dma_start3A_1434 = tpu.memref_slice %arg7[%dma_start3A_1428, %dma_start3A_1433] : memref<5x80xi32, #tpu.memory_space<vmem>> -> memref<1x80xi32, #tpu.memory_space<vmem>>
        %dma_start3A_1435 = tpu.memref_squeeze %dma_start3A_1434 : memref<1x80xi32, #tpu.memory_space<vmem>> -> memref<80xi32, #tpu.memory_space<vmem>>
        %dma_start3A_1436 = tpu.memref_slice %arg2[%add3A_1427] : memref<320000xi32, #tpu.memory_space<hbm>> -> memref<80xi32, #tpu.memory_space<hbm>>
        tpu.enqueue_dma source(%dma_start3A_1436 : memref<80xi32, #tpu.memory_space<hbm>>) target(%dma_start3A_1435 : memref<80xi32, #tpu.memory_space<vmem>>) target_semaphore(%arg15 : memref<!tpu.dma_semaphore, #tpu.memory_space<semaphore_mem>>)
        %dma_start3A_1437 = arith.constant 2 : i32
        %dma_start3A_1438 = arith.constant 0 : i32
        %dma_start3A_1439 = tpu.memref_slice %arg8[%dma_start3A_1437, %dma_start3A_1438] : memref<5x80xi32, #tpu.memory_space<vmem>> -> memref<1x80xi32, #tpu.memory_space<vmem>>
        %dma_start3A_1440 = tpu.memref_squeeze %dma_start3A_1439 : memref<1x80xi32, #tpu.memory_space<vmem>> -> memref<80xi32, #tpu.memory_space<vmem>>
        %dma_start3A_1441 = tpu.memref_slice %arg3[%add3A_1427] : memref<320000xi32, #tpu.memory_space<hbm>> -> memref<80xi32, #tpu.memory_space<hbm>>
        %dma_start3A_1442 = arith.constant 0 : i32
        %dma_start3A_1443 = tpu.memref_slice %arg8[%dma_start3A_1437, %dma_start3A_1442] : memref<5x80xi32, #tpu.memory_space<vmem>> -> memref<1x80xi32, #tpu.memory_space<vmem>>
        %dma_start3A_1444 = tpu.memref_squeeze %dma_start3A_1443 : memref<1x80xi32, #tpu.memory_space<vmem>> -> memref<80xi32, #tpu.memory_space<vmem>>
        %dma_start3A_1445 = tpu.memref_slice %arg3[%add3A_1427] : memref<320000xi32, #tpu.memory_space<hbm>> -> memref<80xi32, #tpu.memory_space<hbm>>
        tpu.enqueue_dma source(%dma_start3A_1445 : memref<80xi32, #tpu.memory_space<hbm>>) target(%dma_start3A_1444 : memref<80xi32, #tpu.memory_space<vmem>>) target_semaphore(%arg15 : memref<!tpu.dma_semaphore, #tpu.memory_space<semaphore_mem>>)
        %dma_start3A_1446 = arith.constant 2 : i32
        %dma_start3A_1447 = arith.constant 0 : i32
        %dma_start3A_1448 = tpu.memref_slice %arg9[%dma_start3A_1446, %dma_start3A_1447] : memref<5x80xi32, #tpu.memory_space<vmem>> -> memref<1x80xi32, #tpu.memory_space<vmem>>
        %dma_start3A_1449 = tpu.memref_squeeze %dma_start3A_1448 : memref<1x80xi32, #tpu.memory_space<vmem>> -> memref<80xi32, #tpu.memory_space<vmem>>
        %dma_start3A_1450 = tpu.memref_slice %arg4[%add3A_1427] : memref<320000xi32, #tpu.memory_space<hbm>> -> memref<80xi32, #tpu.memory_space<hbm>>
        %dma_start3A_1451 = arith.constant 0 : i32
        %dma_start3A_1452 = tpu.memref_slice %arg9[%dma_start3A_1446, %dma_start3A_1451] : memref<5x80xi32, #tpu.memory_space<vmem>> -> memref<1x80xi32, #tpu.memory_space<vmem>>
        %dma_start3A_1453 = tpu.memref_squeeze %dma_start3A_1452 : memref<1x80xi32, #tpu.memory_space<vmem>> -> memref<80xi32, #tpu.memory_space<vmem>>
        %dma_start3A_1454 = tpu.memref_slice %arg4[%add3A_1427] : memref<320000xi32, #tpu.memory_space<hbm>> -> memref<80xi32, #tpu.memory_space<hbm>>
        tpu.enqueue_dma source(%dma_start3A_1454 : memref<80xi32, #tpu.memory_space<hbm>>) target(%dma_start3A_1453 : memref<80xi32, #tpu.memory_space<vmem>>) target_semaphore(%arg15 : memref<!tpu.dma_semaphore, #tpu.memory_space<semaphore_mem>>)
      } else {
      }
      %ne3A_850 = arith.constant 0 : i32
      %ne3A_851 = arith.cmpi ne, %scan3A_232, %ne3A_850 : i32
      %convert_element_type3A_852 = arith.extui %ne3A_851 : i1 to i32
      %cond3A_853 = arith.constant 0 : i32
      %cond3A_854 = arith.cmpi ne, %convert_element_type3A_852, %cond3A_853 : i32
      scf.if %cond3A_854 {
        %dma_wait3A_1426 = arith.constant 2 : i32
        %dma_wait3A_1427 = arith.constant 0 : i32
        %dma_wait3A_1428 = arith.constant 0 : i32
        %dma_wait3A_1429 = tpu.memref_slice %arg11[%dma_wait3A_1426, %dma_wait3A_1427, %dma_wait3A_1428] : memref<5x80x128xf32, #tpu.memory_space<vmem>> -> memref<1x80x128xf32, #tpu.memory_space<vmem>>
        %dma_wait3A_1430 = tpu.memref_squeeze %dma_wait3A_1429 : memref<1x80x128xf32, #tpu.memory_space<vmem>> -> memref<80x128xf32, #tpu.memory_space<vmem>>
        %dma_wait3A_1431 = arith.constant 0 : i32
        %dma_wait3A_1432 = arith.constant 0 : i32
        %dma_wait3A_1433 = tpu.memref_slice %arg6[%dma_wait3A_1431, %dma_wait3A_1432] : memref<320000x128xf32, #tpu.memory_space<hbm>> -> memref<80x128xf32, #tpu.memory_space<hbm>>
        %dma_wait3A_1434 = arith.constant 0 : i32
        %dma_wait3A_1435 = arith.constant 0 : i32
        %dma_wait3A_1436 = tpu.memref_slice %arg6[%dma_wait3A_1434, %dma_wait3A_1435] : memref<320000x128xf32, #tpu.memory_space<hbm>> -> memref<80x128xf32, #tpu.memory_space<hbm>>
        %dma_wait3A_1437 = arith.constant 0 : i32
        %dma_wait3A_1438 = arith.constant 0 : i32
        %dma_wait3A_1439 = tpu.memref_slice %arg11[%dma_wait3A_1426, %dma_wait3A_1437, %dma_wait3A_1438] : memref<5x80x128xf32, #tpu.memory_space<vmem>> -> memref<1x80x128xf32, #tpu.memory_space<vmem>>
        %dma_wait3A_1440 = tpu.memref_squeeze %dma_wait3A_1439 : memref<1x80x128xf32, #tpu.memory_space<vmem>> -> memref<80x128xf32, #tpu.memory_space<vmem>>
        tpu.wait_dma2 semaphore(%arg25 : memref<!tpu.dma_semaphore, #tpu.memory_space<semaphore_mem>>) src(%dma_wait3A_1440 : memref<80x128xf32, #tpu.memory_space<vmem>>) dst(%dma_wait3A_1436 : memref<80x128xf32, #tpu.memory_space<hbm>>)
      } else {
      }
      %dma_start3A_855 = arith.constant 2 : i32
      %dma_start3A_856 = arith.constant 2 : i32
      %dma_start3A_857 = arith.constant 0 : i32
      %dma_start3A_858 = arith.constant 0 : i32
      %dma_start3A_859 = tpu.memref_slice %arg11[%dma_start3A_856, %dma_start3A_857, %dma_start3A_858] : memref<5x80x128xf32, #tpu.memory_space<vmem>> -> memref<1x80x128xf32, #tpu.memory_space<vmem>>
      %dma_start3A_860 = tpu.memref_squeeze %dma_start3A_859 : memref<1x80x128xf32, #tpu.memory_space<vmem>> -> memref<80x128xf32, #tpu.memory_space<vmem>>
      %dma_start3A_861 = arith.constant 0 : i32
      %dma_start3A_862 = tpu.memref_slice %arg10[%dma_start3A_855, %dma_start3A_861] : memref<5x80xi32, #tpu.memory_space<vmem>> -> memref<1x80xi32, #tpu.memory_space<vmem>>
      %dma_start3A_863 = tpu.memref_squeeze %dma_start3A_862 : memref<1x80xi32, #tpu.memory_space<vmem>> -> memref<80xi32, #tpu.memory_space<vmem>>
      %dma_start3A_864 = arith.constant 0 : i32
      %dma_start3A_865 = arith.constant 0 : i32
      %dma_start3A_866 = tpu.memref_slice %arg12[%dma_start3A_864, %dma_start3A_865] : memref<960x128xf32, #tpu.memory_space<vmem_shared>> -> memref<960x128xf32, #tpu.memory_space<vmem_shared>>
      tpu.enqueue_indirect_dma source(%dma_start3A_866 : memref<960x128xf32, #tpu.memory_space<vmem_shared>>) target(%dma_start3A_860 : memref<80x128xf32, #tpu.memory_space<vmem>>) offsets(%dma_start3A_863 : memref<80xi32, #tpu.memory_space<vmem>>) semaphore(%arg20 : memref<!tpu.dma_semaphore, #tpu.memory_space<semaphore_mem>>)
      %dma_wait3A_867 = arith.constant 3 : i32
      %dma_wait3A_868 = arith.constant 0 : i32
      %dma_wait3A_869 = tpu.memref_slice %arg7[%dma_wait3A_867, %dma_wait3A_868] : memref<5x80xi32, #tpu.memory_space<vmem>> -> memref<1x80xi32, #tpu.memory_space<vmem>>
      %dma_wait3A_870 = tpu.memref_squeeze %dma_wait3A_869 : memref<1x80xi32, #tpu.memory_space<vmem>> -> memref<80xi32, #tpu.memory_space<vmem>>
      %dma_wait3A_871 = arith.constant 0 : i32
      %dma_wait3A_872 = tpu.memref_slice %arg2[%dma_wait3A_871] : memref<320000xi32, #tpu.memory_space<hbm>> -> memref<80xi32, #tpu.memory_space<hbm>>
      %dma_wait3A_873 = arith.constant 0 : i32
      %dma_wait3A_874 = tpu.memref_slice %arg7[%dma_wait3A_867, %dma_wait3A_873] : memref<5x80xi32, #tpu.memory_space<vmem>> -> memref<1x80xi32, #tpu.memory_space<vmem>>
      %dma_wait3A_875 = tpu.memref_squeeze %dma_wait3A_874 : memref<1x80xi32, #tpu.memory_space<vmem>> -> memref<80xi32, #tpu.memory_space<vmem>>
      %dma_wait3A_876 = arith.constant 0 : i32
      %dma_wait3A_877 = tpu.memref_slice %arg2[%dma_wait3A_876] : memref<320000xi32, #tpu.memory_space<hbm>> -> memref<80xi32, #tpu.memory_space<hbm>>
      tpu.wait_dma2 semaphore(%arg16 : memref<!tpu.dma_semaphore, #tpu.memory_space<semaphore_mem>>) src(%dma_wait3A_877 : memref<80xi32, #tpu.memory_space<hbm>>) dst(%dma_wait3A_875 : memref<80xi32, #tpu.memory_space<vmem>>)
      %dma_wait3A_878 = arith.constant 3 : i32
      %dma_wait3A_879 = arith.constant 0 : i32
      %dma_wait3A_880 = tpu.memref_slice %arg8[%dma_wait3A_878, %dma_wait3A_879] : memref<5x80xi32, #tpu.memory_space<vmem>> -> memref<1x80xi32, #tpu.memory_space<vmem>>
      %dma_wait3A_881 = tpu.memref_squeeze %dma_wait3A_880 : memref<1x80xi32, #tpu.memory_space<vmem>> -> memref<80xi32, #tpu.memory_space<vmem>>
      %dma_wait3A_882 = arith.constant 0 : i32
      %dma_wait3A_883 = tpu.memref_slice %arg3[%dma_wait3A_882] : memref<320000xi32, #tpu.memory_space<hbm>> -> memref<80xi32, #tpu.memory_space<hbm>>
      %dma_wait3A_884 = arith.constant 0 : i32
      %dma_wait3A_885 = tpu.memref_slice %arg8[%dma_wait3A_878, %dma_wait3A_884] : memref<5x80xi32, #tpu.memory_space<vmem>> -> memref<1x80xi32, #tpu.memory_space<vmem>>
      %dma_wait3A_886 = tpu.memref_squeeze %dma_wait3A_885 : memref<1x80xi32, #tpu.memory_space<vmem>> -> memref<80xi32, #tpu.memory_space<vmem>>
      %dma_wait3A_887 = arith.constant 0 : i32
      %dma_wait3A_888 = tpu.memref_slice %arg3[%dma_wait3A_887] : memref<320000xi32, #tpu.memory_space<hbm>> -> memref<80xi32, #tpu.memory_space<hbm>>
      tpu.wait_dma2 semaphore(%arg16 : memref<!tpu.dma_semaphore, #tpu.memory_space<semaphore_mem>>) src(%dma_wait3A_888 : memref<80xi32, #tpu.memory_space<hbm>>) dst(%dma_wait3A_886 : memref<80xi32, #tpu.memory_space<vmem>>)
      %dma_wait3A_889 = arith.constant 3 : i32
      %dma_wait3A_890 = arith.constant 0 : i32
      %dma_wait3A_891 = tpu.memref_slice %arg9[%dma_wait3A_889, %dma_wait3A_890] : memref<5x80xi32, #tpu.memory_space<vmem>> -> memref<1x80xi32, #tpu.memory_space<vmem>>
      %dma_wait3A_892 = tpu.memref_squeeze %dma_wait3A_891 : memref<1x80xi32, #tpu.memory_space<vmem>> -> memref<80xi32, #tpu.memory_space<vmem>>
      %dma_wait3A_893 = arith.constant 0 : i32
      %dma_wait3A_894 = tpu.memref_slice %arg4[%dma_wait3A_893] : memref<320000xi32, #tpu.memory_space<hbm>> -> memref<80xi32, #tpu.memory_space<hbm>>
      %dma_wait3A_895 = arith.constant 0 : i32
      %dma_wait3A_896 = tpu.memref_slice %arg9[%dma_wait3A_889, %dma_wait3A_895] : memref<5x80xi32, #tpu.memory_space<vmem>> -> memref<1x80xi32, #tpu.memory_space<vmem>>
      %dma_wait3A_897 = tpu.memref_squeeze %dma_wait3A_896 : memref<1x80xi32, #tpu.memory_space<vmem>> -> memref<80xi32, #tpu.memory_space<vmem>>
      %dma_wait3A_898 = arith.constant 0 : i32
      %dma_wait3A_899 = tpu.memref_slice %arg4[%dma_wait3A_898] : memref<320000xi32, #tpu.memory_space<hbm>> -> memref<80xi32, #tpu.memory_space<hbm>>
      tpu.wait_dma2 semaphore(%arg16 : memref<!tpu.dma_semaphore, #tpu.memory_space<semaphore_mem>>) src(%dma_wait3A_899 : memref<80xi32, #tpu.memory_space<hbm>>) dst(%dma_wait3A_897 : memref<80xi32, #tpu.memory_space<vmem>>)
      %mul3A_900 = arith.constant 60 : i32
      %mul3A_901 = arith.muli %arg1, %mul3A_900 : i32
      %get3A_902 = arith.constant 3 : i32
      %get3A_903 = arith.index_cast %get3A_902 : i32 to index
      %get3A_904 = arith.constant 0 : index
      %get3A_905 = tpu.vector_load %arg7[%get3A_903, %get3A_904] {strides = array<i32>} : memref<5x80xi32, #tpu.memory_space<vmem>>, vector<1x16xi32>,
      %get3A_906 = vector.shape_cast %get3A_905 : vector<1x16xi32> to vector<16xi32>
      %mul3A_907 = arith.constant 12 : i32
      %mul3A_908 = vector.broadcast %mul3A_907 : i32 to vector<16xi32>
      %mul3A_909 = arith.muli %get3A_906, %mul3A_908 : vector<16xi32>
      %get3A_910 = arith.constant 3 : i32
      %get3A_911 = arith.index_cast %get3A_910 : i32 to index
      %get3A_912 = arith.constant 0 : index
      %get3A_913 = tpu.vector_load %arg8[%get3A_911, %get3A_912] {strides = array<i32>} : memref<5x80xi32, #tpu.memory_space<vmem>>, vector<1x16xi32>,
      %get3A_914 = vector.shape_cast %get3A_913 : vector<1x16xi32> to vector<16xi32>
      %mul3A_915 = arith.constant 2 : i32
      %mul3A_916 = vector.broadcast %mul3A_915 : i32 to vector<16xi32>
      %mul3A_917 = arith.muli %get3A_914, %mul3A_916 : vector<16xi32>
      %add3A_918 = arith.addi %mul3A_909, %mul3A_917 : vector<16xi32>
      %get3A_919 = arith.constant 3 : i32
      %get3A_920 = arith.index_cast %get3A_919 : i32 to index
      %get3A_921 = arith.constant 0 : index
      %get3A_922 = tpu.vector_load %arg9[%get3A_920, %get3A_921] {strides = array<i32>} : memref<5x80xi32, #tpu.memory_space<vmem>>, vector<1x16xi32>,
      %get3A_923 = vector.shape_cast %get3A_922 : vector<1x16xi32> to vector<16xi32>
      %add3A_924 = arith.addi %add3A_918, %get3A_923 : vector<16xi32>
      %add3A_925 = vector.broadcast %mul3A_901 : i32 to vector<16xi32>
      %add3A_926 = arith.addi %add3A_924, %add3A_925 : vector<16xi32>
      %swap3A_927 = arith.constant 3 : i32
      %swap3A_928 = arith.index_cast %swap3A_927 : i32 to index
      %swap3A_929 = arith.constant 0 : index
      %swap3A_930 = tpu.vector_load %arg10[%swap3A_928, %swap3A_929] {strides = array<i32>} : memref<5x80xi32, #tpu.memory_space<vmem>>, vector<1x16xi32>,
      %swap3A_931 = vector.shape_cast %swap3A_930 : vector<1x16xi32> to vector<16xi32>
      %swap3A_932 = vector.shape_cast %add3A_926 : vector<16xi32> to vector<1x16xi32>
      tpu.vector_store %arg10[%swap3A_928, %swap3A_929], %swap3A_932 {strides = array<i32>} : memref<5x80xi32, #tpu.memory_space<vmem>>, vector<1x16xi32>,
      %get3A_933 = arith.constant 3 : i32
      %get3A_934 = arith.index_cast %get3A_933 : i32 to index
      %get3A_935 = arith.constant 16 : index
      %get3A_936 = tpu.vector_load %arg7[%get3A_934, %get3A_935] {strides = array<i32>} : memref<5x80xi32, #tpu.memory_space<vmem>>, vector<1x16xi32>,
      %get3A_937 = vector.shape_cast %get3A_936 : vector<1x16xi32> to vector<16xi32>
      %mul3A_938 = arith.constant 12 : i32
      %mul3A_939 = vector.broadcast %mul3A_938 : i32 to vector<16xi32>
      %mul3A_940 = arith.muli %get3A_937, %mul3A_939 : vector<16xi32>
      %get3A_941 = arith.constant 3 : i32
      %get3A_942 = arith.index_cast %get3A_941 : i32 to index
      %get3A_943 = arith.constant 16 : index
      %get3A_944 = tpu.vector_load %arg8[%get3A_942, %get3A_943] {strides = array<i32>} : memref<5x80xi32, #tpu.memory_space<vmem>>, vector<1x16xi32>,
      %get3A_945 = vector.shape_cast %get3A_944 : vector<1x16xi32> to vector<16xi32>
      %mul3A_946 = arith.constant 2 : i32
      %mul3A_947 = vector.broadcast %mul3A_946 : i32 to vector<16xi32>
      %mul3A_948 = arith.muli %get3A_945, %mul3A_947 : vector<16xi32>
      %add3A_949 = arith.addi %mul3A_940, %mul3A_948 : vector<16xi32>
      %get3A_950 = arith.constant 3 : i32
      %get3A_951 = arith.index_cast %get3A_950 : i32 to index
      %get3A_952 = arith.constant 16 : index
      %get3A_953 = tpu.vector_load %arg9[%get3A_951, %get3A_952] {strides = array<i32>} : memref<5x80xi32, #tpu.memory_space<vmem>>, vector<1x16xi32>,
      %get3A_954 = vector.shape_cast %get3A_953 : vector<1x16xi32> to vector<16xi32>
      %add3A_955 = arith.addi %add3A_949, %get3A_954 : vector<16xi32>
      %add3A_956 = vector.broadcast %mul3A_901 : i32 to vector<16xi32>
      %add3A_957 = arith.addi %add3A_955, %add3A_956 : vector<16xi32>
      %swap3A_958 = arith.constant 3 : i32
      %swap3A_959 = arith.index_cast %swap3A_958 : i32 to index
      %swap3A_960 = arith.constant 16 : index
      %swap3A_961 = tpu.vector_load %arg10[%swap3A_959, %swap3A_960] {strides = array<i32>} : memref<5x80xi32, #tpu.memory_space<vmem>>, vector<1x16xi32>,
      %swap3A_962 = vector.shape_cast %swap3A_961 : vector<1x16xi32> to vector<16xi32>
      %swap3A_963 = vector.shape_cast %add3A_957 : vector<16xi32> to vector<1x16xi32>
      tpu.vector_store %arg10[%swap3A_959, %swap3A_960], %swap3A_963 {strides = array<i32>} : memref<5x80xi32, #tpu.memory_space<vmem>>, vector<1x16xi32>,
      %get3A_964 = arith.constant 3 : i32
      %get3A_965 = arith.index_cast %get3A_964 : i32 to index
      %get3A_966 = arith.constant 32 : index
      %get3A_967 = tpu.vector_load %arg7[%get3A_965, %get3A_966] {strides = array<i32>} : memref<5x80xi32, #tpu.memory_space<vmem>>, vector<1x16xi32>,
      %get3A_968 = vector.shape_cast %get3A_967 : vector<1x16xi32> to vector<16xi32>
      %mul3A_969 = arith.constant 12 : i32
      %mul3A_970 = vector.broadcast %mul3A_969 : i32 to vector<16xi32>
      %mul3A_971 = arith.muli %get3A_968, %mul3A_970 : vector<16xi32>
      %get3A_972 = arith.constant 3 : i32
      %get3A_973 = arith.index_cast %get3A_972 : i32 to index
      %get3A_974 = arith.constant 32 : index
      %get3A_975 = tpu.vector_load %arg8[%get3A_973, %get3A_974] {strides = array<i32>} : memref<5x80xi32, #tpu.memory_space<vmem>>, vector<1x16xi32>,
      %get3A_976 = vector.shape_cast %get3A_975 : vector<1x16xi32> to vector<16xi32>
      %mul3A_977 = arith.constant 2 : i32
      %mul3A_978 = vector.broadcast %mul3A_977 : i32 to vector<16xi32>
      %mul3A_979 = arith.muli %get3A_976, %mul3A_978 : vector<16xi32>
      %add3A_980 = arith.addi %mul3A_971, %mul3A_979 : vector<16xi32>
      %get3A_981 = arith.constant 3 : i32
      %get3A_982 = arith.index_cast %get3A_981 : i32 to index
      %get3A_983 = arith.constant 32 : index
      %get3A_984 = tpu.vector_load %arg9[%get3A_982, %get3A_983] {strides = array<i32>} : memref<5x80xi32, #tpu.memory_space<vmem>>, vector<1x16xi32>,
      %get3A_985 = vector.shape_cast %get3A_984 : vector<1x16xi32> to vector<16xi32>
      %add3A_986 = arith.addi %add3A_980, %get3A_985 : vector<16xi32>
      %add3A_987 = vector.broadcast %mul3A_901 : i32 to vector<16xi32>
      %add3A_988 = arith.addi %add3A_986, %add3A_987 : vector<16xi32>
      %swap3A_989 = arith.constant 3 : i32
      %swap3A_990 = arith.index_cast %swap3A_989 : i32 to index
      %swap3A_991 = arith.constant 32 : index
      %swap3A_992 = tpu.vector_load %arg10[%swap3A_990, %swap3A_991] {strides = array<i32>} : memref<5x80xi32, #tpu.memory_space<vmem>>, vector<1x16xi32>,
      %swap3A_993 = vector.shape_cast %swap3A_992 : vector<1x16xi32> to vector<16xi32>
      %swap3A_994 = vector.shape_cast %add3A_988 : vector<16xi32> to vector<1x16xi32>
      tpu.vector_store %arg10[%swap3A_990, %swap3A_991], %swap3A_994 {strides = array<i32>} : memref<5x80xi32, #tpu.memory_space<vmem>>, vector<1x16xi32>,
      %get3A_995 = arith.constant 3 : i32
      %get3A_996 = arith.index_cast %get3A_995 : i32 to index
      %get3A_997 = arith.constant 48 : index
      %get3A_998 = tpu.vector_load %arg7[%get3A_996, %get3A_997] {strides = array<i32>} : memref<5x80xi32, #tpu.memory_space<vmem>>, vector<1x16xi32>,
      %get3A_999 = vector.shape_cast %get3A_998 : vector<1x16xi32> to vector<16xi32>
      %mul3A_1000 = arith.constant 12 : i32
      %mul3A_1001 = vector.broadcast %mul3A_1000 : i32 to vector<16xi32>
      %mul3A_1002 = arith.muli %get3A_999, %mul3A_1001 : vector<16xi32>
      %get3A_1003 = arith.constant 3 : i32
      %get3A_1004 = arith.index_cast %get3A_1003 : i32 to index
      %get3A_1005 = arith.constant 48 : index
      %get3A_1006 = tpu.vector_load %arg8[%get3A_1004, %get3A_1005] {strides = array<i32>} : memref<5x80xi32, #tpu.memory_space<vmem>>, vector<1x16xi32>,
      %get3A_1007 = vector.shape_cast %get3A_1006 : vector<1x16xi32> to vector<16xi32>
      %mul3A_1008 = arith.constant 2 : i32
      %mul3A_1009 = vector.broadcast %mul3A_1008 : i32 to vector<16xi32>
      %mul3A_1010 = arith.muli %get3A_1007, %mul3A_1009 : vector<16xi32>
      %add3A_1011 = arith.addi %mul3A_1002, %mul3A_1010 : vector<16xi32>
      %get3A_1012 = arith.constant 3 : i32
      %get3A_1013 = arith.index_cast %get3A_1012 : i32 to index
      %get3A_1014 = arith.constant 48 : index
      %get3A_1015 = tpu.vector_load %arg9[%get3A_1013, %get3A_1014] {strides = array<i32>} : memref<5x80xi32, #tpu.memory_space<vmem>>, vector<1x16xi32>,
      %get3A_1016 = vector.shape_cast %get3A_1015 : vector<1x16xi32> to vector<16xi32>
      %add3A_1017 = arith.addi %add3A_1011, %get3A_1016 : vector<16xi32>
      %add3A_1018 = vector.broadcast %mul3A_901 : i32 to vector<16xi32>
      %add3A_1019 = arith.addi %add3A_1017, %add3A_1018 : vector<16xi32>
      %swap3A_1020 = arith.constant 3 : i32
      %swap3A_1021 = arith.index_cast %swap3A_1020 : i32 to index
      %swap3A_1022 = arith.constant 48 : index
      %swap3A_1023 = tpu.vector_load %arg10[%swap3A_1021, %swap3A_1022] {strides = array<i32>} : memref<5x80xi32, #tpu.memory_space<vmem>>, vector<1x16xi32>,
      %swap3A_1024 = vector.shape_cast %swap3A_1023 : vector<1x16xi32> to vector<16xi32>
      %swap3A_1025 = vector.shape_cast %add3A_1019 : vector<16xi32> to vector<1x16xi32>
      tpu.vector_store %arg10[%swap3A_1021, %swap3A_1022], %swap3A_1025 {strides = array<i32>} : memref<5x80xi32, #tpu.memory_space<vmem>>, vector<1x16xi32>,
      %get3A_1026 = arith.constant 3 : i32
      %get3A_1027 = arith.index_cast %get3A_1026 : i32 to index
      %get3A_1028 = arith.constant 64 : index
      %get3A_1029 = tpu.vector_load %arg7[%get3A_1027, %get3A_1028] {strides = array<i32>} : memref<5x80xi32, #tpu.memory_space<vmem>>, vector<1x16xi32>,
      %get3A_1030 = vector.shape_cast %get3A_1029 : vector<1x16xi32> to vector<16xi32>
      %mul3A_1031 = arith.constant 12 : i32
      %mul3A_1032 = vector.broadcast %mul3A_1031 : i32 to vector<16xi32>
      %mul3A_1033 = arith.muli %get3A_1030, %mul3A_1032 : vector<16xi32>
      %get3A_1034 = arith.constant 3 : i32
      %get3A_1035 = arith.index_cast %get3A_1034 : i32 to index
      %get3A_1036 = arith.constant 64 : index
      %get3A_1037 = tpu.vector_load %arg8[%get3A_1035, %get3A_1036] {strides = array<i32>} : memref<5x80xi32, #tpu.memory_space<vmem>>, vector<1x16xi32>,
      %get3A_1038 = vector.shape_cast %get3A_1037 : vector<1x16xi32> to vector<16xi32>
      %mul3A_1039 = arith.constant 2 : i32
      %mul3A_1040 = vector.broadcast %mul3A_1039 : i32 to vector<16xi32>
      %mul3A_1041 = arith.muli %get3A_1038, %mul3A_1040 : vector<16xi32>
      %add3A_1042 = arith.addi %mul3A_1033, %mul3A_1041 : vector<16xi32>
      %get3A_1043 = arith.constant 3 : i32
      %get3A_1044 = arith.index_cast %get3A_1043 : i32 to index
      %get3A_1045 = arith.constant 64 : index
      %get3A_1046 = tpu.vector_load %arg9[%get3A_1044, %get3A_1045] {strides = array<i32>} : memref<5x80xi32, #tpu.memory_space<vmem>>, vector<1x16xi32>,
      %get3A_1047 = vector.shape_cast %get3A_1046 : vector<1x16xi32> to vector<16xi32>
      %add3A_1048 = arith.addi %add3A_1042, %get3A_1047 : vector<16xi32>
      %add3A_1049 = vector.broadcast %mul3A_901 : i32 to vector<16xi32>
      %add3A_1050 = arith.addi %add3A_1048, %add3A_1049 : vector<16xi32>
      %swap3A_1051 = arith.constant 3 : i32
      %swap3A_1052 = arith.index_cast %swap3A_1051 : i32 to index
      %swap3A_1053 = arith.constant 64 : index
      %swap3A_1054 = tpu.vector_load %arg10[%swap3A_1052, %swap3A_1053] {strides = array<i32>} : memref<5x80xi32, #tpu.memory_space<vmem>>, vector<1x16xi32>,
      %swap3A_1055 = vector.shape_cast %swap3A_1054 : vector<1x16xi32> to vector<16xi32>
      %swap3A_1056 = vector.shape_cast %add3A_1050 : vector<16xi32> to vector<1x16xi32>
      tpu.vector_store %arg10[%swap3A_1052, %swap3A_1053], %swap3A_1056 {strides = array<i32>} : memref<5x80xi32, #tpu.memory_space<vmem>>, vector<1x16xi32>,
      %ne3A_1057 = arith.constant 24 : i32
      %ne3A_1058 = arith.cmpi ne, %scan3A_232, %ne3A_1057 : i32
      %convert_element_type3A_1059 = arith.extui %ne3A_1058 : i1 to i32
      %cond3A_1060 = arith.constant 0 : i32
      %cond3A_1061 = arith.cmpi ne, %convert_element_type3A_1059, %cond3A_1060 : i32
      scf.if %cond3A_1061 {
        %add3A_1426 = arith.constant 640 : i32
        %add3A_1427 = arith.addi %add3A_235, %add3A_1426 : i32
        %dma_start3A_1428 = arith.constant 3 : i32
        %dma_start3A_1429 = arith.constant 0 : i32
        %dma_start3A_1430 = tpu.memref_slice %arg7[%dma_start3A_1428, %dma_start3A_1429] : memref<5x80xi32, #tpu.memory_space<vmem>> -> memref<1x80xi32, #tpu.memory_space<vmem>>
        %dma_start3A_1431 = tpu.memref_squeeze %dma_start3A_1430 : memref<1x80xi32, #tpu.memory_space<vmem>> -> memref<80xi32, #tpu.memory_space<vmem>>
        %dma_start3A_1432 = tpu.memref_slice %arg2[%add3A_1427] : memref<320000xi32, #tpu.memory_space<hbm>> -> memref<80xi32, #tpu.memory_space<hbm>>
        %dma_start3A_1433 = arith.constant 0 : i32
        %dma_start3A_1434 = tpu.memref_slice %arg7[%dma_start3A_1428, %dma_start3A_1433] : memref<5x80xi32, #tpu.memory_space<vmem>> -> memref<1x80xi32, #tpu.memory_space<vmem>>
        %dma_start3A_1435 = tpu.memref_squeeze %dma_start3A_1434 : memref<1x80xi32, #tpu.memory_space<vmem>> -> memref<80xi32, #tpu.memory_space<vmem>>
        %dma_start3A_1436 = tpu.memref_slice %arg2[%add3A_1427] : memref<320000xi32, #tpu.memory_space<hbm>> -> memref<80xi32, #tpu.memory_space<hbm>>
        tpu.enqueue_dma source(%dma_start3A_1436 : memref<80xi32, #tpu.memory_space<hbm>>) target(%dma_start3A_1435 : memref<80xi32, #tpu.memory_space<vmem>>) target_semaphore(%arg16 : memref<!tpu.dma_semaphore, #tpu.memory_space<semaphore_mem>>)
        %dma_start3A_1437 = arith.constant 3 : i32
        %dma_start3A_1438 = arith.constant 0 : i32
        %dma_start3A_1439 = tpu.memref_slice %arg8[%dma_start3A_1437, %dma_start3A_1438] : memref<5x80xi32, #tpu.memory_space<vmem>> -> memref<1x80xi32, #tpu.memory_space<vmem>>
        %dma_start3A_1440 = tpu.memref_squeeze %dma_start3A_1439 : memref<1x80xi32, #tpu.memory_space<vmem>> -> memref<80xi32, #tpu.memory_space<vmem>>
        %dma_start3A_1441 = tpu.memref_slice %arg3[%add3A_1427] : memref<320000xi32, #tpu.memory_space<hbm>> -> memref<80xi32, #tpu.memory_space<hbm>>
        %dma_start3A_1442 = arith.constant 0 : i32
        %dma_start3A_1443 = tpu.memref_slice %arg8[%dma_start3A_1437, %dma_start3A_1442] : memref<5x80xi32, #tpu.memory_space<vmem>> -> memref<1x80xi32, #tpu.memory_space<vmem>>
        %dma_start3A_1444 = tpu.memref_squeeze %dma_start3A_1443 : memref<1x80xi32, #tpu.memory_space<vmem>> -> memref<80xi32, #tpu.memory_space<vmem>>
        %dma_start3A_1445 = tpu.memref_slice %arg3[%add3A_1427] : memref<320000xi32, #tpu.memory_space<hbm>> -> memref<80xi32, #tpu.memory_space<hbm>>
        tpu.enqueue_dma source(%dma_start3A_1445 : memref<80xi32, #tpu.memory_space<hbm>>) target(%dma_start3A_1444 : memref<80xi32, #tpu.memory_space<vmem>>) target_semaphore(%arg16 : memref<!tpu.dma_semaphore, #tpu.memory_space<semaphore_mem>>)
        %dma_start3A_1446 = arith.constant 3 : i32
        %dma_start3A_1447 = arith.constant 0 : i32
        %dma_start3A_1448 = tpu.memref_slice %arg9[%dma_start3A_1446, %dma_start3A_1447] : memref<5x80xi32, #tpu.memory_space<vmem>> -> memref<1x80xi32, #tpu.memory_space<vmem>>
        %dma_start3A_1449 = tpu.memref_squeeze %dma_start3A_1448 : memref<1x80xi32, #tpu.memory_space<vmem>> -> memref<80xi32, #tpu.memory_space<vmem>>
        %dma_start3A_1450 = tpu.memref_slice %arg4[%add3A_1427] : memref<320000xi32, #tpu.memory_space<hbm>> -> memref<80xi32, #tpu.memory_space<hbm>>
        %dma_start3A_1451 = arith.constant 0 : i32
        %dma_start3A_1452 = tpu.memref_slice %arg9[%dma_start3A_1446, %dma_start3A_1451] : memref<5x80xi32, #tpu.memory_space<vmem>> -> memref<1x80xi32, #tpu.memory_space<vmem>>
        %dma_start3A_1453 = tpu.memref_squeeze %dma_start3A_1452 : memref<1x80xi32, #tpu.memory_space<vmem>> -> memref<80xi32, #tpu.memory_space<vmem>>
        %dma_start3A_1454 = tpu.memref_slice %arg4[%add3A_1427] : memref<320000xi32, #tpu.memory_space<hbm>> -> memref<80xi32, #tpu.memory_space<hbm>>
        tpu.enqueue_dma source(%dma_start3A_1454 : memref<80xi32, #tpu.memory_space<hbm>>) target(%dma_start3A_1453 : memref<80xi32, #tpu.memory_space<vmem>>) target_semaphore(%arg16 : memref<!tpu.dma_semaphore, #tpu.memory_space<semaphore_mem>>)
      } else {
      }
      %ne3A_1062 = arith.constant 0 : i32
      %ne3A_1063 = arith.cmpi ne, %scan3A_232, %ne3A_1062 : i32
      %convert_element_type3A_1064 = arith.extui %ne3A_1063 : i1 to i32
      %cond3A_1065 = arith.constant 0 : i32
      %cond3A_1066 = arith.cmpi ne, %convert_element_type3A_1064, %cond3A_1065 : i32
      scf.if %cond3A_1066 {
        %dma_wait3A_1426 = arith.constant 3 : i32
        %dma_wait3A_1427 = arith.constant 0 : i32
        %dma_wait3A_1428 = arith.constant 0 : i32
        %dma_wait3A_1429 = tpu.memref_slice %arg11[%dma_wait3A_1426, %dma_wait3A_1427, %dma_wait3A_1428] : memref<5x80x128xf32, #tpu.memory_space<vmem>> -> memref<1x80x128xf32, #tpu.memory_space<vmem>>
        %dma_wait3A_1430 = tpu.memref_squeeze %dma_wait3A_1429 : memref<1x80x128xf32, #tpu.memory_space<vmem>> -> memref<80x128xf32, #tpu.memory_space<vmem>>
        %dma_wait3A_1431 = arith.constant 0 : i32
        %dma_wait3A_1432 = arith.constant 0 : i32
        %dma_wait3A_1433 = tpu.memref_slice %arg6[%dma_wait3A_1431, %dma_wait3A_1432] : memref<320000x128xf32, #tpu.memory_space<hbm>> -> memref<80x128xf32, #tpu.memory_space<hbm>>
        %dma_wait3A_1434 = arith.constant 0 : i32
        %dma_wait3A_1435 = arith.constant 0 : i32
        %dma_wait3A_1436 = tpu.memref_slice %arg6[%dma_wait3A_1434, %dma_wait3A_1435] : memref<320000x128xf32, #tpu.memory_space<hbm>> -> memref<80x128xf32, #tpu.memory_space<hbm>>
        %dma_wait3A_1437 = arith.constant 0 : i32
        %dma_wait3A_1438 = arith.constant 0 : i32
        %dma_wait3A_1439 = tpu.memref_slice %arg11[%dma_wait3A_1426, %dma_wait3A_1437, %dma_wait3A_1438] : memref<5x80x128xf32, #tpu.memory_space<vmem>> -> memref<1x80x128xf32, #tpu.memory_space<vmem>>
        %dma_wait3A_1440 = tpu.memref_squeeze %dma_wait3A_1439 : memref<1x80x128xf32, #tpu.memory_space<vmem>> -> memref<80x128xf32, #tpu.memory_space<vmem>>
        tpu.wait_dma2 semaphore(%arg26 : memref<!tpu.dma_semaphore, #tpu.memory_space<semaphore_mem>>) src(%dma_wait3A_1440 : memref<80x128xf32, #tpu.memory_space<vmem>>) dst(%dma_wait3A_1436 : memref<80x128xf32, #tpu.memory_space<hbm>>)
      } else {
      }
      %dma_start3A_1067 = arith.constant 3 : i32
      %dma_start3A_1068 = arith.constant 3 : i32
      %dma_start3A_1069 = arith.constant 0 : i32
      %dma_start3A_1070 = arith.constant 0 : i32
      %dma_start3A_1071 = tpu.memref_slice %arg11[%dma_start3A_1068, %dma_start3A_1069, %dma_start3A_1070] : memref<5x80x128xf32, #tpu.memory_space<vmem>> -> memref<1x80x128xf32, #tpu.memory_space<vmem>>
      %dma_start3A_1072 = tpu.memref_squeeze %dma_start3A_1071 : memref<1x80x128xf32, #tpu.memory_space<vmem>> -> memref<80x128xf32, #tpu.memory_space<vmem>>
      %dma_start3A_1073 = arith.constant 0 : i32
      %dma_start3A_1074 = tpu.memref_slice %arg10[%dma_start3A_1067, %dma_start3A_1073] : memref<5x80xi32, #tpu.memory_space<vmem>> -> memref<1x80xi32, #tpu.memory_space<vmem>>
      %dma_start3A_1075 = tpu.memref_squeeze %dma_start3A_1074 : memref<1x80xi32, #tpu.memory_space<vmem>> -> memref<80xi32, #tpu.memory_space<vmem>>
      %dma_start3A_1076 = arith.constant 0 : i32
      %dma_start3A_1077 = arith.constant 0 : i32
      %dma_start3A_1078 = tpu.memref_slice %arg12[%dma_start3A_1076, %dma_start3A_1077] : memref<960x128xf32, #tpu.memory_space<vmem_shared>> -> memref<960x128xf32, #tpu.memory_space<vmem_shared>>
      tpu.enqueue_indirect_dma source(%dma_start3A_1078 : memref<960x128xf32, #tpu.memory_space<vmem_shared>>) target(%dma_start3A_1072 : memref<80x128xf32, #tpu.memory_space<vmem>>) offsets(%dma_start3A_1075 : memref<80xi32, #tpu.memory_space<vmem>>) semaphore(%arg21 : memref<!tpu.dma_semaphore, #tpu.memory_space<semaphore_mem>>)
      %dma_wait3A_1079 = arith.constant 4 : i32
      %dma_wait3A_1080 = arith.constant 0 : i32
      %dma_wait3A_1081 = tpu.memref_slice %arg7[%dma_wait3A_1079, %dma_wait3A_1080] : memref<5x80xi32, #tpu.memory_space<vmem>> -> memref<1x80xi32, #tpu.memory_space<vmem>>
      %dma_wait3A_1082 = tpu.memref_squeeze %dma_wait3A_1081 : memref<1x80xi32, #tpu.memory_space<vmem>> -> memref<80xi32, #tpu.memory_space<vmem>>
      %dma_wait3A_1083 = arith.constant 0 : i32
      %dma_wait3A_1084 = tpu.memref_slice %arg2[%dma_wait3A_1083] : memref<320000xi32, #tpu.memory_space<hbm>> -> memref<80xi32, #tpu.memory_space<hbm>>
      %dma_wait3A_1085 = arith.constant 0 : i32
      %dma_wait3A_1086 = tpu.memref_slice %arg7[%dma_wait3A_1079, %dma_wait3A_1085] : memref<5x80xi32, #tpu.memory_space<vmem>> -> memref<1x80xi32, #tpu.memory_space<vmem>>
      %dma_wait3A_1087 = tpu.memref_squeeze %dma_wait3A_1086 : memref<1x80xi32, #tpu.memory_space<vmem>> -> memref<80xi32, #tpu.memory_space<vmem>>
      %dma_wait3A_1088 = arith.constant 0 : i32
      %dma_wait3A_1089 = tpu.memref_slice %arg2[%dma_wait3A_1088] : memref<320000xi32, #tpu.memory_space<hbm>> -> memref<80xi32, #tpu.memory_space<hbm>>
      tpu.wait_dma2 semaphore(%arg17 : memref<!tpu.dma_semaphore, #tpu.memory_space<semaphore_mem>>) src(%dma_wait3A_1089 : memref<80xi32, #tpu.memory_space<hbm>>) dst(%dma_wait3A_1087 : memref<80xi32, #tpu.memory_space<vmem>>)
      %dma_wait3A_1090 = arith.constant 4 : i32
      %dma_wait3A_1091 = arith.constant 0 : i32
      %dma_wait3A_1092 = tpu.memref_slice %arg8[%dma_wait3A_1090, %dma_wait3A_1091] : memref<5x80xi32, #tpu.memory_space<vmem>> -> memref<1x80xi32, #tpu.memory_space<vmem>>
      %dma_wait3A_1093 = tpu.memref_squeeze %dma_wait3A_1092 : memref<1x80xi32, #tpu.memory_space<vmem>> -> memref<80xi32, #tpu.memory_space<vmem>>
      %dma_wait3A_1094 = arith.constant 0 : i32
      %dma_wait3A_1095 = tpu.memref_slice %arg3[%dma_wait3A_1094] : memref<320000xi32, #tpu.memory_space<hbm>> -> memref<80xi32, #tpu.memory_space<hbm>>
      %dma_wait3A_1096 = arith.constant 0 : i32
      %dma_wait3A_1097 = tpu.memref_slice %arg8[%dma_wait3A_1090, %dma_wait3A_1096] : memref<5x80xi32, #tpu.memory_space<vmem>> -> memref<1x80xi32, #tpu.memory_space<vmem>>
      %dma_wait3A_1098 = tpu.memref_squeeze %dma_wait3A_1097 : memref<1x80xi32, #tpu.memory_space<vmem>> -> memref<80xi32, #tpu.memory_space<vmem>>
      %dma_wait3A_1099 = arith.constant 0 : i32
      %dma_wait3A_1100 = tpu.memref_slice %arg3[%dma_wait3A_1099] : memref<320000xi32, #tpu.memory_space<hbm>> -> memref<80xi32, #tpu.memory_space<hbm>>
      tpu.wait_dma2 semaphore(%arg17 : memref<!tpu.dma_semaphore, #tpu.memory_space<semaphore_mem>>) src(%dma_wait3A_1100 : memref<80xi32, #tpu.memory_space<hbm>>) dst(%dma_wait3A_1098 : memref<80xi32, #tpu.memory_space<vmem>>)
      %dma_wait3A_1101 = arith.constant 4 : i32
      %dma_wait3A_1102 = arith.constant 0 : i32
      %dma_wait3A_1103 = tpu.memref_slice %arg9[%dma_wait3A_1101, %dma_wait3A_1102] : memref<5x80xi32, #tpu.memory_space<vmem>> -> memref<1x80xi32, #tpu.memory_space<vmem>>
      %dma_wait3A_1104 = tpu.memref_squeeze %dma_wait3A_1103 : memref<1x80xi32, #tpu.memory_space<vmem>> -> memref<80xi32, #tpu.memory_space<vmem>>
      %dma_wait3A_1105 = arith.constant 0 : i32
      %dma_wait3A_1106 = tpu.memref_slice %arg4[%dma_wait3A_1105] : memref<320000xi32, #tpu.memory_space<hbm>> -> memref<80xi32, #tpu.memory_space<hbm>>
      %dma_wait3A_1107 = arith.constant 0 : i32
      %dma_wait3A_1108 = tpu.memref_slice %arg9[%dma_wait3A_1101, %dma_wait3A_1107] : memref<5x80xi32, #tpu.memory_space<vmem>> -> memref<1x80xi32, #tpu.memory_space<vmem>>
      %dma_wait3A_1109 = tpu.memref_squeeze %dma_wait3A_1108 : memref<1x80xi32, #tpu.memory_space<vmem>> -> memref<80xi32, #tpu.memory_space<vmem>>
      %dma_wait3A_1110 = arith.constant 0 : i32
      %dma_wait3A_1111 = tpu.memref_slice %arg4[%dma_wait3A_1110] : memref<320000xi32, #tpu.memory_space<hbm>> -> memref<80xi32, #tpu.memory_space<hbm>>
      tpu.wait_dma2 semaphore(%arg17 : memref<!tpu.dma_semaphore, #tpu.memory_space<semaphore_mem>>) src(%dma_wait3A_1111 : memref<80xi32, #tpu.memory_space<hbm>>) dst(%dma_wait3A_1109 : memref<80xi32, #tpu.memory_space<vmem>>)
      %mul3A_1112 = arith.constant 60 : i32
      %mul3A_1113 = arith.muli %arg1, %mul3A_1112 : i32
      %get3A_1114 = arith.constant 4 : i32
      %get3A_1115 = arith.index_cast %get3A_1114 : i32 to index
      %get3A_1116 = arith.constant 0 : index
      %get3A_1117 = tpu.vector_load %arg7[%get3A_1115, %get3A_1116] {strides = array<i32>} : memref<5x80xi32, #tpu.memory_space<vmem>>, vector<1x16xi32>,
      %get3A_1118 = vector.shape_cast %get3A_1117 : vector<1x16xi32> to vector<16xi32>
      %mul3A_1119 = arith.constant 12 : i32
      %mul3A_1120 = vector.broadcast %mul3A_1119 : i32 to vector<16xi32>
      %mul3A_1121 = arith.muli %get3A_1118, %mul3A_1120 : vector<16xi32>
      %get3A_1122 = arith.constant 4 : i32
      %get3A_1123 = arith.index_cast %get3A_1122 : i32 to index
      %get3A_1124 = arith.constant 0 : index
      %get3A_1125 = tpu.vector_load %arg8[%get3A_1123, %get3A_1124] {strides = array<i32>} : memref<5x80xi32, #tpu.memory_space<vmem>>, vector<1x16xi32>,
      %get3A_1126 = vector.shape_cast %get3A_1125 : vector<1x16xi32> to vector<16xi32>
      %mul3A_1127 = arith.constant 2 : i32
      %mul3A_1128 = vector.broadcast %mul3A_1127 : i32 to vector<16xi32>
      %mul3A_1129 = arith.muli %get3A_1126, %mul3A_1128 : vector<16xi32>
      %add3A_1130 = arith.addi %mul3A_1121, %mul3A_1129 : vector<16xi32>
      %get3A_1131 = arith.constant 4 : i32
      %get3A_1132 = arith.index_cast %get3A_1131 : i32 to index
      %get3A_1133 = arith.constant 0 : index
      %get3A_1134 = tpu.vector_load %arg9[%get3A_1132, %get3A_1133] {strides = array<i32>} : memref<5x80xi32, #tpu.memory_space<vmem>>, vector<1x16xi32>,
      %get3A_1135 = vector.shape_cast %get3A_1134 : vector<1x16xi32> to vector<16xi32>
      %add3A_1136 = arith.addi %add3A_1130, %get3A_1135 : vector<16xi32>
      %add3A_1137 = vector.broadcast %mul3A_1113 : i32 to vector<16xi32>
      %add3A_1138 = arith.addi %add3A_1136, %add3A_1137 : vector<16xi32>
      %swap3A_1139 = arith.constant 4 : i32
      %swap3A_1140 = arith.index_cast %swap3A_1139 : i32 to index
      %swap3A_1141 = arith.constant 0 : index
      %swap3A_1142 = tpu.vector_load %arg10[%swap3A_1140, %swap3A_1141] {strides = array<i32>} : memref<5x80xi32, #tpu.memory_space<vmem>>, vector<1x16xi32>,
      %swap3A_1143 = vector.shape_cast %swap3A_1142 : vector<1x16xi32> to vector<16xi32>
      %swap3A_1144 = vector.shape_cast %add3A_1138 : vector<16xi32> to vector<1x16xi32>
      tpu.vector_store %arg10[%swap3A_1140, %swap3A_1141], %swap3A_1144 {strides = array<i32>} : memref<5x80xi32, #tpu.memory_space<vmem>>, vector<1x16xi32>,
      %get3A_1145 = arith.constant 4 : i32
      %get3A_1146 = arith.index_cast %get3A_1145 : i32 to index
      %get3A_1147 = arith.constant 16 : index
      %get3A_1148 = tpu.vector_load %arg7[%get3A_1146, %get3A_1147] {strides = array<i32>} : memref<5x80xi32, #tpu.memory_space<vmem>>, vector<1x16xi32>,
      %get3A_1149 = vector.shape_cast %get3A_1148 : vector<1x16xi32> to vector<16xi32>
      %mul3A_1150 = arith.constant 12 : i32
      %mul3A_1151 = vector.broadcast %mul3A_1150 : i32 to vector<16xi32>
      %mul3A_1152 = arith.muli %get3A_1149, %mul3A_1151 : vector<16xi32>
      %get3A_1153 = arith.constant 4 : i32
      %get3A_1154 = arith.index_cast %get3A_1153 : i32 to index
      %get3A_1155 = arith.constant 16 : index
      %get3A_1156 = tpu.vector_load %arg8[%get3A_1154, %get3A_1155] {strides = array<i32>} : memref<5x80xi32, #tpu.memory_space<vmem>>, vector<1x16xi32>,
      %get3A_1157 = vector.shape_cast %get3A_1156 : vector<1x16xi32> to vector<16xi32>
      %mul3A_1158 = arith.constant 2 : i32
      %mul3A_1159 = vector.broadcast %mul3A_1158 : i32 to vector<16xi32>
      %mul3A_1160 = arith.muli %get3A_1157, %mul3A_1159 : vector<16xi32>
      %add3A_1161 = arith.addi %mul3A_1152, %mul3A_1160 : vector<16xi32>
      %get3A_1162 = arith.constant 4 : i32
      %get3A_1163 = arith.index_cast %get3A_1162 : i32 to index
      %get3A_1164 = arith.constant 16 : index
      %get3A_1165 = tpu.vector_load %arg9[%get3A_1163, %get3A_1164] {strides = array<i32>} : memref<5x80xi32, #tpu.memory_space<vmem>>, vector<1x16xi32>,
      %get3A_1166 = vector.shape_cast %get3A_1165 : vector<1x16xi32> to vector<16xi32>
      %add3A_1167 = arith.addi %add3A_1161, %get3A_1166 : vector<16xi32>
      %add3A_1168 = vector.broadcast %mul3A_1113 : i32 to vector<16xi32>
      %add3A_1169 = arith.addi %add3A_1167, %add3A_1168 : vector<16xi32>
      %swap3A_1170 = arith.constant 4 : i32
      %swap3A_1171 = arith.index_cast %swap3A_1170 : i32 to index
      %swap3A_1172 = arith.constant 16 : index
      %swap3A_1173 = tpu.vector_load %arg10[%swap3A_1171, %swap3A_1172] {strides = array<i32>} : memref<5x80xi32, #tpu.memory_space<vmem>>, vector<1x16xi32>,
      %swap3A_1174 = vector.shape_cast %swap3A_1173 : vector<1x16xi32> to vector<16xi32>
      %swap3A_1175 = vector.shape_cast %add3A_1169 : vector<16xi32> to vector<1x16xi32>
      tpu.vector_store %arg10[%swap3A_1171, %swap3A_1172], %swap3A_1175 {strides = array<i32>} : memref<5x80xi32, #tpu.memory_space<vmem>>, vector<1x16xi32>,
      %get3A_1176 = arith.constant 4 : i32
      %get3A_1177 = arith.index_cast %get3A_1176 : i32 to index
      %get3A_1178 = arith.constant 32 : index
      %get3A_1179 = tpu.vector_load %arg7[%get3A_1177, %get3A_1178] {strides = array<i32>} : memref<5x80xi32, #tpu.memory_space<vmem>>, vector<1x16xi32>,
      %get3A_1180 = vector.shape_cast %get3A_1179 : vector<1x16xi32> to vector<16xi32>
      %mul3A_1181 = arith.constant 12 : i32
      %mul3A_1182 = vector.broadcast %mul3A_1181 : i32 to vector<16xi32>
      %mul3A_1183 = arith.muli %get3A_1180, %mul3A_1182 : vector<16xi32>
      %get3A_1184 = arith.constant 4 : i32
      %get3A_1185 = arith.index_cast %get3A_1184 : i32 to index
      %get3A_1186 = arith.constant 32 : index
      %get3A_1187 = tpu.vector_load %arg8[%get3A_1185, %get3A_1186] {strides = array<i32>} : memref<5x80xi32, #tpu.memory_space<vmem>>, vector<1x16xi32>,
      %get3A_1188 = vector.shape_cast %get3A_1187 : vector<1x16xi32> to vector<16xi32>
      %mul3A_1189 = arith.constant 2 : i32
      %mul3A_1190 = vector.broadcast %mul3A_1189 : i32 to vector<16xi32>
      %mul3A_1191 = arith.muli %get3A_1188, %mul3A_1190 : vector<16xi32>
      %add3A_1192 = arith.addi %mul3A_1183, %mul3A_1191 : vector<16xi32>
      %get3A_1193 = arith.constant 4 : i32
      %get3A_1194 = arith.index_cast %get3A_1193 : i32 to index
      %get3A_1195 = arith.constant 32 : index
      %get3A_1196 = tpu.vector_load %arg9[%get3A_1194, %get3A_1195] {strides = array<i32>} : memref<5x80xi32, #tpu.memory_space<vmem>>, vector<1x16xi32>,
      %get3A_1197 = vector.shape_cast %get3A_1196 : vector<1x16xi32> to vector<16xi32>
      %add3A_1198 = arith.addi %add3A_1192, %get3A_1197 : vector<16xi32>
      %add3A_1199 = vector.broadcast %mul3A_1113 : i32 to vector<16xi32>
      %add3A_1200 = arith.addi %add3A_1198, %add3A_1199 : vector<16xi32>
      %swap3A_1201 = arith.constant 4 : i32
      %swap3A_1202 = arith.index_cast %swap3A_1201 : i32 to index
      %swap3A_1203 = arith.constant 32 : index
      %swap3A_1204 = tpu.vector_load %arg10[%swap3A_1202, %swap3A_1203] {strides = array<i32>} : memref<5x80xi32, #tpu.memory_space<vmem>>, vector<1x16xi32>,
      %swap3A_1205 = vector.shape_cast %swap3A_1204 : vector<1x16xi32> to vector<16xi32>
      %swap3A_1206 = vector.shape_cast %add3A_1200 : vector<16xi32> to vector<1x16xi32>
      tpu.vector_store %arg10[%swap3A_1202, %swap3A_1203], %swap3A_1206 {strides = array<i32>} : memref<5x80xi32, #tpu.memory_space<vmem>>, vector<1x16xi32>,
      %get3A_1207 = arith.constant 4 : i32
      %get3A_1208 = arith.index_cast %get3A_1207 : i32 to index
      %get3A_1209 = arith.constant 48 : index
      %get3A_1210 = tpu.vector_load %arg7[%get3A_1208, %get3A_1209] {strides = array<i32>} : memref<5x80xi32, #tpu.memory_space<vmem>>, vector<1x16xi32>,
      %get3A_1211 = vector.shape_cast %get3A_1210 : vector<1x16xi32> to vector<16xi32>
      %mul3A_1212 = arith.constant 12 : i32
      %mul3A_1213 = vector.broadcast %mul3A_1212 : i32 to vector<16xi32>
      %mul3A_1214 = arith.muli %get3A_1211, %mul3A_1213 : vector<16xi32>
      %get3A_1215 = arith.constant 4 : i32
      %get3A_1216 = arith.index_cast %get3A_1215 : i32 to index
      %get3A_1217 = arith.constant 48 : index
      %get3A_1218 = tpu.vector_load %arg8[%get3A_1216, %get3A_1217] {strides = array<i32>} : memref<5x80xi32, #tpu.memory_space<vmem>>, vector<1x16xi32>,
      %get3A_1219 = vector.shape_cast %get3A_1218 : vector<1x16xi32> to vector<16xi32>
      %mul3A_1220 = arith.constant 2 : i32
      %mul3A_1221 = vector.broadcast %mul3A_1220 : i32 to vector<16xi32>
      %mul3A_1222 = arith.muli %get3A_1219, %mul3A_1221 : vector<16xi32>
      %add3A_1223 = arith.addi %mul3A_1214, %mul3A_1222 : vector<16xi32>
      %get3A_1224 = arith.constant 4 : i32
      %get3A_1225 = arith.index_cast %get3A_1224 : i32 to index
      %get3A_1226 = arith.constant 48 : index
      %get3A_1227 = tpu.vector_load %arg9[%get3A_1225, %get3A_1226] {strides = array<i32>} : memref<5x80xi32, #tpu.memory_space<vmem>>, vector<1x16xi32>,
      %get3A_1228 = vector.shape_cast %get3A_1227 : vector<1x16xi32> to vector<16xi32>
      %add3A_1229 = arith.addi %add3A_1223, %get3A_1228 : vector<16xi32>
      %add3A_1230 = vector.broadcast %mul3A_1113 : i32 to vector<16xi32>
      %add3A_1231 = arith.addi %add3A_1229, %add3A_1230 : vector<16xi32>
      %swap3A_1232 = arith.constant 4 : i32
      %swap3A_1233 = arith.index_cast %swap3A_1232 : i32 to index
      %swap3A_1234 = arith.constant 48 : index
      %swap3A_1235 = tpu.vector_load %arg10[%swap3A_1233, %swap3A_1234] {strides = array<i32>} : memref<5x80xi32, #tpu.memory_space<vmem>>, vector<1x16xi32>,
      %swap3A_1236 = vector.shape_cast %swap3A_1235 : vector<1x16xi32> to vector<16xi32>
      %swap3A_1237 = vector.shape_cast %add3A_1231 : vector<16xi32> to vector<1x16xi32>
      tpu.vector_store %arg10[%swap3A_1233, %swap3A_1234], %swap3A_1237 {strides = array<i32>} : memref<5x80xi32, #tpu.memory_space<vmem>>, vector<1x16xi32>,
      %get3A_1238 = arith.constant 4 : i32
      %get3A_1239 = arith.index_cast %get3A_1238 : i32 to index
      %get3A_1240 = arith.constant 64 : index
      %get3A_1241 = tpu.vector_load %arg7[%get3A_1239, %get3A_1240] {strides = array<i32>} : memref<5x80xi32, #tpu.memory_space<vmem>>, vector<1x16xi32>,
      %get3A_1242 = vector.shape_cast %get3A_1241 : vector<1x16xi32> to vector<16xi32>
      %mul3A_1243 = arith.constant 12 : i32
      %mul3A_1244 = vector.broadcast %mul3A_1243 : i32 to vector<16xi32>
      %mul3A_1245 = arith.muli %get3A_1242, %mul3A_1244 : vector<16xi32>
      %get3A_1246 = arith.constant 4 : i32
      %get3A_1247 = arith.index_cast %get3A_1246 : i32 to index
      %get3A_1248 = arith.constant 64 : index
      %get3A_1249 = tpu.vector_load %arg8[%get3A_1247, %get3A_1248] {strides = array<i32>} : memref<5x80xi32, #tpu.memory_space<vmem>>, vector<1x16xi32>,
      %get3A_1250 = vector.shape_cast %get3A_1249 : vector<1x16xi32> to vector<16xi32>
      %mul3A_1251 = arith.constant 2 : i32
      %mul3A_1252 = vector.broadcast %mul3A_1251 : i32 to vector<16xi32>
      %mul3A_1253 = arith.muli %get3A_1250, %mul3A_1252 : vector<16xi32>
      %add3A_1254 = arith.addi %mul3A_1245, %mul3A_1253 : vector<16xi32>
      %get3A_1255 = arith.constant 4 : i32
      %get3A_1256 = arith.index_cast %get3A_1255 : i32 to index
      %get3A_1257 = arith.constant 64 : index
      %get3A_1258 = tpu.vector_load %arg9[%get3A_1256, %get3A_1257] {strides = array<i32>} : memref<5x80xi32, #tpu.memory_space<vmem>>, vector<1x16xi32>,
      %get3A_1259 = vector.shape_cast %get3A_1258 : vector<1x16xi32> to vector<16xi32>
      %add3A_1260 = arith.addi %add3A_1254, %get3A_1259 : vector<16xi32>
      %add3A_1261 = vector.broadcast %mul3A_1113 : i32 to vector<16xi32>
      %add3A_1262 = arith.addi %add3A_1260, %add3A_1261 : vector<16xi32>
      %swap3A_1263 = arith.constant 4 : i32
      %swap3A_1264 = arith.index_cast %swap3A_1263 : i32 to index
      %swap3A_1265 = arith.constant 64 : index
      %swap3A_1266 = tpu.vector_load %arg10[%swap3A_1264, %swap3A_1265] {strides = array<i32>} : memref<5x80xi32, #tpu.memory_space<vmem>>, vector<1x16xi32>,
      %swap3A_1267 = vector.shape_cast %swap3A_1266 : vector<1x16xi32> to vector<16xi32>
      %swap3A_1268 = vector.shape_cast %add3A_1262 : vector<16xi32> to vector<1x16xi32>
      tpu.vector_store %arg10[%swap3A_1264, %swap3A_1265], %swap3A_1268 {strides = array<i32>} : memref<5x80xi32, #tpu.memory_space<vmem>>, vector<1x16xi32>,
      %ne3A_1269 = arith.constant 24 : i32
      %ne3A_1270 = arith.cmpi ne, %scan3A_232, %ne3A_1269 : i32
      %convert_element_type3A_1271 = arith.extui %ne3A_1270 : i1 to i32
      %cond3A_1272 = arith.constant 0 : i32
      %cond3A_1273 = arith.cmpi ne, %convert_element_type3A_1271, %cond3A_1272 : i32
      scf.if %cond3A_1273 {
        %add3A_1426 = arith.constant 720 : i32
        %add3A_1427 = arith.addi %add3A_235, %add3A_1426 : i32
        %dma_start3A_1428 = arith.constant 4 : i32
        %dma_start3A_1429 = arith.constant 0 : i32
        %dma_start3A_1430 = tpu.memref_slice %arg7[%dma_start3A_1428, %dma_start3A_1429] : memref<5x80xi32, #tpu.memory_space<vmem>> -> memref<1x80xi32, #tpu.memory_space<vmem>>
        %dma_start3A_1431 = tpu.memref_squeeze %dma_start3A_1430 : memref<1x80xi32, #tpu.memory_space<vmem>> -> memref<80xi32, #tpu.memory_space<vmem>>
        %dma_start3A_1432 = tpu.memref_slice %arg2[%add3A_1427] : memref<320000xi32, #tpu.memory_space<hbm>> -> memref<80xi32, #tpu.memory_space<hbm>>
        %dma_start3A_1433 = arith.constant 0 : i32
        %dma_start3A_1434 = tpu.memref_slice %arg7[%dma_start3A_1428, %dma_start3A_1433] : memref<5x80xi32, #tpu.memory_space<vmem>> -> memref<1x80xi32, #tpu.memory_space<vmem>>
        %dma_start3A_1435 = tpu.memref_squeeze %dma_start3A_1434 : memref<1x80xi32, #tpu.memory_space<vmem>> -> memref<80xi32, #tpu.memory_space<vmem>>
        %dma_start3A_1436 = tpu.memref_slice %arg2[%add3A_1427] : memref<320000xi32, #tpu.memory_space<hbm>> -> memref<80xi32, #tpu.memory_space<hbm>>
        tpu.enqueue_dma source(%dma_start3A_1436 : memref<80xi32, #tpu.memory_space<hbm>>) target(%dma_start3A_1435 : memref<80xi32, #tpu.memory_space<vmem>>) target_semaphore(%arg17 : memref<!tpu.dma_semaphore, #tpu.memory_space<semaphore_mem>>)
        %dma_start3A_1437 = arith.constant 4 : i32
        %dma_start3A_1438 = arith.constant 0 : i32
        %dma_start3A_1439 = tpu.memref_slice %arg8[%dma_start3A_1437, %dma_start3A_1438] : memref<5x80xi32, #tpu.memory_space<vmem>> -> memref<1x80xi32, #tpu.memory_space<vmem>>
        %dma_start3A_1440 = tpu.memref_squeeze %dma_start3A_1439 : memref<1x80xi32, #tpu.memory_space<vmem>> -> memref<80xi32, #tpu.memory_space<vmem>>
        %dma_start3A_1441 = tpu.memref_slice %arg3[%add3A_1427] : memref<320000xi32, #tpu.memory_space<hbm>> -> memref<80xi32, #tpu.memory_space<hbm>>
        %dma_start3A_1442 = arith.constant 0 : i32
        %dma_start3A_1443 = tpu.memref_slice %arg8[%dma_start3A_1437, %dma_start3A_1442] : memref<5x80xi32, #tpu.memory_space<vmem>> -> memref<1x80xi32, #tpu.memory_space<vmem>>
        %dma_start3A_1444 = tpu.memref_squeeze %dma_start3A_1443 : memref<1x80xi32, #tpu.memory_space<vmem>> -> memref<80xi32, #tpu.memory_space<vmem>>
        %dma_start3A_1445 = tpu.memref_slice %arg3[%add3A_1427] : memref<320000xi32, #tpu.memory_space<hbm>> -> memref<80xi32, #tpu.memory_space<hbm>>
        tpu.enqueue_dma source(%dma_start3A_1445 : memref<80xi32, #tpu.memory_space<hbm>>) target(%dma_start3A_1444 : memref<80xi32, #tpu.memory_space<vmem>>) target_semaphore(%arg17 : memref<!tpu.dma_semaphore, #tpu.memory_space<semaphore_mem>>)
        %dma_start3A_1446 = arith.constant 4 : i32
        %dma_start3A_1447 = arith.constant 0 : i32
        %dma_start3A_1448 = tpu.memref_slice %arg9[%dma_start3A_1446, %dma_start3A_1447] : memref<5x80xi32, #tpu.memory_space<vmem>> -> memref<1x80xi32, #tpu.memory_space<vmem>>
        %dma_start3A_1449 = tpu.memref_squeeze %dma_start3A_1448 : memref<1x80xi32, #tpu.memory_space<vmem>> -> memref<80xi32, #tpu.memory_space<vmem>>
        %dma_start3A_1450 = tpu.memref_slice %arg4[%add3A_1427] : memref<320000xi32, #tpu.memory_space<hbm>> -> memref<80xi32, #tpu.memory_space<hbm>>
        %dma_start3A_1451 = arith.constant 0 : i32
        %dma_start3A_1452 = tpu.memref_slice %arg9[%dma_start3A_1446, %dma_start3A_1451] : memref<5x80xi32, #tpu.memory_space<vmem>> -> memref<1x80xi32, #tpu.memory_space<vmem>>
        %dma_start3A_1453 = tpu.memref_squeeze %dma_start3A_1452 : memref<1x80xi32, #tpu.memory_space<vmem>> -> memref<80xi32, #tpu.memory_space<vmem>>
        %dma_start3A_1454 = tpu.memref_slice %arg4[%add3A_1427] : memref<320000xi32, #tpu.memory_space<hbm>> -> memref<80xi32, #tpu.memory_space<hbm>>
        tpu.enqueue_dma source(%dma_start3A_1454 : memref<80xi32, #tpu.memory_space<hbm>>) target(%dma_start3A_1453 : memref<80xi32, #tpu.memory_space<vmem>>) target_semaphore(%arg17 : memref<!tpu.dma_semaphore, #tpu.memory_space<semaphore_mem>>)
      } else {
      }
      %ne3A_1274 = arith.constant 0 : i32
      %ne3A_1275 = arith.cmpi ne, %scan3A_232, %ne3A_1274 : i32
      %convert_element_type3A_1276 = arith.extui %ne3A_1275 : i1 to i32
      %cond3A_1277 = arith.constant 0 : i32
      %cond3A_1278 = arith.cmpi ne, %convert_element_type3A_1276, %cond3A_1277 : i32
      scf.if %cond3A_1278 {
        %dma_wait3A_1426 = arith.constant 4 : i32
        %dma_wait3A_1427 = arith.constant 0 : i32
        %dma_wait3A_1428 = arith.constant 0 : i32
        %dma_wait3A_1429 = tpu.memref_slice %arg11[%dma_wait3A_1426, %dma_wait3A_1427, %dma_wait3A_1428] : memref<5x80x128xf32, #tpu.memory_space<vmem>> -> memref<1x80x128xf32, #tpu.memory_space<vmem>>
        %dma_wait3A_1430 = tpu.memref_squeeze %dma_wait3A_1429 : memref<1x80x128xf32, #tpu.memory_space<vmem>> -> memref<80x128xf32, #tpu.memory_space<vmem>>
        %dma_wait3A_1431 = arith.constant 0 : i32
        %dma_wait3A_1432 = arith.constant 0 : i32
        %dma_wait3A_1433 = tpu.memref_slice %arg6[%dma_wait3A_1431, %dma_wait3A_1432] : memref<320000x128xf32, #tpu.memory_space<hbm>> -> memref<80x128xf32, #tpu.memory_space<hbm>>
        %dma_wait3A_1434 = arith.constant 0 : i32
        %dma_wait3A_1435 = arith.constant 0 : i32
        %dma_wait3A_1436 = tpu.memref_slice %arg6[%dma_wait3A_1434, %dma_wait3A_1435] : memref<320000x128xf32, #tpu.memory_space<hbm>> -> memref<80x128xf32, #tpu.memory_space<hbm>>
        %dma_wait3A_1437 = arith.constant 0 : i32
        %dma_wait3A_1438 = arith.constant 0 : i32
        %dma_wait3A_1439 = tpu.memref_slice %arg11[%dma_wait3A_1426, %dma_wait3A_1437, %dma_wait3A_1438] : memref<5x80x128xf32, #tpu.memory_space<vmem>> -> memref<1x80x128xf32, #tpu.memory_space<vmem>>
        %dma_wait3A_1440 = tpu.memref_squeeze %dma_wait3A_1439 : memref<1x80x128xf32, #tpu.memory_space<vmem>> -> memref<80x128xf32, #tpu.memory_space<vmem>>
        tpu.wait_dma2 semaphore(%arg27 : memref<!tpu.dma_semaphore, #tpu.memory_space<semaphore_mem>>) src(%dma_wait3A_1440 : memref<80x128xf32, #tpu.memory_space<vmem>>) dst(%dma_wait3A_1436 : memref<80x128xf32, #tpu.memory_space<hbm>>)
      } else {
      }
      %dma_start3A_1279 = arith.constant 4 : i32
      %dma_start3A_1280 = arith.constant 4 : i32
      %dma_start3A_1281 = arith.constant 0 : i32
      %dma_start3A_1282 = arith.constant 0 : i32
      %dma_start3A_1283 = tpu.memref_slice %arg11[%dma_start3A_1280, %dma_start3A_1281, %dma_start3A_1282] : memref<5x80x128xf32, #tpu.memory_space<vmem>> -> memref<1x80x128xf32, #tpu.memory_space<vmem>>
      %dma_start3A_1284 = tpu.memref_squeeze %dma_start3A_1283 : memref<1x80x128xf32, #tpu.memory_space<vmem>> -> memref<80x128xf32, #tpu.memory_space<vmem>>
      %dma_start3A_1285 = arith.constant 0 : i32
      %dma_start3A_1286 = tpu.memref_slice %arg10[%dma_start3A_1279, %dma_start3A_1285] : memref<5x80xi32, #tpu.memory_space<vmem>> -> memref<1x80xi32, #tpu.memory_space<vmem>>
      %dma_start3A_1287 = tpu.memref_squeeze %dma_start3A_1286 : memref<1x80xi32, #tpu.memory_space<vmem>> -> memref<80xi32, #tpu.memory_space<vmem>>
      %dma_start3A_1288 = arith.constant 0 : i32
      %dma_start3A_1289 = arith.constant 0 : i32
      %dma_start3A_1290 = tpu.memref_slice %arg12[%dma_start3A_1288, %dma_start3A_1289] : memref<960x128xf32, #tpu.memory_space<vmem_shared>> -> memref<960x128xf32, #tpu.memory_space<vmem_shared>>
      tpu.enqueue_indirect_dma source(%dma_start3A_1290 : memref<960x128xf32, #tpu.memory_space<vmem_shared>>) target(%dma_start3A_1284 : memref<80x128xf32, #tpu.memory_space<vmem>>) offsets(%dma_start3A_1287 : memref<80xi32, #tpu.memory_space<vmem>>) semaphore(%arg22 : memref<!tpu.dma_semaphore, #tpu.memory_space<semaphore_mem>>)
      %dma_wait3A_1291 = arith.constant 0 : i32
      %dma_wait3A_1292 = arith.constant 0 : i32
      %dma_wait3A_1293 = arith.constant 0 : i32
      %dma_wait3A_1294 = arith.constant 0 : i32
      %dma_wait3A_1295 = tpu.memref_slice %arg11[%dma_wait3A_1292, %dma_wait3A_1293, %dma_wait3A_1294] : memref<5x80x128xf32, #tpu.memory_space<vmem>> -> memref<1x80x128xf32, #tpu.memory_space<vmem>>
      %dma_wait3A_1296 = tpu.memref_squeeze %dma_wait3A_1295 : memref<1x80x128xf32, #tpu.memory_space<vmem>> -> memref<80x128xf32, #tpu.memory_space<vmem>>
      %dma_wait3A_1297 = arith.constant 0 : i32
      %dma_wait3A_1298 = tpu.memref_slice %arg10[%dma_wait3A_1291, %dma_wait3A_1297] : memref<5x80xi32, #tpu.memory_space<vmem>> -> memref<1x80xi32, #tpu.memory_space<vmem>>
      %dma_wait3A_1299 = tpu.memref_squeeze %dma_wait3A_1298 : memref<1x80xi32, #tpu.memory_space<vmem>> -> memref<80xi32, #tpu.memory_space<vmem>>
      %dma_wait3A_1300 = arith.constant 0 : i32
      %dma_wait3A_1301 = arith.constant 0 : i32
      %dma_wait3A_1302 = tpu.memref_slice %arg12[%dma_wait3A_1300, %dma_wait3A_1301] : memref<960x128xf32, #tpu.memory_space<vmem_shared>> -> memref<960x128xf32, #tpu.memory_space<vmem_shared>>
      tpu.wait_indirect_dma semaphore(%arg18 : memref<!tpu.dma_semaphore, #tpu.memory_space<semaphore_mem>>) src(%dma_wait3A_1302 : memref<960x128xf32, #tpu.memory_space<vmem_shared>>) dst(%dma_wait3A_1296 : memref<80x128xf32, #tpu.memory_space<vmem>>)
      %add3A_1303 = arith.constant 0 : i32
      %add3A_1304 = arith.addi %add3A_235, %add3A_1303 : i32
      %dma_start3A_1305 = arith.constant 0 : i32
      %dma_start3A_1306 = arith.constant 0 : i32
      %dma_start3A_1307 = arith.constant 0 : i32
      %dma_start3A_1308 = tpu.memref_slice %arg11[%dma_start3A_1305, %dma_start3A_1306, %dma_start3A_1307] : memref<5x80x128xf32, #tpu.memory_space<vmem>> -> memref<1x80x128xf32, #tpu.memory_space<vmem>>
      %dma_start3A_1309 = tpu.memref_squeeze %dma_start3A_1308 : memref<1x80x128xf32, #tpu.memory_space<vmem>> -> memref<80x128xf32, #tpu.memory_space<vmem>>
      %dma_start3A_1310 = arith.constant 0 : i32
      %dma_start3A_1311 = tpu.memref_slice %arg6[%add3A_1304, %dma_start3A_1310] : memref<320000x128xf32, #tpu.memory_space<hbm>> -> memref<80x128xf32, #tpu.memory_space<hbm>>
      %dma_start3A_1312 = arith.constant 0 : i32
      %dma_start3A_1313 = tpu.memref_slice %arg6[%add3A_1304, %dma_start3A_1312] : memref<320000x128xf32, #tpu.memory_space<hbm>> -> memref<80x128xf32, #tpu.memory_space<hbm>>
      %dma_start3A_1314 = arith.constant 0 : i32
      %dma_start3A_1315 = arith.constant 0 : i32
      %dma_start3A_1316 = tpu.memref_slice %arg11[%dma_start3A_1305, %dma_start3A_1314, %dma_start3A_1315] : memref<5x80x128xf32, #tpu.memory_space<vmem>> -> memref<1x80x128xf32, #tpu.memory_space<vmem>>
      %dma_start3A_1317 = tpu.memref_squeeze %dma_start3A_1316 : memref<1x80x128xf32, #tpu.memory_space<vmem>> -> memref<80x128xf32, #tpu.memory_space<vmem>>
      tpu.enqueue_dma source(%dma_start3A_1317 : memref<80x128xf32, #tpu.memory_space<vmem>>) target(%dma_start3A_1313 : memref<80x128xf32, #tpu.memory_space<hbm>>) target_semaphore(%arg23 : memref<!tpu.dma_semaphore, #tpu.memory_space<semaphore_mem>>)
      %dma_wait3A_1318 = arith.constant 1 : i32
      %dma_wait3A_1319 = arith.constant 1 : i32
      %dma_wait3A_1320 = arith.constant 0 : i32
      %dma_wait3A_1321 = arith.constant 0 : i32
      %dma_wait3A_1322 = tpu.memref_slice %arg11[%dma_wait3A_1319, %dma_wait3A_1320, %dma_wait3A_1321] : memref<5x80x128xf32, #tpu.memory_space<vmem>> -> memref<1x80x128xf32, #tpu.memory_space<vmem>>
      %dma_wait3A_1323 = tpu.memref_squeeze %dma_wait3A_1322 : memref<1x80x128xf32, #tpu.memory_space<vmem>> -> memref<80x128xf32, #tpu.memory_space<vmem>>
      %dma_wait3A_1324 = arith.constant 0 : i32
      %dma_wait3A_1325 = tpu.memref_slice %arg10[%dma_wait3A_1318, %dma_wait3A_1324] : memref<5x80xi32, #tpu.memory_space<vmem>> -> memref<1x80xi32, #tpu.memory_space<vmem>>
      %dma_wait3A_1326 = tpu.memref_squeeze %dma_wait3A_1325 : memref<1x80xi32, #tpu.memory_space<vmem>> -> memref<80xi32, #tpu.memory_space<vmem>>
      %dma_wait3A_1327 = arith.constant 0 : i32
      %dma_wait3A_1328 = arith.constant 0 : i32
      %dma_wait3A_1329 = tpu.memref_slice %arg12[%dma_wait3A_1327, %dma_wait3A_1328] : memref<960x128xf32, #tpu.memory_space<vmem_shared>> -> memref<960x128xf32, #tpu.memory_space<vmem_shared>>
      tpu.wait_indirect_dma semaphore(%arg19 : memref<!tpu.dma_semaphore, #tpu.memory_space<semaphore_mem>>) src(%dma_wait3A_1329 : memref<960x128xf32, #tpu.memory_space<vmem_shared>>) dst(%dma_wait3A_1323 : memref<80x128xf32, #tpu.memory_space<vmem>>)
      %add3A_1330 = arith.constant 80 : i32
      %add3A_1331 = arith.addi %add3A_235, %add3A_1330 : i32
      %dma_start3A_1332 = arith.constant 1 : i32
      %dma_start3A_1333 = arith.constant 0 : i32
      %dma_start3A_1334 = arith.constant 0 : i32
      %dma_start3A_1335 = tpu.memref_slice %arg11[%dma_start3A_1332, %dma_start3A_1333, %dma_start3A_1334] : memref<5x80x128xf32, #tpu.memory_space<vmem>> -> memref<1x80x128xf32, #tpu.memory_space<vmem>>
      %dma_start3A_1336 = tpu.memref_squeeze %dma_start3A_1335 : memref<1x80x128xf32, #tpu.memory_space<vmem>> -> memref<80x128xf32, #tpu.memory_space<vmem>>
      %dma_start3A_1337 = arith.constant 0 : i32
      %dma_start3A_1338 = tpu.memref_slice %arg6[%add3A_1331, %dma_start3A_1337] : memref<320000x128xf32, #tpu.memory_space<hbm>> -> memref<80x128xf32, #tpu.memory_space<hbm>>
      %dma_start3A_1339 = arith.constant 0 : i32
      %dma_start3A_1340 = tpu.memref_slice %arg6[%add3A_1331, %dma_start3A_1339] : memref<320000x128xf32, #tpu.memory_space<hbm>> -> memref<80x128xf32, #tpu.memory_space<hbm>>
      %dma_start3A_1341 = arith.constant 0 : i32
      %dma_start3A_1342 = arith.constant 0 : i32
      %dma_start3A_1343 = tpu.memref_slice %arg11[%dma_start3A_1332, %dma_start3A_1341, %dma_start3A_1342] : memref<5x80x128xf32, #tpu.memory_space<vmem>> -> memref<1x80x128xf32, #tpu.memory_space<vmem>>
      %dma_start3A_1344 = tpu.memref_squeeze %dma_start3A_1343 : memref<1x80x128xf32, #tpu.memory_space<vmem>> -> memref<80x128xf32, #tpu.memory_space<vmem>>
      tpu.enqueue_dma source(%dma_start3A_1344 : memref<80x128xf32, #tpu.memory_space<vmem>>) target(%dma_start3A_1340 : memref<80x128xf32, #tpu.memory_space<hbm>>) target_semaphore(%arg24 : memref<!tpu.dma_semaphore, #tpu.memory_space<semaphore_mem>>)
      %dma_wait3A_1345 = arith.constant 2 : i32
      %dma_wait3A_1346 = arith.constant 2 : i32
      %dma_wait3A_1347 = arith.constant 0 : i32
      %dma_wait3A_1348 = arith.constant 0 : i32
      %dma_wait3A_1349 = tpu.memref_slice %arg11[%dma_wait3A_1346, %dma_wait3A_1347, %dma_wait3A_1348] : memref<5x80x128xf32, #tpu.memory_space<vmem>> -> memref<1x80x128xf32, #tpu.memory_space<vmem>>
      %dma_wait3A_1350 = tpu.memref_squeeze %dma_wait3A_1349 : memref<1x80x128xf32, #tpu.memory_space<vmem>> -> memref<80x128xf32, #tpu.memory_space<vmem>>
      %dma_wait3A_1351 = arith.constant 0 : i32
      %dma_wait3A_1352 = tpu.memref_slice %arg10[%dma_wait3A_1345, %dma_wait3A_1351] : memref<5x80xi32, #tpu.memory_space<vmem>> -> memref<1x80xi32, #tpu.memory_space<vmem>>
      %dma_wait3A_1353 = tpu.memref_squeeze %dma_wait3A_1352 : memref<1x80xi32, #tpu.memory_space<vmem>> -> memref<80xi32, #tpu.memory_space<vmem>>
      %dma_wait3A_1354 = arith.constant 0 : i32
      %dma_wait3A_1355 = arith.constant 0 : i32
      %dma_wait3A_1356 = tpu.memref_slice %arg12[%dma_wait3A_1354, %dma_wait3A_1355] : memref<960x128xf32, #tpu.memory_space<vmem_shared>> -> memref<960x128xf32, #tpu.memory_space<vmem_shared>>
      tpu.wait_indirect_dma semaphore(%arg20 : memref<!tpu.dma_semaphore, #tpu.memory_space<semaphore_mem>>) src(%dma_wait3A_1356 : memref<960x128xf32, #tpu.memory_space<vmem_shared>>) dst(%dma_wait3A_1350 : memref<80x128xf32, #tpu.memory_space<vmem>>)
      %add3A_1357 = arith.constant 160 : i32
      %add3A_1358 = arith.addi %add3A_235, %add3A_1357 : i32
      %dma_start3A_1359 = arith.constant 2 : i32
      %dma_start3A_1360 = arith.constant 0 : i32
      %dma_start3A_1361 = arith.constant 0 : i32
      %dma_start3A_1362 = tpu.memref_slice %arg11[%dma_start3A_1359, %dma_start3A_1360, %dma_start3A_1361] : memref<5x80x128xf32, #tpu.memory_space<vmem>> -> memref<1x80x128xf32, #tpu.memory_space<vmem>>
      %dma_start3A_1363 = tpu.memref_squeeze %dma_start3A_1362 : memref<1x80x128xf32, #tpu.memory_space<vmem>> -> memref<80x128xf32, #tpu.memory_space<vmem>>
      %dma_start3A_1364 = arith.constant 0 : i32
      %dma_start3A_1365 = tpu.memref_slice %arg6[%add3A_1358, %dma_start3A_1364] : memref<320000x128xf32, #tpu.memory_space<hbm>> -> memref<80x128xf32, #tpu.memory_space<hbm>>
      %dma_start3A_1366 = arith.constant 0 : i32
      %dma_start3A_1367 = tpu.memref_slice %arg6[%add3A_1358, %dma_start3A_1366] : memref<320000x128xf32, #tpu.memory_space<hbm>> -> memref<80x128xf32, #tpu.memory_space<hbm>>
      %dma_start3A_1368 = arith.constant 0 : i32
      %dma_start3A_1369 = arith.constant 0 : i32
      %dma_start3A_1370 = tpu.memref_slice %arg11[%dma_start3A_1359, %dma_start3A_1368, %dma_start3A_1369] : memref<5x80x128xf32, #tpu.memory_space<vmem>> -> memref<1x80x128xf32, #tpu.memory_space<vmem>>
      %dma_start3A_1371 = tpu.memref_squeeze %dma_start3A_1370 : memref<1x80x128xf32, #tpu.memory_space<vmem>> -> memref<80x128xf32, #tpu.memory_space<vmem>>
      tpu.enqueue_dma source(%dma_start3A_1371 : memref<80x128xf32, #tpu.memory_space<vmem>>) target(%dma_start3A_1367 : memref<80x128xf32, #tpu.memory_space<hbm>>) target_semaphore(%arg25 : memref<!tpu.dma_semaphore, #tpu.memory_space<semaphore_mem>>)
      %dma_wait3A_1372 = arith.constant 3 : i32
      %dma_wait3A_1373 = arith.constant 3 : i32
      %dma_wait3A_1374 = arith.constant 0 : i32
      %dma_wait3A_1375 = arith.constant 0 : i32
      %dma_wait3A_1376 = tpu.memref_slice %arg11[%dma_wait3A_1373, %dma_wait3A_1374, %dma_wait3A_1375] : memref<5x80x128xf32, #tpu.memory_space<vmem>> -> memref<1x80x128xf32, #tpu.memory_space<vmem>>
      %dma_wait3A_1377 = tpu.memref_squeeze %dma_wait3A_1376 : memref<1x80x128xf32, #tpu.memory_space<vmem>> -> memref<80x128xf32, #tpu.memory_space<vmem>>
      %dma_wait3A_1378 = arith.constant 0 : i32
      %dma_wait3A_1379 = tpu.memref_slice %arg10[%dma_wait3A_1372, %dma_wait3A_1378] : memref<5x80xi32, #tpu.memory_space<vmem>> -> memref<1x80xi32, #tpu.memory_space<vmem>>
      %dma_wait3A_1380 = tpu.memref_squeeze %dma_wait3A_1379 : memref<1x80xi32, #tpu.memory_space<vmem>> -> memref<80xi32, #tpu.memory_space<vmem>>
      %dma_wait3A_1381 = arith.constant 0 : i32
      %dma_wait3A_1382 = arith.constant 0 : i32
      %dma_wait3A_1383 = tpu.memref_slice %arg12[%dma_wait3A_1381, %dma_wait3A_1382] : memref<960x128xf32, #tpu.memory_space<vmem_shared>> -> memref<960x128xf32, #tpu.memory_space<vmem_shared>>
      tpu.wait_indirect_dma semaphore(%arg21 : memref<!tpu.dma_semaphore, #tpu.memory_space<semaphore_mem>>) src(%dma_wait3A_1383 : memref<960x128xf32, #tpu.memory_space<vmem_shared>>) dst(%dma_wait3A_1377 : memref<80x128xf32, #tpu.memory_space<vmem>>)
      %add3A_1384 = arith.constant 240 : i32
      %add3A_1385 = arith.addi %add3A_235, %add3A_1384 : i32
      %dma_start3A_1386 = arith.constant 3 : i32
      %dma_start3A_1387 = arith.constant 0 : i32
      %dma_start3A_1388 = arith.constant 0 : i32
      %dma_start3A_1389 = tpu.memref_slice %arg11[%dma_start3A_1386, %dma_start3A_1387, %dma_start3A_1388] : memref<5x80x128xf32, #tpu.memory_space<vmem>> -> memref<1x80x128xf32, #tpu.memory_space<vmem>>
      %dma_start3A_1390 = tpu.memref_squeeze %dma_start3A_1389 : memref<1x80x128xf32, #tpu.memory_space<vmem>> -> memref<80x128xf32, #tpu.memory_space<vmem>>
      %dma_start3A_1391 = arith.constant 0 : i32
      %dma_start3A_1392 = tpu.memref_slice %arg6[%add3A_1385, %dma_start3A_1391] : memref<320000x128xf32, #tpu.memory_space<hbm>> -> memref<80x128xf32, #tpu.memory_space<hbm>>
      %dma_start3A_1393 = arith.constant 0 : i32
      %dma_start3A_1394 = tpu.memref_slice %arg6[%add3A_1385, %dma_start3A_1393] : memref<320000x128xf32, #tpu.memory_space<hbm>> -> memref<80x128xf32, #tpu.memory_space<hbm>>
      %dma_start3A_1395 = arith.constant 0 : i32
      %dma_start3A_1396 = arith.constant 0 : i32
      %dma_start3A_1397 = tpu.memref_slice %arg11[%dma_start3A_1386, %dma_start3A_1395, %dma_start3A_1396] : memref<5x80x128xf32, #tpu.memory_space<vmem>> -> memref<1x80x128xf32, #tpu.memory_space<vmem>>
      %dma_start3A_1398 = tpu.memref_squeeze %dma_start3A_1397 : memref<1x80x128xf32, #tpu.memory_space<vmem>> -> memref<80x128xf32, #tpu.memory_space<vmem>>
      tpu.enqueue_dma source(%dma_start3A_1398 : memref<80x128xf32, #tpu.memory_space<vmem>>) target(%dma_start3A_1394 : memref<80x128xf32, #tpu.memory_space<hbm>>) target_semaphore(%arg26 : memref<!tpu.dma_semaphore, #tpu.memory_space<semaphore_mem>>)
      %dma_wait3A_1399 = arith.constant 4 : i32
      %dma_wait3A_1400 = arith.constant 4 : i32
      %dma_wait3A_1401 = arith.constant 0 : i32
      %dma_wait3A_1402 = arith.constant 0 : i32
      %dma_wait3A_1403 = tpu.memref_slice %arg11[%dma_wait3A_1400, %dma_wait3A_1401, %dma_wait3A_1402] : memref<5x80x128xf32, #tpu.memory_space<vmem>> -> memref<1x80x128xf32, #tpu.memory_space<vmem>>
      %dma_wait3A_1404 = tpu.memref_squeeze %dma_wait3A_1403 : memref<1x80x128xf32, #tpu.memory_space<vmem>> -> memref<80x128xf32, #tpu.memory_space<vmem>>
      %dma_wait3A_1405 = arith.constant 0 : i32
      %dma_wait3A_1406 = tpu.memref_slice %arg10[%dma_wait3A_1399, %dma_wait3A_1405] : memref<5x80xi32, #tpu.memory_space<vmem>> -> memref<1x80xi32, #tpu.memory_space<vmem>>
      %dma_wait3A_1407 = tpu.memref_squeeze %dma_wait3A_1406 : memref<1x80xi32, #tpu.memory_space<vmem>> -> memref<80xi32, #tpu.memory_space<vmem>>
      %dma_wait3A_1408 = arith.constant 0 : i32
      %dma_wait3A_1409 = arith.constant 0 : i32
      %dma_wait3A_1410 = tpu.memref_slice %arg12[%dma_wait3A_1408, %dma_wait3A_1409] : memref<960x128xf32, #tpu.memory_space<vmem_shared>> -> memref<960x128xf32, #tpu.memory_space<vmem_shared>>
      tpu.wait_indirect_dma semaphore(%arg22 : memref<!tpu.dma_semaphore, #tpu.memory_space<semaphore_mem>>) src(%dma_wait3A_1410 : memref<960x128xf32, #tpu.memory_space<vmem_shared>>) dst(%dma_wait3A_1404 : memref<80x128xf32, #tpu.memory_space<vmem>>)
      %add3A_1411 = arith.constant 320 : i32
      %add3A_1412 = arith.addi %add3A_235, %add3A_1411 : i32
      %dma_start3A_1413 = arith.constant 4 : i32
      %dma_start3A_1414 = arith.constant 0 : i32
      %dma_start3A_1415 = arith.constant 0 : i32
      %dma_start3A_1416 = tpu.memref_slice %arg11[%dma_start3A_1413, %dma_start3A_1414, %dma_start3A_1415] : memref<5x80x128xf32, #tpu.memory_space<vmem>> -> memref<1x80x128xf32, #tpu.memory_space<vmem>>
      %dma_start3A_1417 = tpu.memref_squeeze %dma_start3A_1416 : memref<1x80x128xf32, #tpu.memory_space<vmem>> -> memref<80x128xf32, #tpu.memory_space<vmem>>
      %dma_start3A_1418 = arith.constant 0 : i32
      %dma_start3A_1419 = tpu.memref_slice %arg6[%add3A_1412, %dma_start3A_1418] : memref<320000x128xf32, #tpu.memory_space<hbm>> -> memref<80x128xf32, #tpu.memory_space<hbm>>
      %dma_start3A_1420 = arith.constant 0 : i32
      %dma_start3A_1421 = tpu.memref_slice %arg6[%add3A_1412, %dma_start3A_1420] : memref<320000x128xf32, #tpu.memory_space<hbm>> -> memref<80x128xf32, #tpu.memory_space<hbm>>
      %dma_start3A_1422 = arith.constant 0 : i32
      %dma_start3A_1423 = arith.constant 0 : i32
      %dma_start3A_1424 = tpu.memref_slice %arg11[%dma_start3A_1413, %dma_start3A_1422, %dma_start3A_1423] : memref<5x80x128xf32, #tpu.memory_space<vmem>> -> memref<1x80x128xf32, #tpu.memory_space<vmem>>
      %dma_start3A_1425 = tpu.memref_squeeze %dma_start3A_1424 : memref<1x80x128xf32, #tpu.memory_space<vmem>> -> memref<80x128xf32, #tpu.memory_space<vmem>>
      tpu.enqueue_dma source(%dma_start3A_1425 : memref<80x128xf32, #tpu.memory_space<vmem>>) target(%dma_start3A_1421 : memref<80x128xf32, #tpu.memory_space<hbm>>) target_semaphore(%arg27 : memref<!tpu.dma_semaphore, #tpu.memory_space<semaphore_mem>>)
    }
    %scan3A_156 = arith.constant 25 : i32
    %dma_wait3A_157 = arith.constant 0 : i32
    %dma_wait3A_158 = arith.constant 0 : i32
    %dma_wait3A_159 = arith.constant 0 : i32
    %dma_wait3A_160 = tpu.memref_slice %arg11[%dma_wait3A_157, %dma_wait3A_158, %dma_wait3A_159] : memref<5x80x128xf32, #tpu.memory_space<vmem>> -> memref<1x80x128xf32, #tpu.memory_space<vmem>>
    %dma_wait3A_161 = tpu.memref_squeeze %dma_wait3A_160 : memref<1x80x128xf32, #tpu.memory_space<vmem>> -> memref<80x128xf32, #tpu.memory_space<vmem>>
    %dma_wait3A_162 = arith.constant 0 : i32
    %dma_wait3A_163 = arith.constant 0 : i32
    %dma_wait3A_164 = tpu.memref_slice %arg6[%dma_wait3A_162, %dma_wait3A_163] : memref<320000x128xf32, #tpu.memory_space<hbm>> -> memref<80x128xf32, #tpu.memory_space<hbm>>
    %dma_wait3A_165 = arith.constant 0 : i32
    %dma_wait3A_166 = arith.constant 0 : i32
    %dma_wait3A_167 = tpu.memref_slice %arg6[%dma_wait3A_165, %dma_wait3A_166] : memref<320000x128xf32, #tpu.memory_space<hbm>> -> memref<80x128xf32, #tpu.memory_space<hbm>>
    %dma_wait3A_168 = arith.constant 0 : i32
    %dma_wait3A_169 = arith.constant 0 : i32
    %dma_wait3A_170 = tpu.memref_slice %arg11[%dma_wait3A_157, %dma_wait3A_168, %dma_wait3A_169] : memref<5x80x128xf32, #tpu.memory_space<vmem>> -> memref<1x80x128xf32, #tpu.memory_space<vmem>>
    %dma_wait3A_171 = tpu.memref_squeeze %dma_wait3A_170 : memref<1x80x128xf32, #tpu.memory_space<vmem>> -> memref<80x128xf32, #tpu.memory_space<vmem>>
    tpu.wait_dma2 semaphore(%arg23 : memref<!tpu.dma_semaphore, #tpu.memory_space<semaphore_mem>>) src(%dma_wait3A_171 : memref<80x128xf32, #tpu.memory_space<vmem>>) dst(%dma_wait3A_167 : memref<80x128xf32, #tpu.memory_space<hbm>>)
    %dma_wait3A_172 = arith.constant 1 : i32
    %dma_wait3A_173 = arith.constant 0 : i32
    %dma_wait3A_174 = arith.constant 0 : i32
    %dma_wait3A_175 = tpu.memref_slice %arg11[%dma_wait3A_172, %dma_wait3A_173, %dma_wait3A_174] : memref<5x80x128xf32, #tpu.memory_space<vmem>> -> memref<1x80x128xf32, #tpu.memory_space<vmem>>
    %dma_wait3A_176 = tpu.memref_squeeze %dma_wait3A_175 : memref<1x80x128xf32, #tpu.memory_space<vmem>> -> memref<80x128xf32, #tpu.memory_space<vmem>>
    %dma_wait3A_177 = arith.constant 0 : i32
    %dma_wait3A_178 = arith.constant 0 : i32
    %dma_wait3A_179 = tpu.memref_slice %arg6[%dma_wait3A_177, %dma_wait3A_178] : memref<320000x128xf32, #tpu.memory_space<hbm>> -> memref<80x128xf32, #tpu.memory_space<hbm>>
    %dma_wait3A_180 = arith.constant 0 : i32
    %dma_wait3A_181 = arith.constant 0 : i32
    %dma_wait3A_182 = tpu.memref_slice %arg6[%dma_wait3A_180, %dma_wait3A_181] : memref<320000x128xf32, #tpu.memory_space<hbm>> -> memref<80x128xf32, #tpu.memory_space<hbm>>
    %dma_wait3A_183 = arith.constant 0 : i32
    %dma_wait3A_184 = arith.constant 0 : i32
    %dma_wait3A_185 = tpu.memref_slice %arg11[%dma_wait3A_172, %dma_wait3A_183, %dma_wait3A_184] : memref<5x80x128xf32, #tpu.memory_space<vmem>> -> memref<1x80x128xf32, #tpu.memory_space<vmem>>
    %dma_wait3A_186 = tpu.memref_squeeze %dma_wait3A_185 : memref<1x80x128xf32, #tpu.memory_space<vmem>> -> memref<80x128xf32, #tpu.memory_space<vmem>>
    tpu.wait_dma2 semaphore(%arg24 : memref<!tpu.dma_semaphore, #tpu.memory_space<semaphore_mem>>) src(%dma_wait3A_186 : memref<80x128xf32, #tpu.memory_space<vmem>>) dst(%dma_wait3A_182 : memref<80x128xf32, #tpu.memory_space<hbm>>)
    %dma_wait3A_187 = arith.constant 2 : i32
    %dma_wait3A_188 = arith.constant 0 : i32
    %dma_wait3A_189 = arith.constant 0 : i32
    %dma_wait3A_190 = tpu.memref_slice %arg11[%dma_wait3A_187, %dma_wait3A_188, %dma_wait3A_189] : memref<5x80x128xf32, #tpu.memory_space<vmem>> -> memref<1x80x128xf32, #tpu.memory_space<vmem>>
    %dma_wait3A_191 = tpu.memref_squeeze %dma_wait3A_190 : memref<1x80x128xf32, #tpu.memory_space<vmem>> -> memref<80x128xf32, #tpu.memory_space<vmem>>
    %dma_wait3A_192 = arith.constant 0 : i32
    %dma_wait3A_193 = arith.constant 0 : i32
    %dma_wait3A_194 = tpu.memref_slice %arg6[%dma_wait3A_192, %dma_wait3A_193] : memref<320000x128xf32, #tpu.memory_space<hbm>> -> memref<80x128xf32, #tpu.memory_space<hbm>>
    %dma_wait3A_195 = arith.constant 0 : i32
    %dma_wait3A_196 = arith.constant 0 : i32
    %dma_wait3A_197 = tpu.memref_slice %arg6[%dma_wait3A_195, %dma_wait3A_196] : memref<320000x128xf32, #tpu.memory_space<hbm>> -> memref<80x128xf32, #tpu.memory_space<hbm>>
    %dma_wait3A_198 = arith.constant 0 : i32
    %dma_wait3A_199 = arith.constant 0 : i32
    %dma_wait3A_200 = tpu.memref_slice %arg11[%dma_wait3A_187, %dma_wait3A_198, %dma_wait3A_199] : memref<5x80x128xf32, #tpu.memory_space<vmem>> -> memref<1x80x128xf32, #tpu.memory_space<vmem>>
    %dma_wait3A_201 = tpu.memref_squeeze %dma_wait3A_200 : memref<1x80x128xf32, #tpu.memory_space<vmem>> -> memref<80x128xf32, #tpu.memory_space<vmem>>
    tpu.wait_dma2 semaphore(%arg25 : memref<!tpu.dma_semaphore, #tpu.memory_space<semaphore_mem>>) src(%dma_wait3A_201 : memref<80x128xf32, #tpu.memory_space<vmem>>) dst(%dma_wait3A_197 : memref<80x128xf32, #tpu.memory_space<hbm>>)
    %dma_wait3A_202 = arith.constant 3 : i32
    %dma_wait3A_203 = arith.constant 0 : i32
    %dma_wait3A_204 = arith.constant 0 : i32
    %dma_wait3A_205 = tpu.memref_slice %arg11[%dma_wait3A_202, %dma_wait3A_203, %dma_wait3A_204] : memref<5x80x128xf32, #tpu.memory_space<vmem>> -> memref<1x80x128xf32, #tpu.memory_space<vmem>>
    %dma_wait3A_206 = tpu.memref_squeeze %dma_wait3A_205 : memref<1x80x128xf32, #tpu.memory_space<vmem>> -> memref<80x128xf32, #tpu.memory_space<vmem>>
    %dma_wait3A_207 = arith.constant 0 : i32
    %dma_wait3A_208 = arith.constant 0 : i32
    %dma_wait3A_209 = tpu.memref_slice %arg6[%dma_wait3A_207, %dma_wait3A_208] : memref<320000x128xf32, #tpu.memory_space<hbm>> -> memref<80x128xf32, #tpu.memory_space<hbm>>
    %dma_wait3A_210 = arith.constant 0 : i32
    %dma_wait3A_211 = arith.constant 0 : i32
    %dma_wait3A_212 = tpu.memref_slice %arg6[%dma_wait3A_210, %dma_wait3A_211] : memref<320000x128xf32, #tpu.memory_space<hbm>> -> memref<80x128xf32, #tpu.memory_space<hbm>>
    %dma_wait3A_213 = arith.constant 0 : i32
    %dma_wait3A_214 = arith.constant 0 : i32
    %dma_wait3A_215 = tpu.memref_slice %arg11[%dma_wait3A_202, %dma_wait3A_213, %dma_wait3A_214] : memref<5x80x128xf32, #tpu.memory_space<vmem>> -> memref<1x80x128xf32, #tpu.memory_space<vmem>>
    %dma_wait3A_216 = tpu.memref_squeeze %dma_wait3A_215 : memref<1x80x128xf32, #tpu.memory_space<vmem>> -> memref<80x128xf32, #tpu.memory_space<vmem>>
    tpu.wait_dma2 semaphore(%arg26 : memref<!tpu.dma_semaphore, #tpu.memory_space<semaphore_mem>>) src(%dma_wait3A_216 : memref<80x128xf32, #tpu.memory_space<vmem>>) dst(%dma_wait3A_212 : memref<80x128xf32, #tpu.memory_space<hbm>>)
    %dma_wait3A_217 = arith.constant 4 : i32
    %dma_wait3A_218 = arith.constant 0 : i32
    %dma_wait3A_219 = arith.constant 0 : i32
    %dma_wait3A_220 = tpu.memref_slice %arg11[%dma_wait3A_217, %dma_wait3A_218, %dma_wait3A_219] : memref<5x80x128xf32, #tpu.memory_space<vmem>> -> memref<1x80x128xf32, #tpu.memory_space<vmem>>
    %dma_wait3A_221 = tpu.memref_squeeze %dma_wait3A_220 : memref<1x80x128xf32, #tpu.memory_space<vmem>> -> memref<80x128xf32, #tpu.memory_space<vmem>>
    %dma_wait3A_222 = arith.constant 0 : i32
    %dma_wait3A_223 = arith.constant 0 : i32
    %dma_wait3A_224 = tpu.memref_slice %arg6[%dma_wait3A_222, %dma_wait3A_223] : memref<320000x128xf32, #tpu.memory_space<hbm>> -> memref<80x128xf32, #tpu.memory_space<hbm>>
    %dma_wait3A_225 = arith.constant 0 : i32
    %dma_wait3A_226 = arith.constant 0 : i32
    %dma_wait3A_227 = tpu.memref_slice %arg6[%dma_wait3A_225, %dma_wait3A_226] : memref<320000x128xf32, #tpu.memory_space<hbm>> -> memref<80x128xf32, #tpu.memory_space<hbm>>
    %dma_wait3A_228 = arith.constant 0 : i32
    %dma_wait3A_229 = arith.constant 0 : i32
    %dma_wait3A_230 = tpu.memref_slice %arg11[%dma_wait3A_217, %dma_wait3A_228, %dma_wait3A_229] : memref<5x80x128xf32, #tpu.memory_space<vmem>> -> memref<1x80x128xf32, #tpu.memory_space<vmem>>
    %dma_wait3A_231 = tpu.memref_squeeze %dma_wait3A_230 : memref<1x80x128xf32, #tpu.memory_space<vmem>> -> memref<80x128xf32, #tpu.memory_space<vmem>>
    tpu.wait_dma2 semaphore(%arg27 : memref<!tpu.dma_semaphore, #tpu.memory_space<semaphore_mem>>) src(%dma_wait3A_231 : memref<80x128xf32, #tpu.memory_space<vmem>>) dst(%dma_wait3A_227 : memref<80x128xf32, #tpu.memory_space<hbm>>)
    return
  }
}

</mosaic_0001>

<sc_bundles>
// kernel: kernel.3.cloned.1.call-start
scs
__scs_entry_jumppad:
0x0: {  	(pc) =	sbr.rel $0x88, $3  }
0x1: {  	(tag) =	ssettag $0x0;
	lr =	simm.s32 $0x1  }
0x2: {  	[smem:$0x3F9D] =	sst lr;
	_ =	strace $0xD0000000  }
0x3: {  	_ = 	snop  }
0x4: {  	_ = 	snop  }
0x5: {  	_ = 	snop  }
0x6: {  	_ = 	snop  }
0x7: {  	_ = 	snop  }
__scs_overlays_trampoline_lowered:
0x8: {  	[smem:$0x3FAC] =	sst s0  }
0x9: {  	[smem:$0x3FAD] =	sst s1  }
0xa: {  	[smem:$0x3FAE] =	sst s2  }
0xb: {  	[smem:$0x3FAF] =	sst s3  }
0xc: {  	[smem:$0x3FB0] =	sst s4  }
0xd: {  	[smem:$0x3FB1] =	sst s5  }
0xe: {  	[smem:$0x3FB2] =	sst s6  }
0xf: {  	[smem:$0x3FB3] =	sst s7  }
0x10: {  	[smem:$0x3FB4] =	sst s8  }
0x11: {  	[smem:$0x3FB5] =	sst s9;
	s0 =	simm.s32 @!p0 $0x0  }
0x12: {  	s1 =	sld [smem:$0x3F9B];
	s0 =	simm.s32 @p0 $0x1  }
0x13: {  	[smem:$0x3FB6] =	sst s0;
	s0 =	simm.s32 @!p1 $0x0  }
0x14: {  	s2 =	sld [smem:$0x3F9A];
	s0 =	simm.s32 @p1 $0x1  }
0x15: {  	[smem:$0x3FB7] =	sst s0;
	s0 =	simm.s32 @!p2 $0x0  }
0x16: {  	s3 =	sld [smem:$0x3FDB];
	s0 =	simm.s32 @p2 $0x1  }
0x17: {  	s4 =	simm.s32 $0x1BF5;
	[smem:$0x3FB9] =	sst s0  }
0x18: {  	s0 =	sld [smem:$0x3F9C];
	_ =	swait.ge [sflag:s4], $0x0  }
0x19: {  	s7 =	sld [smem:$0x3F9D]  }
0x1a: {  	s8 =	sadd.s32 $0xFFFFE003, lr  }
0x1b: {  	s9 =	sadd.s32 $0xFFFFFEF7, lr;
	s5 =	simm.s32 $0xFFFFFFFF;
	p2 =	slt.u32 s8, $0xFFFFF086  }
0x1c: {  	p1 =	slt.u32 s9, $0xF7A;
	s5 =	simm.s32 @!p2 $0x0  }
0x1d: {  	s5 =	simm.s32 @p1 $0x1;
	p0 =	seq.s32 s7, s2  }
0x1e: {  	s7 =	smul.u32 @!p0 $0xF7A, s2;
	p2 =	seq.s32 @!p0 s5, $0x0  }
0x1f: {  	s9 =	smul.u32 $0xF7A, s1;
	s8 =	simm.s32 @!p0 $0x1BF5;
	p2 =	por !p2, p0  }
0x20: {  	[sflag:s8] =	ssyncset.s32 @!p0 $0xFFFFF086;
	s6 =	sadd.s32 @!p0 s3, s7;
	s7 =	simm.s32 @!p0 $0x108  }
0x21: {  	s3 =	sadd.s32 s3, s9;
	s6 =	sadd.s32 @!p0 $0x88, s6;
	s7 =	simm.s32 @p2 $0x1082  }
0x22: {  	[simem:s7], [sflag:s8] =	dma.local @!p0 [hbm:s6], $0xF7A  }
0x23: {  	s9 =	sor.u32 $0xD0000000, s2;
	s6 =	simm.s32 $0x108;
	_ =	swait.ge @!p0 [sflag:s8], $0x0  }
0x24: {  	s3 =	sadd.s32 $0x88, s3;
	s6 =	simm.s32 @!p1 $0x1082;
	[sflag:s4] =	ssyncset.s32 $0xFFFFF086  }
0x25: {  	[simem:s6], [sflag:s4] =	dma.local [hbm:s3], $0xF7A  }
0x26: {  	[smem:$0x3F9D] =	sst s1;
	(tag) =	ssettag s2;
	_ =	strace s9  }
0x27: {  	s1 =	sld [smem:$0x3FAD]  }
0x28: {  	s2 =	sld [smem:$0x3FAE]  }
0x29: {  	s4 =	sld [smem:$0x3FB0]  }
0x2a: {  	p0 =	seq.s32 s5, $0x0;
	s5 =	sld [smem:$0x3FB1]  }
0x2b: {  	s6 =	sld [smem:$0x3FB2]  }
0x2c: {  	s7 =	sld [smem:$0x3FB3]  }
0x2d: {  	s3 =	simm.s32 $0x108;
	s8 =	sld [smem:$0x3FB4]  }
0x2e: {  	s3 =	simm.s32 @!p0 $0x1082;
	s9 =	sld [smem:$0x3FB5]  }
0x2f: {  	lr =	sadd.s32 s0, s3;
	s0 =	sld [smem:$0x3FAC]  }
0x30: {  	s3 =	sld [smem:$0x3FAF]  }
0x31: {  	[smem:$0x3FB8] =	sst s10  }
0x32: {  	s10 =	sld [smem:$0x3FB6];
	_ =	sdelay $0x3  }
0x33: {  	p0 =	seq.s32 s10, $0x1;
	s10 =	sld [smem:$0x3FB8];
	_ =	sdelay $0x3  }
0x34: {  	[smem:$0x3FB8] =	sst s10  }
0x35: {  	s10 =	sld [smem:$0x3FB7];
	_ =	sdelay $0x3  }
0x36: {  	p1 =	seq.s32 s10, $0x1;
	s10 =	sld [smem:$0x3FB8];
	_ =	sdelay $0x3  }
0x37: {  	[smem:$0x3FB8] =	sst s10  }
0x38: {  	s10 =	sld [smem:$0x3FB9]  }
0x39: {  	_ = 	snop;
	(pc) =	sbr.ind lr, $3  }
0x3a: {  	_ = 	snop  }
0x3b: {  	_ = 	snop  }
0x3c: {  	p2 =	seq.s32 s10, $0x1;
	s10 =	sld [smem:$0x3FB8]  }
0x3d: {  	_ =	shalt  }
0x3e: {  	_ =	shalt  }
0x3f: {  	_ =	shalt  }
0x40: {  	_ =	shalt  }
0x41: {  	_ =	shalt  }
0x42: {  	_ =	shalt  }
0x43: {  	_ =	shalt  }
0x44: {  	_ =	shalt  }
0x45: {  	_ =	shalt  }
0x46: {  	_ =	shalt  }
0x47: {  	_ =	shalt  }
0x48: {  	_ =	shalt  }
0x49: {  	_ =	shalt  }
0x4a: {  	_ =	shalt  }
0x4b: {  	_ =	shalt  }
0x4c: {  	_ =	shalt  }
0x4d: {  	_ =	shalt  }
0x4e: {  	_ =	shalt  }
0x4f: {  	_ =	shalt  }
0x50: {  	_ =	shalt  }
0x51: {  	_ =	shalt  }
0x52: {  	_ =	shalt  }
0x53: {  	_ =	shalt  }
0x54: {  	_ =	shalt  }
0x55: {  	_ =	shalt  }
0x56: {  	_ =	shalt  }
0x57: {  	_ =	shalt  }
0x58: {  	_ =	shalt  }
0x59: {  	_ =	shalt  }
0x5a: {  	_ =	shalt  }
0x5b: {  	_ =	shalt  }
0x5c: {  	_ =	shalt  }
0x5d: {  	_ =	shalt  }
0x5e: {  	_ =	shalt  }
0x5f: {  	_ =	shalt  }
0x60: {  	_ =	shalt  }
0x61: {  	_ =	shalt  }
0x62: {  	_ =	shalt  }
0x63: {  	_ =	shalt  }
0x64: {  	_ =	shalt  }
0x65: {  	_ =	shalt  }
0x66: {  	_ =	shalt  }
0x67: {  	_ =	shalt  }
0x68: {  	_ =	shalt  }
0x69: {  	_ =	shalt  }
0x6a: {  	_ =	shalt  }
0x6b: {  	_ =	shalt  }
0x6c: {  	_ =	shalt  }
0x6d: {  	_ =	shalt  }
0x6e: {  	_ =	shalt  }
0x6f: {  	_ =	shalt  }
0x70: {  	_ =	shalt  }
0x71: {  	_ =	shalt  }
0x72: {  	_ =	shalt  }
0x73: {  	_ =	shalt  }
0x74: {  	_ =	shalt  }
0x75: {  	_ =	shalt  }
0x76: {  	_ =	shalt  }
0x77: {  	_ =	shalt  }
0x78: {  	_ =	shalt  }
0x79: {  	_ =	shalt  }
0x7a: {  	_ =	shalt  }
0x7b: {  	_ =	shalt  }
0x7c: {  	_ =	shalt  }
0x7d: {  	_ =	shalt  }
0x7e: {  	_ =	shalt  }
0x7f: {  	_ =	shalt  }
0x80: {  	_ =	shalt  }
0x81: {  	_ =	shalt  }
0x82: {  	_ =	shalt  }
0x83: {  	_ =	shalt  }
0x84: {  	_ =	shalt  }
0x85: {  	_ =	shalt  }
0x86: {  	_ =	shalt  }
0x87: {  	_ =	shalt  }
.Lfunc_end0:
.L_simem_size_0:
called_computation_lowered:
.L_overlay_start_0:
0x88: {  	s2 =	sld [smem:$0x3FD9]  }
0x89: {  	s3 =	sld [smem:$0x3FFE];
	_ =	sdelay $0x1  }
0x8a: {  	s1 =	srdreg.scid  }
0x8b: {  	s0 =	sand.u32 $0x1, s1  }
0x8c: {  	s17 =	sshll.u32 s0, $0xA;
	s2 =	sadd.s32 s3, s2  }
0x8d: {  	s2 =	sadd.s32 s2, s17  }
0x8e: {  	[smem:$0x3FC4] =	sst s2  }
0x8f: {  	_ = 	snop  }
0x90: {  	s2 =	sld [smem:$0x3FD0];
	(tm) =	ssettm $0x1  }
0x91: {  	s18 =	sld [smem:$0x3FFB];
	_ =	sdelay $0x3  }
0x92: {  	_ =	strace s18  }
0x93: {  	s3 =	sld [smem:$0x3FFC];
	_ =	sdelay $0x3  }
0x94: {  	_ =	strace s3  }
0x95: {  	s3 =	sld [smem:$0x3FFD];
	_ =	sdelay $0x3  }
0x96: {  	_ =	strace s3  }
0x97: {  	_ =	strace $0x8FFFFFFF  }
0x98: {  	s19 =	sld [smem:$0x3FDB];
	_ =	sdelay $0x1  }
0x99: {  	s4 =	simm.s32 $_scs_section_size  }
0x9a: {  	s5 =	simm.s32 $_size__tile_overlayer_lowered;
	s6 =	simm.s32 $_tile_overlayer_lowered  }
0x9b: {  	s22 =	simm.s32 $0x1BFF;
	s21 =	sshll.u32 s6, $0x1;
	s3 =	sadd.s32 s4, s19  }
0x9c: {  	s7 =	simm.s32 $0x0;
	s20 =	sshll.u32 s5, $0x1;
	s5 =	sadd.s32 s21, s3  }
0x9d: {  	[timem:s7], [sflag:s22] =	dma.local [hbm:s5], s20  }
0x9e: {  	_ =	swait.ge [sflag:s22], s20  }
0x9f: {  	s4 =	ssub.s32 $0x0, s20;
	[sflag:s22] =	ssyncset.done $0x0  }
0xa0: {  	[sflag:s22] =	ssyncadd.s32 s4;
	_ =	sdelay $0x1  }
0xa1: {  	s23 =	simm.s32 $0x1B8B  }
0xa2: {  	_ =	swait.ge [sflag:s23], $0x1  }
0xa3: {  	[sflag:s23] =	ssyncset.done $0x0  }
0xa4: {  	s25 =	simm.s32 $0x1B8E;
	s24 =	sld [smem:$0x3FFE];
	[sflag:s23] =	ssyncadd.s32 $0xFFFFFFFF  }
0xa5: {  	s26 =	simm.s32 $execute0_lowered;
	[smem:$0x3FD2] =	sst s25  }
0xa6: {  	s5 =	sshll.u32 s26, $0x1;
	_ =	strace $0x80000046;
	[dreg:$0x1] =	wrdreg $0xFFFFFFFF  }
0xa7: {  	s28 =	simm.s32 $_size_execute0_lowered;
	s3 =	sadd.s32 s3, s5;
	[dreg:$0x0] =	wrdreg $0x0  }
0xa8: {  	s5 =	sshll.u32 s28, $0x1;
	[dreg:$0x2] =	wrdreg s3  }
0xa9: {  	[dreg:$0x3] =	wrdreg s5  }
0xaa: {  	[dreg:$0x4] =	wrdreg $0xC0  }
0xab: {  	_ =	task [dreg:s7], $0x5FFFF  }
0xac: {  	[dreg:$0x1] =	wrdreg $0xFFFFFFFF  }
0xad: {  	[dreg:$0x0] =	wrdreg $0x60  }
0xae: {  	[dreg:$0x2] =	wrdreg s24  }
0xaf: {  	[dreg:$0x3] =	wrdreg s2  }
0xb0: {  	[dreg:$0x4] =	wrdreg $0xD8000  }
0xb1: {  	[dreg:$0x5] =	wrdreg $0x9  }
0xb2: {  	_ =	task.clear_ibuf [dreg:s7], $0x6FFFF;
	_ =	strace $0x90000046  }
0xb3: {  	s29 =	simm.s32 $0x9;
	_ =	strace $0x80000048  }
0xb4: {  	_ =	swait.ge [sflag:s29], $0x1  }
0xb5: {  	[sflag:s29] =	ssyncadd.s32 $0xFFFFFFFF  }
0xb6: {  	_ =	strace $0x90000048  }
0xb7: {  	_ =	sfence  }
0xb8: {  	s30 =	sld [smem:$0x0];
	_ =	sdelay $0x2  }
0xb9: {  	s31 =	sshll.u32 s1, $0xD;
	s1 =	sshrl.u32 s1, $0x2  }
0xba: {  	s3 =	sand.u32 $0x4000, s31;
	s1 =	sadd.s32 s1, s30  }
0xbb: {  	s0 =	sor.u32 s3, s0;
	s1 =	sshll.u32 s1, $0x11  }
0xbc: {  	s0 =	sor.u32 s1, s0  }
0xbd: {  	s0 =	sadd.s32 $0x8F2B, s0  }
0xbe: {  	[sflag:s0] =	ssyncadd.remote.s32 $0x1  }
0xbf: {  	_ =	sfence.sel $0xFFFF  }
0xc0: {  	[dreg:$0x0] =	wrdreg $0xFFFFFFFF;
	(pc) =	sbr.abs _section_cstart, $3  }
0xc1: {  	[dreg:$0x1] =	wrdreg $0xFFFFFFFF  }
0xc2: {  	_ =	task.clear_ibuf [dreg:s7], $0x2FFFF;
	_ =	strace $0x9FFFFFFF  }
0xc3: {  	(tm) =	ssettm $0x7FFFFFFF  }
tec
execute0_lowered:
.L_overlay_start_1:
0x0: {  	(tag) =	ssettag $0x1  }
0x1: {  	s7 =	rddreg [dreg:$0x0]  }
0x2: {  	s0 =	rddreg [dreg:$0x1]  }
0x3: {  	s2 =	rddreg [dreg:$0x2];
	s3 =	simm.s32 $0x0;
	s1 =	srdreg.scid  }
0x4: {  	s12 =	stileid.u32;
	[smem:$0x7FF] =	sst s3  }
0x5: {  	s11 =	sadd.s32 $0x14000, s7;
	s1 =	sand.u32 $0x1, s1;
	s4 =	sshll.u32 s12, $0x1  }
0x6: {  	s13 =	sadd.s32 $0xA200, s7;
	s20 =	smul.u32 $0x4E200, s12;
	s4 =	sor.u32 s1, s4  }
0x7: {  	s14 =	sadd.s32 $0x400, s7;
	s15 =	sshll.u32 s12, $0x6;
	s4 =	smul.u32 $0x2710, s4  }
0x8: {  	_ =	strace $0x80000047;
	s5 =	ssub.s32 $0x2, s1;
	s7 =	sor.u32 $0x1C10, s15  }
0x9: {  	s10 =	sshrl.u32 s5, $0x1;
	[dreg:$0x4] =	wrdreg s7;
	s4 =	sshrl.u32 s4, $0x3  }
0xa: {  	s0 =	sadd.s32 s20, s0;
	s5 =	ssub.s32 s5, s10;
	s16 =	sadd.s32 s11, s4  }
0xb: {  	s10 =	smul.u32 $0x27100, s1;
	s17 =	sadd.s32 s13, s4;
	[dreg:$0x5] =	wrdreg s16  }
0xc: {  	s18 =	sadd.s32 $0xA, s4;
	s8 =	sadd.s32 s14, s4;
	[dreg:$0x6] =	wrdreg s17  }
0xd: {  	s0 =	sadd.s32 s10, s0;
	s10 =	smax.u32 s5, $0x1;
	[dreg:$0x7] =	wrdreg s8  }
0xe: {  	s19 =	sadd.s32 s11, s18;
	[dreg:$0x14] =	wrdreg s10  }
0xf: {  	s9 =	sadd.s32 s13, s18;
	[dreg:$0x8] =	wrdreg s19  }
0x10: {  	s21 =	sadd.s32 $0x14, s4;
	s7 =	sadd.s32 s14, s18;
	[dreg:$0x9] =	wrdreg s9  }
0x11: {  	s22 =	sadd.s32 s11, s21;
	[dreg:$0xa] =	wrdreg s7  }
0x12: {  	s6 =	smul.u32 $0x7800, s12;
	s15 =	sadd.s32 s13, s21;
	[dreg:$0xb] =	wrdreg s22  }
0x13: {  	s25 =	sadd.s32 $0x1E, s4;
	s24 =	sadd.s32 s14, s21;
	[dreg:$0xc] =	wrdreg s15  }
0x14: {  	s23 =	smul.u32 $0x4E20, s12;
	s26 =	sadd.s32 s11, s25;
	[dreg:$0xd] =	wrdreg s24  }
0x15: {  	s6 =	sshrl.u32 s6, $0x2;
	s28 =	sadd.s32 s13, s25;
	[dreg:$0xe] =	wrdreg s26  }
0x16: {  	s4 =	sadd.s32 $0x28, s4;
	s29 =	sadd.s32 s14, s25;
	[dreg:$0xf] =	wrdreg s28  }
0x17: {  	s6 =	sadd.s32 s6, s2;
	s30 =	sadd.s32 s11, s4;
	[dreg:$0x10] =	wrdreg s29  }
0x18: {  	s1 =	smul.u32 $0x2710, s1;
	s31 =	sadd.s32 s13, s4;
	[dreg:$0x11] =	wrdreg s30  }
0x19: {  	s5 =	simm.s32 $0x9;
	s8 =	sadd.s32 s14, s4;
	[dreg:$0x12] =	wrdreg s31  }
0x1a: {  	s0 =	sadd.s32 $0x1400, s0;
	s7 =	sadd.s32 s1, s23;
	[dreg:$0x13] =	wrdreg s8  }
0x1b: {  	[dreg:$0x15] =	wrdreg s0;
	s8 =	smov.u32 s13;
	s31 =	sshrl.u32 s6, $0x3  }
0x1c: {  	s6 =	simm.s32 $0xA;
	s9 =	sadd.s32 $0x2D0, s7;
	s17 =	sadd.s32 $0x280, s7  }
0x1d: {  	s19 =	sadd.s32 $0x230, s7;
	s24 =	sadd.s32 $0x1E0, s7;
	s30 =	sadd.s32 $0x190, s7  }
0x1e: {  	[smem:$0x7FD] =	sst s31;
	s7 =	simm.s32 $0xB;
	s15 =	sshrl.u32 s9, $0x3  }
0x1f: {  	s18 =	sshrl.u32 s17, $0x3;
	s20 =	sshrl.u32 s19, $0x3;
	s28 =	sshrl.u32 s24, $0x3  }
0x20: {  	s9 =	smov.u32 s14;
	[smem:$0x7FC] =	sst s30;
	s1 =	sadd.s32 s15, s14  }
0x21: {  	s19 =	simm.s32 $0x2;
	s16 =	sadd.s32 s15, s13;
	[dreg:$0x16] =	wrdreg s1  }
0x22: {  	s24 =	simm.s32 $0x6000;
	s0 =	sadd.s32 s15, s11;
	[dreg:$0x17] =	wrdreg s16  }
0x23: {  	s17 =	simm.s32 $0x8;
	s21 =	sadd.s32 s18, s14;
	[dreg:$0x18] =	wrdreg s0  }
0x24: {  	s22 =	sadd.s32 s18, s13;
	s23 =	sadd.s32 s20, s14;
	[dreg:$0x19] =	wrdreg s21  }
0x25: {  	s25 =	sadd.s32 s20, s13;
	s26 =	sadd.s32 s20, s11;
	[dreg:$0x1a] =	wrdreg s22  }
0x26: {  	s29 =	sadd.s32 s28, s14;
	s10 =	sadd.s32 s28, s13;
	[dreg:$0x1c] =	wrdreg s23  }
0x27: {  	s15 =	simm.s32 $0x1;
	s14 =	simm.s32 $0x5;
	[dreg:$0x1d] =	wrdreg s25  }
0x28: {  	s20 =	simm.s32 $0xB000;
	s13 =	simm.s32 $0x7;
	[dreg:$0x1e] =	wrdreg s26  }
.Ltmp0:
0x29: {  	s0 =	sadd.s32 s18, s11;
	[dreg:$0x1f] =	wrdreg s29;
	(pc) =	sbr.rel .LBB2_1-.Ltmp0, $4  }
0x2a: {  	s1 =	smov.u32 s11;
	s11 =	sadd.s32 s28, s11;
	s26 =	smul.u32 $0x3C, s12  }
0x2b: {  	s16 =	simm.s32 $0x50;
	s18 =	simm.s32 $0x1000;
	s21 =	simm.s32 $0x3800  }
0x2c: {  	s22 =	simm.s32 $0x3;
	s25 =	simm.s32 $0x4;
	s12 =	simm.s32 $0x8800  }
0x2d: {  	s23 =	simm.s32 $0x6;
	[dreg:$0x1b] =	wrdreg s0;
	v0 =	vmov s26;
	s26 =	simm.s32 $0x0  }
.LBB2_6:
0x2e: {  	_ =	swait.ge [sflag:s7], $0x2800  }
0x2f: {  	[sflag:s7] =	ssyncset.done $0x0  }
0x30: {  	s0 =	simm.s32 $0xC;
	[sflag:s7] =	ssyncadd.s32 $0xFFFFD800  }
0x31: {  	_ =	swait.ge [sflag:s0], $0x2800  }
0x32: {  	[sflag:s0] =	ssyncset.done $0x0  }
0x33: {  	s29 =	simm.s32 $0xD;
	[sflag:s0] =	ssyncadd.s32 $0xFFFFD800  }
0x34: {  	_ =	swait.ge [sflag:s29], $0x2800  }
0x35: {  	[sflag:s29] =	ssyncset.done $0x0  }
0x36: {  	s30 =	simm.s32 $0xE;
	[sflag:s29] =	ssyncadd.s32 $0xFFFFD800  }
0x37: {  	_ =	swait.ge [sflag:s30], $0x2800  }
0x38: {  	[sflag:s30] =	ssyncset.done $0x0  }
0x39: {  	s4 =	simm.s32 $0xF;
	[sflag:s30] =	ssyncadd.s32 $0xFFFFD800  }
0x3a: {  	_ =	swait.ge [sflag:s4], $0x2800  }
0x3b: {  	s26 =	sld [smem:$0x7FB];
	_ =	sdelay $0x2  }
0x3c: {  	s31 =	rddreg [dreg:$0x14];
	s26 =	sadd.s32 $0x1, s26  }
0x3d: {  	p0 =	sne.s32 s26, s31  }
.Ltmp1:
0x3e: {  	_ = 	snop;
	(pc) =	sbr.rel @!p0 .LBB2_7-.Ltmp1, $3  }
0x3f: {  	_ =	sdelay $0x1  }
0x40: {  	[sflag:s4] =	ssyncset.done $0x0  }
0x41: {  	[sflag:s4] =	ssyncadd.s32 $0xFFFFD800  }
.LBB2_1:
0x42: {  	[smem:$0x7FB] =	sst s26  }
0x43: {  	s31 =	sld [smem:$0x7FD]  }
0x44: {  	s0 =	rddreg [dreg:$0x0]  }
0x45: {  	s4 =	rddreg [dreg:$0x4];
	s30 =	simm.s32 $0x10  }
0x46: {  	[spmem:s31], [sflag:s4] =	dma.local [hbm:s0], $0x3C0  }
0x47: {  	_ =	swait.ge [sflag:s30], $0x3C0  }
0x48: {  	[sflag:s30] =	ssyncset.done $0x0  }
0x49: {  	[sflag:s30] =	ssyncadd.s32 $0xFFFFFC40  }
0x4a: {  	[bflag:$0x0] =	sbarrier.arrive $0xFFFF  }
0x4b: {  	s31 =	rddreg [dreg:$0x5]  }
0x4c: {  	s4 =	rddreg [dreg:$0x6]  }
0x4d: {  	[tilespmem:s3], [sflag:$0x1] =	stream.linear.gather [hbm4b:s31+s3], $0x50, $0x38;
	[tilespmem:$0xF600] =	vst v63  }
0x4e: {  	s26 =	simm.s32 $0x400;
	s30 =	rddreg [dreg:$0x7]  }
0x4f: {  	[tilespmem:s26], [sflag:$0x1] =	stream.linear.gather [hbm4b:s4+s3], $0x50, $0x38;
	[tilespmem:$0xF600] =	vst v63  }
0x50: {  	s28 =	rddreg [dreg:$0x15];
	s31 =	simm.s32 $0x800  }
0x51: {  	[tilespmem:s31], [sflag:$0x1] =	stream.linear.gather [hbm4b:s30+s3], $0x50, $0x38;
	[tilespmem:$0xF600] =	vst v63  }
0x52: {  	s4 =	rddreg [dreg:$0x8];
	s26 =	simm.s32 $0x80  }
0x53: {  	[tilespmem:s26], [sflag:$0x2] =	stream.linear.gather [hbm4b:s4+s3], $0x50, $0x38;
	[tilespmem:$0xF600] =	vst v63  }
0x54: {  	s30 =	rddreg [dreg:$0x9];
	s31 =	simm.s32 $0x480  }
0x55: {  	[tilespmem:s31], [sflag:$0x2] =	stream.linear.gather [hbm4b:s30+s3], $0x50, $0x38;
	[tilespmem:$0xF600] =	vst v63  }
0x56: {  	s4 =	rddreg [dreg:$0xa];
	s26 =	simm.s32 $0x880  }
0x57: {  	[tilespmem:s26], [sflag:$0x2] =	stream.linear.gather [hbm4b:s4+s3], $0x50, $0x38;
	[tilespmem:$0xF600] =	vst v63  }
0x58: {  	s30 =	rddreg [dreg:$0xb];
	s31 =	simm.s32 $0x100  }
0x59: {  	[tilespmem:s31], [sflag:$0x3] =	stream.linear.gather [hbm4b:s30+s3], $0x50, $0x38;
	[tilespmem:$0xF600] =	vst v63  }
0x5a: {  	s4 =	rddreg [dreg:$0xc];
	s26 =	simm.s32 $0x500  }
0x5b: {  	[tilespmem:s26], [sflag:$0x3] =	stream.linear.gather [hbm4b:s4+s3], $0x50, $0x38;
	[tilespmem:$0xF600] =	vst v63  }
0x5c: {  	s30 =	rddreg [dreg:$0xd];
	s31 =	simm.s32 $0x900  }
0x5d: {  	[tilespmem:s31], [sflag:$0x3] =	stream.linear.gather [hbm4b:s30+s3], $0x50, $0x38;
	[tilespmem:$0xF600] =	vst v63  }
0x5e: {  	s4 =	rddreg [dreg:$0xe];
	s26 =	simm.s32 $0x180  }
0x5f: {  	[tilespmem:s26], [sflag:$0x4] =	stream.linear.gather [hbm4b:s4+s3], $0x50, $0x38;
	[tilespmem:$0xF600] =	vst v63  }
0x60: {  	s30 =	rddreg [dreg:$0xf];
	s31 =	simm.s32 $0x580  }
0x61: {  	[tilespmem:s31], [sflag:$0x4] =	stream.linear.gather [hbm4b:s30+s3], $0x50, $0x38;
	[tilespmem:$0xF600] =	vst v63  }
0x62: {  	s4 =	rddreg [dreg:$0x10];
	s26 =	simm.s32 $0x980  }
0x63: {  	[tilespmem:s26], [sflag:$0x4] =	stream.linear.gather [hbm4b:s4+s3], $0x50, $0x38;
	[tilespmem:$0xF600] =	vst v63  }
0x64: {  	s30 =	rddreg [dreg:$0x11];
	s31 =	simm.s32 $0x200  }
0x65: {  	[tilespmem:s31], [sflag:$0x5] =	stream.linear.gather [hbm4b:s30+s3], $0x50, $0x38;
	[tilespmem:$0xF600] =	vst v63  }
.Ltmp2:
0x66: {  	s4 =	rddreg [dreg:$0x12];
	(pc) =	sbr.rel .LBB2_2-.Ltmp2, $4  }
0x67: {  	s26 =	simm.s32 $0x600;
	s30 =	rddreg [dreg:$0x13]  }
0x68: {  	[tilespmem:s26], [sflag:$0x5] =	stream.linear.gather [hbm4b:s4+s3], $0x50, $0x38;
	[tilespmem:$0xF600] =	vst v63  }
0x69: {  	s29 =	simm.s32 $0x0;
	s31 =	simm.s32 $0xA00;
	s26 =	sld [smem:$0x7FC]  }
0x6a: {  	[tilespmem:s31], [sflag:$0x5] =	stream.linear.gather [hbm4b:s30+s3], $0x50, $0x38;
	[tilespmem:$0xF600] =	vst v63  }
.LBB2_4:
0x6b: {  	_ =	swait.ge [sflag:s7], $0x2800  }
0x6c: {  	[sflag:s7] =	ssyncset.done $0x0  }
0x6d: {  	p1 =	por $0x0, $0x0;
	[sflag:s7] =	ssyncadd.s32 $0xFFFFD800  }
.LBB2_5:
0x6e: {  	s0 =	simm.s32 $0xC00  }
0x6f: {  	[tilespmem:s18], [sflag:$0x6] =	stream.indirect.gather [spmem:s2], $0x80, s0, s16, $0xb8;
	[tilespmem:$0xF600] =	vst v63  }
0x70: {  	_ =	swait.ge [sflag:s19], $0x50  }
0x71: {  	[sflag:s19] =	ssyncset.done $0x0  }
0x72: {  	[sflag:s19] =	ssyncadd.s32 $0xFFFFFFB0  }
0x73: {  	_ =	swait.ge [sflag:s19], $0x50  }
0x74: {  	[sflag:s19] =	ssyncset.done $0x0  }
0x75: {  	[sflag:s19] =	ssyncadd.s32 $0xFFFFFFB0  }
0x76: {  	_ =	swait.ge [sflag:s19], $0x50  }
0x77: {  	[sflag:s19] =	ssyncset.done $0x0  }
0x78: {  	[sflag:s19] =	ssyncadd.s32 $0xFFFFFFB0  }
0x79: {  	v1 =	vld [tilespmem:$0x80]  }
0x7a: {  	v2 =	vld [tilespmem:$0x480]  }
0x7b: {  	v3 =	vld [tilespmem:$0x880]  }
0x7c: {  	v4 =	vld [tilespmem:$0x90]  }
0x7d: {  	v5 =	vld [tilespmem:$0x490]  }
0x7e: {  	v7 =	vld [tilespmem:$0xA0]  }
0x7f: {  	v8 =	vld [tilespmem:$0x4A0]  }
0x80: {  	v10 =	vld [tilespmem:$0xB0]  }
0x81: {  	v11 =	vld [tilespmem:$0xC0];
	v1 =	vmul.u32 $0xC, v1  }
0x82: {  	v6 =	vld [tilespmem:$0x890]  }
0x83: {  	v9 =	vld [tilespmem:$0x8A0];
	v2 =	vshll.u32 v2, $0x1;
	v1 =	vadd.s32 v0, v1  }
0x84: {  	v1 =	vadd.s32 v2, v1;
	v2 =	vld [tilespmem:$0x4B0]  }
0x85: {  	v12 =	vld [tilespmem:$0x4C0];
	v4 =	vmul.u32 $0xC, v4;
	v7 =	vmul.u32 $0xC, v7;
	v62 =	vmul.u32 $0xC, v10  }
0x86: {  	v60 =	vld [tilespmem:$0x8B0];
	v5 =	vshll.u32 v5, $0x1;
	v61 =	vshll.u32 v8, $0x1;
	v13 =	vmul.u32 $0xC, v11  }
0x87: {  	v63 =	vld [tilespmem:$0x8C0];
	v4 =	vadd.s32 v0, v4;
	v7 =	vadd.s32 v0, v7;
	v14 =	vadd.s32 v0, v62  }
0x88: {  	v15 =	vadd.s32 v0, v13;
	v1 =	vadd.s32 v3, v1;
	v3 =	vadd.s32 v5, v4  }
0x89: {  	v5 =	vadd.s32 v61, v7;
	v3 =	vadd.s32 v6, v3;
	[tilespmem:$0xC80] =	vst v1;
	v2 =	vshll.u32 v2, $0x1  }
0x8a: {  	v1 =	vadd.s32 v9, v5;
	[tilespmem:$0xC90] =	vst v3;
	v3 =	vshll.u32 v12, $0x1;
	v2 =	vadd.s32 v2, v14  }
0x8b: {  	[tilespmem:$0xCA0] =	vst v1;
	v1 =	vadd.s32 v60, v2;
	v2 =	vadd.s32 v3, v15  }
0x8c: {  	[tilespmem:$0xCB0] =	vst v1;
	v1 =	vadd.s32 v63, v2  }
0x8d: {  	s4 =	simm.s32 @!p0 $0x80;
	s0 =	sadd.s32 @!p0 s29, s11;
	[tilespmem:$0xCC0] =	vst v1  }
0x8e: {  	[tilespmem:s4], [sflag:$0x2] =	stream.linear.gather @!p0 [hbm4b:s0+s30], $0x50, $0x38;
	[tilespmem:$0xF600] =	vst v63  }
0x8f: {  	s0 =	sadd.s32 @!p0 s29, s10;
	s4 =	simm.s32 @!p0 $0x480  }
0x90: {  	[tilespmem:s4], [sflag:$0x2] =	stream.linear.gather @!p0 [hbm4b:s0+s30], $0x50, $0x38;
	[tilespmem:$0xF600] =	vst v63  }
0x91: {  	s0 =	rddreg [dreg:$0x1f]  }
0x92: {  	s4 =	simm.s32 @!p0 $0x880;
	s0 =	sadd.s32 @!p0 s29, s0  }
0x93: {  	[tilespmem:s4], [sflag:$0x2] =	stream.linear.gather @!p0 [hbm4b:s0+s30], $0x50, $0x38;
	[tilespmem:$0xF600] =	vst v63  }
0x94: {  	s0 =	simm.s32 @!p1 $0xC  }
0x95: {  	_ =	swait.ge @!p1 [sflag:s0], $0x2800  }
0x96: {  	[sflag:s0] =	ssyncset.done @!p1 $0x0  }
0x97: {  	s4 =	simm.s32 $0xC80;
	[sflag:s0] =	ssyncadd.s32 @!p1 $0xFFFFD800  }
0x98: {  	[tilespmem:s21], [sflag:$0x7] =	stream.indirect.gather [spmem:s2], $0x80, s4, s16, $0xb8;
	[tilespmem:$0xF600] =	vst v63  }
0x99: {  	_ =	swait.ge [sflag:s22], $0x50  }
0x9a: {  	[sflag:s22] =	ssyncset.done $0x0  }
0x9b: {  	[sflag:s22] =	ssyncadd.s32 $0xFFFFFFB0  }
0x9c: {  	_ =	swait.ge [sflag:s22], $0x50  }
0x9d: {  	[sflag:s22] =	ssyncset.done $0x0  }
0x9e: {  	[sflag:s22] =	ssyncadd.s32 $0xFFFFFFB0  }
0x9f: {  	_ =	swait.ge [sflag:s22], $0x50  }
0xa0: {  	[sflag:s22] =	ssyncset.done $0x0  }
0xa1: {  	[sflag:s22] =	ssyncadd.s32 $0xFFFFFFB0  }
0xa2: {  	v1 =	vld [tilespmem:$0x100]  }
0xa3: {  	v2 =	vld [tilespmem:$0x500]  }
0xa4: {  	v3 =	vld [tilespmem:$0x900]  }
0xa5: {  	v16 =	vld [tilespmem:$0x110]  }
0xa6: {  	v17 =	vld [tilespmem:$0x510]  }
0xa7: {  	v19 =	vld [tilespmem:$0x120]  }
0xa8: {  	v20 =	vld [tilespmem:$0x520]  }
0xa9: {  	v22 =	vld [tilespmem:$0x130]  }
0xaa: {  	v23 =	vld [tilespmem:$0x140];
	v1 =	vmul.u32 $0xC, v1  }
0xab: {  	v18 =	vld [tilespmem:$0x910]  }
0xac: {  	v21 =	vld [tilespmem:$0x920];
	v2 =	vshll.u32 v2, $0x1;
	v1 =	vadd.s32 v0, v1  }
0xad: {  	v1 =	vadd.s32 v2, v1;
	v2 =	vld [tilespmem:$0x530]  }
0xae: {  	v24 =	vld [tilespmem:$0x540];
	v4 =	vmul.u32 $0xC, v16;
	v7 =	vmul.u32 $0xC, v19;
	v27 =	vmul.u32 $0xC, v22  }
0xaf: {  	v25 =	vld [tilespmem:$0x930];
	v5 =	vshll.u32 v17, $0x1;
	v26 =	vshll.u32 v20, $0x1;
	v29 =	vmul.u32 $0xC, v23  }
0xb0: {  	v28 =	vld [tilespmem:$0x940];
	v4 =	vadd.s32 v0, v4;
	v7 =	vadd.s32 v0, v7;
	v30 =	vadd.s32 v0, v27  }
0xb1: {  	v31 =	vadd.s32 v0, v29;
	v1 =	vadd.s32 v3, v1;
	v3 =	vadd.s32 v5, v4  }
0xb2: {  	v5 =	vadd.s32 v26, v7;
	v3 =	vadd.s32 v18, v3;
	[tilespmem:$0xD00] =	vst v1;
	v2 =	vshll.u32 v2, $0x1  }
0xb3: {  	v1 =	vadd.s32 v21, v5;
	[tilespmem:$0xD10] =	vst v3;
	v3 =	vshll.u32 v24, $0x1;
	v2 =	vadd.s32 v2, v30  }
0xb4: {  	[tilespmem:$0xD20] =	vst v1;
	v1 =	vadd.s32 v25, v2;
	v2 =	vadd.s32 v3, v31  }
0xb5: {  	s0 =	rddreg [dreg:$0x1e];
	[tilespmem:$0xD30] =	vst v1;
	v1 =	vadd.s32 v28, v2  }
0xb6: {  	s4 =	simm.s32 @!p0 $0x100;
	s0 =	sadd.s32 @!p0 s29, s0;
	[tilespmem:$0xD40] =	vst v1  }
0xb7: {  	[tilespmem:s4], [sflag:$0x3] =	stream.linear.gather @!p0 [hbm4b:s0+s30], $0x50, $0x38;
	[tilespmem:$0xF600] =	vst v63  }
0xb8: {  	s0 =	rddreg [dreg:$0x1d]  }
0xb9: {  	s4 =	simm.s32 @!p0 $0x500;
	s0 =	sadd.s32 @!p0 s29, s0  }
0xba: {  	[tilespmem:s4], [sflag:$0x3] =	stream.linear.gather @!p0 [hbm4b:s0+s30], $0x50, $0x38;
	[tilespmem:$0xF600] =	vst v63  }
0xbb: {  	s0 =	rddreg [dreg:$0x1c]  }
0xbc: {  	s4 =	simm.s32 @!p0 $0x900;
	s0 =	sadd.s32 @!p0 s29, s0  }
0xbd: {  	[tilespmem:s4], [sflag:$0x3] =	stream.linear.gather @!p0 [hbm4b:s0+s30], $0x50, $0x38;
	[tilespmem:$0xF600] =	vst v63  }
0xbe: {  	s0 =	simm.s32 @!p1 $0xD  }
0xbf: {  	_ =	swait.ge @!p1 [sflag:s0], $0x2800  }
0xc0: {  	[sflag:s0] =	ssyncset.done @!p1 $0x0  }
0xc1: {  	s31 =	simm.s32 $0xD00;
	[sflag:s0] =	ssyncadd.s32 @!p1 $0xFFFFD800  }
0xc2: {  	[tilespmem:s24], [sflag:$0x8] =	stream.indirect.gather [spmem:s2], $0x80, s31, s16, $0xb8;
	[tilespmem:$0xF600] =	vst v63  }
0xc3: {  	_ =	swait.ge [sflag:s25], $0x50  }
0xc4: {  	[sflag:s25] =	ssyncset.done $0x0  }
0xc5: {  	[sflag:s25] =	ssyncadd.s32 $0xFFFFFFB0  }
0xc6: {  	_ =	swait.ge [sflag:s25], $0x50  }
0xc7: {  	[sflag:s25] =	ssyncset.done $0x0  }
0xc8: {  	[sflag:s25] =	ssyncadd.s32 $0xFFFFFFB0  }
0xc9: {  	_ =	swait.ge [sflag:s25], $0x50  }
0xca: {  	[sflag:s25] =	ssyncset.done $0x0  }
0xcb: {  	[sflag:s25] =	ssyncadd.s32 $0xFFFFFFB0  }
0xcc: {  	v1 =	vld [tilespmem:$0x180]  }
0xcd: {  	v2 =	vld [tilespmem:$0x580]  }
0xce: {  	v3 =	vld [tilespmem:$0x980]  }
0xcf: {  	v32 =	vld [tilespmem:$0x190]  }
0xd0: {  	v33 =	vld [tilespmem:$0x590]  }
0xd1: {  	v35 =	vld [tilespmem:$0x1A0]  }
0xd2: {  	v36 =	vld [tilespmem:$0x5A0]  }
0xd3: {  	v38 =	vld [tilespmem:$0x1B0]  }
0xd4: {  	v39 =	vld [tilespmem:$0x1C0];
	v1 =	vmul.u32 $0xC, v1  }
0xd5: {  	v34 =	vld [tilespmem:$0x990]  }
0xd6: {  	v37 =	vld [tilespmem:$0x9A0];
	v2 =	vshll.u32 v2, $0x1;
	v1 =	vadd.s32 v0, v1  }
0xd7: {  	v1 =	vadd.s32 v2, v1;
	v2 =	vld [tilespmem:$0x5B0]  }
0xd8: {  	v40 =	vld [tilespmem:$0x5C0];
	v4 =	vmul.u32 $0xC, v32;
	v7 =	vmul.u32 $0xC, v35;
	v43 =	vmul.u32 $0xC, v38  }
0xd9: {  	v41 =	vld [tilespmem:$0x9B0];
	v5 =	vshll.u32 v33, $0x1;
	v42 =	vshll.u32 v36, $0x1;
	v45 =	vmul.u32 $0xC, v39  }
0xda: {  	v44 =	vld [tilespmem:$0x9C0];
	v4 =	vadd.s32 v0, v4;
	v7 =	vadd.s32 v0, v7;
	v46 =	vadd.s32 v0, v43  }
0xdb: {  	v47 =	vadd.s32 v0, v45;
	v1 =	vadd.s32 v3, v1;
	v3 =	vadd.s32 v5, v4  }
0xdc: {  	v5 =	vadd.s32 v42, v7;
	v3 =	vadd.s32 v34, v3;
	[tilespmem:$0xD80] =	vst v1;
	v2 =	vshll.u32 v2, $0x1  }
0xdd: {  	v1 =	vadd.s32 v37, v5;
	[tilespmem:$0xD90] =	vst v3;
	v3 =	vshll.u32 v40, $0x1;
	v2 =	vadd.s32 v2, v46  }
0xde: {  	[tilespmem:$0xDA0] =	vst v1;
	v1 =	vadd.s32 v41, v2;
	v2 =	vadd.s32 v3, v47  }
0xdf: {  	s0 =	rddreg [dreg:$0x1b];
	[tilespmem:$0xDB0] =	vst v1;
	v1 =	vadd.s32 v44, v2  }
0xe0: {  	s4 =	simm.s32 @!p0 $0x180;
	s0 =	sadd.s32 @!p0 s29, s0;
	[tilespmem:$0xDC0] =	vst v1  }
0xe1: {  	[tilespmem:s4], [sflag:$0x4] =	stream.linear.gather @!p0 [hbm4b:s0+s30], $0x50, $0x38;
	[tilespmem:$0xF600] =	vst v63  }
0xe2: {  	s0 =	rddreg [dreg:$0x1a]  }
0xe3: {  	s4 =	simm.s32 @!p0 $0x580;
	s0 =	sadd.s32 @!p0 s29, s0  }
0xe4: {  	[tilespmem:s4], [sflag:$0x4] =	stream.linear.gather @!p0 [hbm4b:s0+s30], $0x50, $0x38;
	[tilespmem:$0xF600] =	vst v63  }
0xe5: {  	s0 =	rddreg [dreg:$0x19]  }
0xe6: {  	s4 =	simm.s32 @!p0 $0x980;
	s0 =	sadd.s32 @!p0 s29, s0  }
0xe7: {  	[tilespmem:s4], [sflag:$0x4] =	stream.linear.gather @!p0 [hbm4b:s0+s30], $0x50, $0x38;
	[tilespmem:$0xF600] =	vst v63  }
0xe8: {  	s0 =	simm.s32 @!p1 $0xE  }
0xe9: {  	_ =	swait.ge @!p1 [sflag:s0], $0x2800  }
0xea: {  	[sflag:s0] =	ssyncset.done @!p1 $0x0  }
0xeb: {  	s4 =	simm.s32 $0xD80;
	[sflag:s0] =	ssyncadd.s32 @!p1 $0xFFFFD800  }
0xec: {  	[tilespmem:s12], [sflag:$0x9] =	stream.indirect.gather [spmem:s2], $0x80, s4, s16, $0xb8;
	[tilespmem:$0xF600] =	vst v63  }
0xed: {  	_ =	swait.ge [sflag:s14], $0x50  }
0xee: {  	[sflag:s14] =	ssyncset.done $0x0  }
0xef: {  	[sflag:s14] =	ssyncadd.s32 $0xFFFFFFB0  }
0xf0: {  	_ =	swait.ge [sflag:s14], $0x50  }
0xf1: {  	[sflag:s14] =	ssyncset.done $0x0  }
0xf2: {  	[sflag:s14] =	ssyncadd.s32 $0xFFFFFFB0  }
0xf3: {  	_ =	swait.ge [sflag:s14], $0x50  }
0xf4: {  	[sflag:s14] =	ssyncset.done $0x0  }
0xf5: {  	[sflag:s14] =	ssyncadd.s32 $0xFFFFFFB0  }
0xf6: {  	v1 =	vld [tilespmem:$0x200]  }
0xf7: {  	v2 =	vld [tilespmem:$0x600]  }
0xf8: {  	v3 =	vld [tilespmem:$0xA00]  }
0xf9: {  	v48 =	vld [tilespmem:$0x210]  }
0xfa: {  	v49 =	vld [tilespmem:$0x610]  }
0xfb: {  	v51 =	vld [tilespmem:$0x220]  }
0xfc: {  	v52 =	vld [tilespmem:$0x620]  }
0xfd: {  	v54 =	vld [tilespmem:$0x230]  }
0xfe: {  	v55 =	vld [tilespmem:$0x240];
	v1 =	vmul.u32 $0xC, v1  }
0xff: {  	v50 =	vld [tilespmem:$0xA10]  }
0x100: {  	v53 =	vld [tilespmem:$0xA20];
	v2 =	vshll.u32 v2, $0x1;
	v1 =	vadd.s32 v0, v1  }
0x101: {  	v1 =	vadd.s32 v2, v1;
	v2 =	vld [tilespmem:$0x630]  }
0x102: {  	v56 =	vld [tilespmem:$0x640];
	v4 =	vmul.u32 $0xC, v48;
	v7 =	vmul.u32 $0xC, v51;
	v59 =	vmul.u32 $0xC, v54  }
0x103: {  	v57 =	vld [tilespmem:$0xA30];
	v5 =	vshll.u32 v49, $0x1;
	v58 =	vshll.u32 v52, $0x1;
	v61 =	vmul.u32 $0xC, v55  }
0x104: {  	v60 =	vld [tilespmem:$0xA40];
	v4 =	vadd.s32 v0, v4;
	v7 =	vadd.s32 v0, v7;
	v62 =	vadd.s32 v0, v59  }
0x105: {  	v63 =	vadd.s32 v0, v61;
	v1 =	vadd.s32 v3, v1;
	v3 =	vadd.s32 v5, v4  }
0x106: {  	v5 =	vadd.s32 v58, v7;
	v3 =	vadd.s32 v50, v3;
	[tilespmem:$0xE00] =	vst v1;
	v2 =	vshll.u32 v2, $0x1  }
0x107: {  	v1 =	vadd.s32 v53, v5;
	[tilespmem:$0xE10] =	vst v3;
	v3 =	vshll.u32 v56, $0x1;
	v2 =	vadd.s32 v2, v62  }
0x108: {  	[tilespmem:$0xE20] =	vst v1;
	v1 =	vadd.s32 v57, v2;
	v2 =	vadd.s32 v3, v63  }
0x109: {  	s0 =	rddreg [dreg:$0x18];
	[tilespmem:$0xE30] =	vst v1;
	v1 =	vadd.s32 v60, v2  }
0x10a: {  	s4 =	simm.s32 @!p0 $0x200;
	s0 =	sadd.s32 @!p0 s29, s0;
	[tilespmem:$0xE40] =	vst v1  }
0x10b: {  	[tilespmem:s4], [sflag:$0x5] =	stream.linear.gather @!p0 [hbm4b:s0+s30], $0x50, $0x38;
	[tilespmem:$0xF600] =	vst v63  }
0x10c: {  	s0 =	rddreg [dreg:$0x17]  }
0x10d: {  	s4 =	simm.s32 @!p0 $0x600;
	s0 =	sadd.s32 @!p0 s29, s0  }
0x10e: {  	[tilespmem:s4], [sflag:$0x5] =	stream.linear.gather @!p0 [hbm4b:s0+s30], $0x50, $0x38;
	[tilespmem:$0xF600] =	vst v63  }
0x10f: {  	s0 =	rddreg [dreg:$0x16]  }
0x110: {  	s4 =	simm.s32 @!p0 $0xA00;
	s0 =	sadd.s32 @!p0 s29, s0  }
0x111: {  	[tilespmem:s4], [sflag:$0x5] =	stream.linear.gather @!p0 [hbm4b:s0+s30], $0x50, $0x38;
	[tilespmem:$0xF600] =	vst v63  }
0x112: {  	s0 =	simm.s32 @!p1 $0xF  }
0x113: {  	_ =	swait.ge @!p1 [sflag:s0], $0x2800  }
0x114: {  	[sflag:s0] =	ssyncset.done @!p1 $0x0  }
0x115: {  	s30 =	simm.s32 $0xE00;
	[sflag:s0] =	ssyncadd.s32 @!p1 $0xFFFFD800  }
0x116: {  	[tilespmem:s20], [sflag:$0xA] =	stream.indirect.gather [spmem:s2], $0x80, s30, s16, $0xb8;
	[tilespmem:$0xF600] =	vst v63  }
0x117: {  	_ =	swait.ge [sflag:s23], $0x2800  }
0x118: {  	[sflag:s23] =	ssyncset.done $0x0  }
0x119: {  	s31 =	sadd.s32 $0xFFFFEC00, s28;
	[sflag:s23] =	ssyncadd.s32 $0xFFFFD800  }
0x11a: {  	[hbm4b:s31+s3] =	stream.linear.scatter [tilespmem:s18], [sflag:$0xB], $0x2800, $0x38;
	[tilespmem:$0xF600] =	vst v63  }
0x11b: {  	_ =	swait.ge [sflag:s13], $0x2800  }
0x11c: {  	[sflag:s13] =	ssyncset.done $0x0  }
0x11d: {  	s4 =	sadd.s32 $0xFFFFF100, s28;
	[sflag:s13] =	ssyncadd.s32 $0xFFFFD800  }
0x11e: {  	[hbm4b:s4+s3] =	stream.linear.scatter [tilespmem:s21], [sflag:$0xC], $0x2800, $0x38;
	[tilespmem:$0xF600] =	vst v63  }
0x11f: {  	_ =	swait.ge [sflag:s17], $0x2800  }
0x120: {  	[sflag:s17] =	ssyncset.done $0x0  }
0x121: {  	s30 =	sadd.s32 $0xFFFFF600, s28;
	[sflag:s17] =	ssyncadd.s32 $0xFFFFD800  }
0x122: {  	[hbm4b:s30+s3] =	stream.linear.scatter [tilespmem:s24], [sflag:$0xD], $0x2800, $0x38;
	[tilespmem:$0xF600] =	vst v63  }
0x123: {  	_ =	swait.ge [sflag:s5], $0x2800  }
0x124: {  	s29 =	sadd.s32 $0x32, s29;
	[sflag:s5] =	ssyncset.done $0x0  }
0x125: {  	p0 =	sne.s32 s29, $0x4E2;
	s31 =	sadd.s32 $0xFFFFFB00, s28;
	[sflag:s5] =	ssyncadd.s32 $0xFFFFD800  }
0x126: {  	[hbm4b:s31+s3] =	stream.linear.scatter [tilespmem:s12], [sflag:$0xE], $0x2800, $0x38;
	[tilespmem:$0xF600] =	vst v63  }
.Ltmp3:
0x127: {  	_ =	swait.ge [sflag:s6], $0x2800;
	(pc) =	sbr.rel @!p0 .LBB2_6-.Ltmp3, $4  }
0x128: {  	[sflag:s6] =	ssyncset.done $0x0  }
0x129: {  	[sflag:s6] =	ssyncadd.s32 $0xFFFFD800  }
0x12a: {  	[hbm4b:s28+s3] =	stream.linear.scatter [tilespmem:s20], [sflag:$0xF], $0x2800, $0x38;
	[tilespmem:$0xF600] =	vst v63  }
0x12b: {  	s26 =	sadd.s32 $0x190, s26;
	s28 =	sadd.s32 $0x1900, s28  }
.LBB2_2:
0x12c: {  	_ =	swait.ge [sflag:s15], $0x50  }
0x12d: {  	[sflag:s15] =	ssyncset.done $0x0  }
0x12e: {  	[sflag:s15] =	ssyncadd.s32 $0xFFFFFFB0  }
0x12f: {  	_ =	swait.ge [sflag:s15], $0x50  }
0x130: {  	[sflag:s15] =	ssyncset.done $0x0  }
0x131: {  	[sflag:s15] =	ssyncadd.s32 $0xFFFFFFB0  }
0x132: {  	_ =	swait.ge [sflag:s15], $0x50  }
0x133: {  	[sflag:s15] =	ssyncset.done $0x0  }
0x134: {  	[sflag:s15] =	ssyncadd.s32 $0xFFFFFFB0  }
0x135: {  	v1 =	vld [tilespmem:$0x0]  }
0x136: {  	v2 =	vld [tilespmem:$0x400]  }
0x137: {  	v3 =	vld [tilespmem:$0x800]  }
0x138: {  	v4 =	vld [tilespmem:$0x10]  }
0x139: {  	v5 =	vld [tilespmem:$0x410]  }
0x13a: {  	v7 =	vld [tilespmem:$0x20]  }
0x13b: {  	v8 =	vld [tilespmem:$0x420]  }
0x13c: {  	v10 =	vld [tilespmem:$0x30]  }
0x13d: {  	v11 =	vld [tilespmem:$0x40];
	v1 =	vmul.u32 $0xC, v1  }
0x13e: {  	v6 =	vld [tilespmem:$0x810]  }
0x13f: {  	v9 =	vld [tilespmem:$0x820];
	v2 =	vshll.u32 v2, $0x1;
	v1 =	vadd.s32 v0, v1  }
0x140: {  	v1 =	vadd.s32 v2, v1;
	v2 =	vld [tilespmem:$0x430]  }
0x141: {  	v12 =	vld [tilespmem:$0x440];
	v4 =	vmul.u32 $0xC, v4;
	v7 =	vmul.u32 $0xC, v7;
	v59 =	vmul.u32 $0xC, v10  }
0x142: {  	v57 =	vld [tilespmem:$0x830];
	v5 =	vshll.u32 v5, $0x1;
	v58 =	vshll.u32 v8, $0x1;
	v61 =	vmul.u32 $0xC, v11  }
0x143: {  	v60 =	vld [tilespmem:$0x840];
	v4 =	vadd.s32 v0, v4;
	v7 =	vadd.s32 v0, v7;
	v62 =	vadd.s32 v0, v59  }
0x144: {  	v63 =	vadd.s32 v0, v61;
	v1 =	vadd.s32 v3, v1;
	v3 =	vadd.s32 v5, v4  }
0x145: {  	v5 =	vadd.s32 v58, v7;
	v3 =	vadd.s32 v6, v3;
	[tilespmem:$0xC00] =	vst v1;
	v2 =	vshll.u32 v2, $0x1  }
0x146: {  	v1 =	vadd.s32 v9, v5;
	[tilespmem:$0xC10] =	vst v3;
	v3 =	vshll.u32 v12, $0x1;
	v2 =	vadd.s32 v2, v62  }
0x147: {  	p0 =	seq.s32 s29, $0x4B0;
	[tilespmem:$0xC20] =	vst v1;
	v1 =	vadd.s32 v57, v2;
	v2 =	vadd.s32 v3, v63  }
0x148: {  	s31 =	sshrl.u32 @!p0 s26, $0x3;
	p1 =	seq.s32 @!p0 s29, $0x0;
	[tilespmem:$0xC30] =	vst v1;
	v1 =	vadd.s32 v60, v2  }
0x149: {  	s30 =	simm.s32 @!p0 $0x0;
	s0 =	sadd.s32 @!p0 s1, s31;
	p1 =	por p0, !p1;
	[tilespmem:$0xC40] =	vst v1  }
0x14a: {  	[tilespmem:s30], [sflag:$0x1] =	stream.linear.gather @!p0 [hbm4b:s0+s30], $0x50, $0x38;
	[tilespmem:$0xF600] =	vst v63  }
.Ltmp4:
0x14b: {  	_ = 	snop;
	(pc) =	sbr.rel @p1 .LBB2_4-.Ltmp4, $4  }
0x14c: {  	s4 =	simm.s32 @!p0 $0x400;
	s0 =	sadd.s32 @!p0 s8, s31  }
0x14d: {  	[tilespmem:s4], [sflag:$0x1] =	stream.linear.gather @!p0 [hbm4b:s0+s30], $0x50, $0x38;
	[tilespmem:$0xF600] =	vst v63  }
0x14e: {  	s0 =	sadd.s32 @!p0 s9, s31;
	s4 =	simm.s32 @!p0 $0x800  }
0x14f: {  	[tilespmem:s4], [sflag:$0x1] =	stream.linear.gather @!p0 [hbm4b:s0+s30], $0x50, $0x38;
	[tilespmem:$0xF600] =	vst v63  }
.Ltmp5:
0x150: {  	(pc) =	sbr.rel .LBB2_5-.Ltmp5, $2  }
0x151: {  	_ =	sdelay $0x2  }
0x152: {  	p1 =	por @!p0 $0x1, $0x1  }
.LBB2_7:
0x153: {  	_ =	sfence.sel $0x180000  }
0x154: {  	[bflag:$0x0] =	sbarrier.arrive $0xFFFF  }
0x155: {  	_ =	strace $0x90000047  }
0x156: {  	s0 =	stileid.u32;
	[bflag:$0x2] =	sbarrier.arrive $0xFFFF  }
0x157: {  	p0 =	sne.s32 s0, $0x0;
	s0 =	rddreg [dreg:$0x3]  }
0x158: {  	s0 =	sadd.s32 @!p0 $0x100000, s0  }
0x159: {  	[sflag:s0] =	ssyncadd.tile.s32 @!p0 $0x1;
	_ =	shalt  }
.Lfunc_end2:
_tile_overlayer_lowered:
.L_overlay_start_2:
0x15a: {  	(tag) =	ssettag $0x2  }
0x15b: {  	s0 =	rddreg [dreg:$0x0];
	s2 =	stileid.u32  }
0x15c: {  	s1 =	rddreg [dreg:$0x1];
	p0 =	sne.s32 s2, $0x0  }
0x15d: {  	s3 =	rddreg [dreg:$0x2];
	[bflag:$0x3] =	sbarrier.arrive $0xFFFF;
	s2 =	simm.s32 @!p0 $0x1C11  }
0x15e: {  	[timem:s3], [sflag:s2] =	dma.local @!p0 [hbm:s0], s1  }
0x15f: {  	s0 =	simm.s32 @!p0 $0x11  }
0x160: {  	_ =	swait.ge @!p0 [sflag:s0], s1  }
0x161: {  	s1 =	ssub.s32 @!p0 $0x0, s1;
	[sflag:s0] =	ssyncset.done @!p0 $0x0  }
0x162: {  	[sflag:s0] =	ssyncadd.s32 @!p0 s1  }
0x163: {  	[bflag:$0x3] =	sbarrier.arrive $0xFFFF  }
0x164: {  	_ =	shalt  }

</sc_bundles>
